<compile_context>
chip_gen: v7x
topology: tpu7x:2x2x1
jax: 0.10.2.dev20260603
libtpu: 0.0.44.dev20260713+nightly
codegen_flags: <defaults>
</compile_context>

<pallas_src>
import jax
import jax.numpy as jnp
from jax import lax
from jax.experimental import pallas as pl
from jax.experimental.pallas import tpu as pltpu
from jax.experimental.pallas import tpu_sc as plsc

_N_NODES = 10000
_N_EDGES = 320000
_D = 128
_N_GRAPHS = 64
_OUT_DIM = 16

_NC, _NS = 2, 16
_NW = _NC * _NS
_N_PAD = 10240
_ROWS_W = _N_PAD // _NW
_IDW = _ROWS_W // 64
_FEATS_W = _D // _NW
_FLAT_W = _FEATS_W * _N_PAD
_ECHUNK = 6400
_NCHUNK = _N_EDGES // _ECHUNK
_GROUPS = _ECHUNK // 16
_CB = 512
_NBLK = _N_PAD // _CB

_mesh = plsc.VectorSubcoreMesh(core_axis_name="c", subcore_axis_name="s",
                               num_cores=_NC, num_subcores=_NS)
_sc_params = pltpu.CompilerParams(needs_layout_passes=False,
                                  disable_bounds_checks=True)


def _wid():
    return lax.axis_index("s") * _NC + lax.axis_index("c")


def _sc_gather_body(wv_hbm, ids_hbm, pemb_hbm, posn_hbm, h_out, pe_out,
                    idx_h, idx_p, rows_h, rows_p, sem0, sem1):
    w = _wid()
    base = pl.multiple_of(w * _ROWS_W, _ROWS_W)
    pltpu.sync_copy(ids_hbm.at[pl.ds(base, _ROWS_W)], idx_h)
    pltpu.sync_copy(posn_hbm.at[pl.ds(base, _ROWS_W)], idx_p)
    for j in range(_IDW):
        pltpu.async_copy(wv_hbm.at[idx_h.at[pl.ds(j * 64, 64)]],
                         rows_h.at[pl.ds(j * 64, 64)], sem0)
    for j in range(_IDW):
        pltpu.async_copy(pemb_hbm.at[idx_p.at[pl.ds(j * 64, 64)]],
                         rows_p.at[pl.ds(j * 64, 64)], sem1)
    for j in range(_IDW):
        pltpu.make_async_copy(wv_hbm.at[idx_h.at[pl.ds(j * 64, 64)]],
                              rows_h.at[pl.ds(j * 64, 64)], sem0).wait()
    pltpu.sync_copy(rows_h, h_out.at[pl.ds(base, _ROWS_W)])
    for j in range(_IDW):
        pltpu.make_async_copy(pemb_hbm.at[idx_p.at[pl.ds(j * 64, 64)]],
                              rows_p.at[pl.ds(j * 64, 64)], sem1).wait()
    pltpu.sync_copy(rows_p, pe_out.at[pl.ds(base, _ROWS_W)])


def _sc_gather(word_vectors, ids2d, pos_emb, posn2d):
    f = pl.kernel(
        _sc_gather_body,
        out_type=[jax.ShapeDtypeStruct((_N_PAD, _D), jnp.float32),
                  jax.ShapeDtypeStruct((_N_PAD, _D), jnp.float32)],
        mesh=_mesh,
        scratch_types=[pltpu.VMEM((_ROWS_W,), jnp.int32),
                       pltpu.VMEM((_ROWS_W,), jnp.int32),
                       pltpu.VMEM((_ROWS_W, _D), jnp.float32),
                       pltpu.VMEM((_ROWS_W, _D), jnp.float32),
                       pltpu.SemaphoreType.DMA,
                       pltpu.SemaphoreType.DMA],
        compiler_params=_sc_params,
    )
    return f(word_vectors, ids2d, pos_emb, posn2d)


def _sc_edge_body(hin_hbm, pk_hbm, w_hbm, agg_out, h0, h1,
                  a0, a1, a2, a3, pk0, pk1, w0, w1, sem0, sem1):
    w = _wid()
    hins = [h0, h1]
    aggs = [a0, a1, a2, a3]
    for k in range(2):
        off = pl.multiple_of((w * 2 + k) * _N_PAD, _N_PAD)
        pltpu.sync_copy(hin_hbm.at[pl.ds(off, _N_PAD)], hins[k])

    zeros16 = jnp.zeros((16,), jnp.float32)

    @plsc.parallel_loop(0, _N_PAD, 16, unroll=8)
    def _(i):
        for f in range(_FEATS_W):
            aggs[f][pl.ds(i, 16)] = zeros16

    pks = [pk0, pk1]
    ws = [w0, w1]
    sems = [sem0, sem1]

    def start(ci, b):
        off = pl.multiple_of(ci * _ECHUNK, _ECHUNK)
        pltpu.async_copy(pk_hbm.at[pl.ds(off, _ECHUNK)], pks[b], sems[b])
        pltpu.async_copy(w_hbm.at[pl.ds(off, _ECHUNK)], ws[b], sems[b])

    def wait(ci, b):
        off = pl.multiple_of(ci * _ECHUNK, _ECHUNK)
        pltpu.make_async_copy(pk_hbm.at[pl.ds(off, _ECHUNK)], pks[b],
                              sems[b]).wait()
        pltpu.make_async_copy(w_hbm.at[pl.ds(off, _ECHUNK)], ws[b],
                              sems[b]).wait()

    def process(b):
        @plsc.parallel_loop(0, _ECHUNK, 16, unroll=8)
        def _(off):
            p = pks[b][pl.ds(off, 16)]
            ew = ws[b][pl.ds(off, 16)]
            col = jnp.bitwise_and(p, 16383)
            row = jnp.right_shift(p, 14)
            for k in range(2):
                g = plsc.load_gather(hins[k], [col])
                gb = plsc.bitcast(g, jnp.bfloat16)
                lo, hi = plsc.unpack(gb, format=plsc.PackFormat.INTERLEAVED)
                plsc.addupdate_scatter(aggs[k], [row], lo * ew)
                plsc.addupdate_scatter(aggs[2 + k], [row], hi * ew)

    start(0, 0)

    def pair_body(cp, carry):
        for b in range(2):
            ci = cp * 2 + b
            wait(ci, b)

            @pl.when(ci + 1 < _NCHUNK)
            def _():
                start(ci + 1, 1 - b)

            process(b)
        return carry

    lax.fori_loop(0, _NCHUNK // 2, pair_body, 0)
    for k in range(2):
        olo = pl.multiple_of((w * 2 + k) * _N_PAD, _N_PAD)
        ohi = pl.multiple_of((w * 2 + 64 + k) * _N_PAD, _N_PAD)
        pltpu.sync_copy(aggs[k], agg_out.at[pl.ds(olo, _N_PAD)])
        pltpu.sync_copy(aggs[2 + k], agg_out.at[pl.ds(ohi, _N_PAD)])


def _sc_edge(hinp_flat, packed, ew):
    f = pl.kernel(
        _sc_edge_body,
        out_type=jax.ShapeDtypeStruct((_D * _N_PAD,), jnp.float32),
        mesh=_mesh,
        scratch_types=[pltpu.VMEM((_N_PAD,), jnp.int32)] * 2
        + [pltpu.VMEM((_N_PAD,), jnp.float32)] * 4
        + [pltpu.VMEM((_ECHUNK,), jnp.int32),
           pltpu.VMEM((_ECHUNK,), jnp.int32),
           pltpu.VMEM((_ECHUNK,), jnp.float32),
           pltpu.VMEM((_ECHUNK,), jnp.float32),
           pltpu.SemaphoreType.DMA,
           pltpu.SemaphoreType.DMA],
        compiler_params=_sc_params,
    )
    return f(hinp_flat, packed, ew)


def _pack_rows(hin):
    lo = lax.bitcast_convert_type(
        hin[:_D // 2].astype(jnp.bfloat16), jnp.uint16).astype(jnp.uint32)
    hi = lax.bitcast_convert_type(
        hin[_D // 2:].astype(jnp.bfloat16), jnp.uint16).astype(jnp.uint32)
    return lax.bitcast_convert_type(
        jnp.bitwise_or(jnp.left_shift(hi, 16), lo), jnp.int32)


def _tc0_body(pos_ref, h_ref, pe_ref, h0t_ref, hinp0_ref, pet_ref):
    ht = h_ref[...].T
    pet = pe_ref[...].T
    pet_ref[...] = pet
    h0t_ref[...] = ht + pet
    hinp0_ref[...] = _pack_rows(ht + pos_ref[0] * pet)


def _tc0(pos, h, pe):
    return pl.pallas_call(
        _tc0_body,
        grid=(_NBLK,),
        in_specs=[pl.BlockSpec(memory_space=pltpu.SMEM),
                  pl.BlockSpec((_CB, _D), lambda i: (i, 0)),
                  pl.BlockSpec((_CB, _D), lambda i: (i, 0))],
        out_specs=[pl.BlockSpec((_D, _CB), lambda i: (0, i)),
                   pl.BlockSpec((_D // 2, _CB), lambda i: (0, i)),
                   pl.BlockSpec((_D, _CB), lambda i: (0, i))],
        out_shape=[jax.ShapeDtypeStruct((_D, _N_PAD), jnp.float32),
                   jax.ShapeDtypeStruct((_D // 2, _N_PAD), jnp.int32),
                   jax.ShapeDtypeStruct((_D, _N_PAD), jnp.float32)],
    )(pos, h, pe)


def _mlp(agg, w1t_ref, b1_ref, w2t_ref, b2_ref, scale_ref, beta_ref):
    x = jnp.dot(w1t_ref[...], agg, preferred_element_type=jnp.float32)
    x = jnp.maximum(x + b1_ref[...], 0.0)
    x = jnp.dot(w2t_ref[...], x, preferred_element_type=jnp.float32)
    x = (x + b2_ref[...]) * scale_ref[...] + beta_ref[...]
    return jnp.where(x >= 0.0, x, 0.01 * x)


def _tc1_body(pos_ref, agg_ref, pe_ref, w1t_ref, b1_ref, w2t_ref, b2_ref,
              scale_ref, beta_ref, h1t_ref, hinp1_ref):
    h = _mlp(agg_ref[...], w1t_ref, b1_ref, w2t_ref, b2_ref, scale_ref,
             beta_ref)
    h1t_ref[...] = h
    hinp1_ref[...] = _pack_rows(h + pos_ref[0] * pe_ref[...])


def _tc1(pos1, aggt, pet, w1t, b1, w2t, b2, scale, beta):
    wspec = pl.BlockSpec((_D, _D), lambda i: (0, 0))
    bspec = pl.BlockSpec((_D, 1), lambda i: (0, 0))
    return pl.pallas_call(
        _tc1_body,
        grid=(_NBLK,),
        in_specs=[pl.BlockSpec(memory_space=pltpu.SMEM),
                  pl.BlockSpec((_D, _CB), lambda i: (0, i)),
                  pl.BlockSpec((_D, _CB), lambda i: (0, i)),
                  wspec, bspec, wspec, bspec, bspec, bspec],
        out_specs=[pl.BlockSpec((_D, _CB), lambda i: (0, i)),
                   pl.BlockSpec((_D // 2, _CB), lambda i: (0, i))],
        out_shape=[jax.ShapeDtypeStruct((_D, _N_PAD), jnp.float32),
                   jax.ShapeDtypeStruct((_D // 2, _N_PAD), jnp.int32)],
    )(pos1, aggt, pet, w1t, b1, w2t, b2, scale, beta)


def _tc2_body(attgp_ref, attb_ref, agg_ref, h0_ref, h1_ref, gid_ref,
              w1t_ref, b1_ref, w2t_ref, b2_ref, scale_ref, beta_ref,
              attw_ref, p0, p1, p2, r0, r1, r2):
    i = pl.program_id(0)
    pouts = [p0, p1, p2]
    routs = [r0, r1, r2]

    @pl.when(i == 0)
    def _():
        for l in range(3):
            pouts[l][...] = jnp.zeros((_D, _N_GRAPHS), jnp.float32)
            routs[l][...] = jnp.zeros((1, _N_GRAPHS), jnp.float32)

    h2 = _mlp(agg_ref[...], w1t_ref, b1_ref, w2t_ref, b2_ref, scale_ref,
              beta_ref)
    hs = [h0_ref[...], h1_ref[...], h2]
    gid = gid_ref[...]
    giota = lax.broadcasted_iota(jnp.int32, (_CB, _N_GRAPHS), 1)
    niota = lax.broadcasted_iota(jnp.int32, (_CB, 1), 0) + i * _CB
    onehot = jnp.where((gid == giota) & (niota < _N_NODES), 1.0, 0.0)
    e = jnp.ones((1, _CB), jnp.float32)
    for l in range(3):
        hl = hs[l]
        logits = (jnp.sum(hl * attw_ref[:, l:l + 1], axis=0, keepdims=True)
                  + e * attgp_ref[l] + attb_ref[l])
        lk = jnp.where(logits >= 0.0, logits, 0.01 * logits)
        e = jnp.exp(lk * (-1.0 / 20.0))
        pouts[l][...] += jnp.dot(hl * e, onehot,
                                 preferred_element_type=jnp.float32)
        routs[l][...] += jnp.dot(e, onehot,
                                 preferred_element_type=jnp.float32)


def _tc2(attgp, attb, aggt, h0t, h1t, gid2d, w1t, b1, w2t, b2, scale, beta,
         attw):
    wspec = pl.BlockSpec((_D, _D), lambda i: (0, 0))
    bspec = pl.BlockSpec((_D, 1), lambda i: (0, 0))
    cspec = pl.BlockSpec((_D, _CB), lambda i: (0, i))
    return pl.pallas_call(
        _tc2_body,
        grid=(_NBLK,),
        in_specs=[pl.BlockSpec(memory_space=pltpu.SMEM),
                  pl.BlockSpec(memory_space=pltpu.SMEM),
                  cspec, cspec, cspec,
                  pl.BlockSpec((_CB, 1), lambda i: (i, 0)),
                  wspec, bspec, wspec, bspec, bspec, bspec,
                  pl.BlockSpec((_D, 3), lambda i: (0, 0))],
        out_specs=[pl.BlockSpec((_D, _N_GRAPHS), lambda i: (0, 0))] * 3
        + [pl.BlockSpec((1, _N_GRAPHS), lambda i: (0, 0))] * 3,
        out_shape=[jax.ShapeDtypeStruct((_D, _N_GRAPHS), jnp.float32)] * 3
        + [jax.ShapeDtypeStruct((1, _N_GRAPHS), jnp.float32)] * 3,
    )(attgp, attb, aggt, h0t, h1t, gid2d, w1t, b1, w2t, b2, scale, beta, attw)


def _tcf_body(p0, p1, p2, r0, r1, r2, predwt_ref, predb_ref, score_ref):
    acc = jnp.broadcast_to(predb_ref[...], (_OUT_DIM, _N_GRAPHS))
    ps = [p0, p1, p2]
    rs = [r0, r1, r2]
    for l in range(3):
        pooled = ps[l][...] / rs[l][...]
        acc = acc + jnp.dot(predwt_ref[l], pooled,
                            preferred_element_type=jnp.float32)
    score_ref[...] = acc.T


def _tcf(p0, p1, p2, r0, r1, r2, predwt, predb_sum):
    return pl.pallas_call(
        _tcf_body,
        out_shape=jax.ShapeDtypeStruct((_N_GRAPHS, _OUT_DIM), jnp.float32),
    )(p0, p1, p2, r0, r1, r2, predwt, predb_sum)


def kernel(word_vectors, node_ids, positions, edge_index, edge_weight,
           graph_ids, pos, W_mlp, b_mlp, bn_gamma, bn_beta, att_w, att_b,
           pred_w, pred_b, pos_emb):
    f32 = jnp.float32
    npad = _N_PAD - _N_NODES
    ids1d = jnp.concatenate(
        [node_ids.astype(jnp.int32), jnp.zeros((npad,), jnp.int32)])
    posn1d = jnp.concatenate(
        [positions.astype(jnp.int32), jnp.zeros((npad,), jnp.int32)])
    packed = jnp.bitwise_or(
        jnp.left_shift(edge_index[0].astype(jnp.int32), 14),
        edge_index[1].astype(jnp.int32))
    gid2d = jnp.concatenate(
        [graph_ids.astype(jnp.int32),
         jnp.full((npad,), _N_GRAPHS - 1, jnp.int32)]
    ).reshape(_N_PAD, 1)

    inv = 1.0 / jnp.sqrt(jnp.asarray(1.0 + 1e-5, f32))
    w1t = [W_mlp[l, 0].T for l in range(2)]
    w2t = [W_mlp[l, 1].T for l in range(2)]
    b1 = [b_mlp[l, 0][:, None] for l in range(2)]
    b2 = [b_mlp[l, 1][:, None] for l in range(2)]
    scale = [(bn_gamma[l] * inv)[:, None] for l in range(2)]
    beta = [bn_beta[l][:, None] for l in range(2)]
    attw = att_w[:, :_D, 0].T
    attgp = att_w[:, _D, 0]
    attb = att_b[:, 0]
    predwt = jnp.transpose(pred_w, (0, 2, 1))
    predb_sum = jnp.sum(pred_b, axis=0)[:, None]

    h, pe = _sc_gather(word_vectors, ids1d, pos_emb, posn1d)
    h0t, hinp0, pet = _tc0(pos, h, pe)
    agg0t = _sc_edge(hinp0.reshape(-1), packed, edge_weight).reshape(_D, _N_PAD)
    h1t, hinp1 = _tc1(pos[1:2], agg0t, pet, w1t[0], b1[0], w2t[0], b2[0],
                      scale[0], beta[0])
    agg1t = _sc_edge(hinp1.reshape(-1), packed, edge_weight).reshape(_D, _N_PAD)
    p0, p1, p2, r0, r1, r2 = _tc2(attgp, attb, agg1t, h0t, h1t, gid2d,
                                  w1t[1], b1[1], w2t[1], b2[1], scale[1],
                                  beta[1], attw)
    return _tcf(p0, p1, p2, r0, r1, r2, predwt, predb_sum)

# --- scband reference (transcript-rebuilt; emitter-appended) ---
"""Pipeline reference for scband-gnn-30288109371597 (READ-ONLY COPY).

The authoritative reference and input builder live on the scoring server;
editing this copy changes nothing except your own understanding.
"""

import jax, jax.numpy as jnp
import numpy as np

N_NODES = 10000
N_EDGES = 320000
D = 128
N_GRAPHS = 64
VOCAB = 20000
MAX_WORDS = 512
NUM_LAYERS = 3
NUM_MLP = 2
OUT_DIM = 16


def _leaky(x):
    return jnp.where(x >= 0, x, 0.01 * x)


def _pos_embeddings(max_words, num_heads, hidden_dim):
    dim = num_heads * hidden_dim
    pe = np.zeros((max_words, dim))
    with np.errstate(over='ignore'):
        for position in range(max_words):
            for i in range(0, dim, 2):
                pe[position, i] = np.sin(position / np.power(10000.0, 2.0 * i / num_heads * hidden_dim))
                pe[position, i + 1] = np.cos(position / np.power(10000.0, 2.0 * (i + 1) / hidden_dim))
    pe = np.nan_to_num(pe, nan=0.0, posinf=0.0, neginf=0.0)
    return jnp.asarray(pe, dtype=jnp.float32)


def setup_inputs(seed: int = 0) -> dict:
    key = jax.random.key(seed)
    ks = jax.random.split(key, 12)
    word_vectors = jax.random.normal(ks[0], (VOCAB, D), dtype=jnp.float32)
    node_ids = jax.random.randint(ks[1], (N_NODES,), 0, VOCAB)
    positions = jax.random.randint(ks[2], (N_NODES,), 0, MAX_WORDS)
    edge_index = jax.random.randint(ks[3], (2, N_EDGES), 0, N_NODES)
    edge_weight = jax.random.uniform(ks[4], (N_EDGES,), dtype=jnp.float32)
    graph_ids = jnp.sort(jax.random.randint(ks[5], (N_NODES,), 0, N_GRAPHS))
    pos = jax.random.uniform(ks[6], (NUM_LAYERS,), dtype=jnp.float32)
    W_mlp = jax.random.normal(ks[7], (NUM_LAYERS - 1, NUM_MLP, D, D), dtype=jnp.float32) * 0.05
    b_mlp = jnp.zeros((NUM_LAYERS - 1, NUM_MLP, D), dtype=jnp.float32)
    bn_gamma = jnp.ones((NUM_LAYERS - 1, D), dtype=jnp.float32)
    bn_beta = jnp.zeros((NUM_LAYERS - 1, D), dtype=jnp.float32)
    att_w = jax.random.normal(ks[8], (NUM_LAYERS, D + 1, 1), dtype=jnp.float32) * 0.05
    att_b = jnp.zeros((NUM_LAYERS, 1), dtype=jnp.float32)
    pred_w = jax.random.normal(ks[9], (NUM_LAYERS, D, OUT_DIM), dtype=jnp.float32) * 0.05
    pred_b = jnp.zeros((NUM_LAYERS, OUT_DIM), dtype=jnp.float32)
    pos_emb = _pos_embeddings(MAX_WORDS, 1, D)
    return {'word_vectors': word_vectors, 'node_ids': node_ids, 'positions': positions,
            'edge_index': edge_index, 'edge_weight': edge_weight, 'graph_ids': graph_ids,
            'pos': pos, 'W_mlp': W_mlp, 'b_mlp': b_mlp, 'bn_gamma': bn_gamma, 'bn_beta': bn_beta,
            'att_w': att_w, 'att_b': att_b, 'pred_w': pred_w, 'pred_b': pred_b, 'pos_emb': pos_emb}


def reference(word_vectors, node_ids, positions, edge_index, edge_weight, graph_ids,
              pos, W_mlp, b_mlp, bn_gamma, bn_beta, att_w, att_b, pred_w, pred_b, pos_emb):
    # positional encoding: one position per node -> mean over singleton = row lookup
    pe = jnp.take(pos_emb, positions, axis=0)
    # h = word_vectors[node_ids] (embedding gather)
    h = jnp.take(word_vectors, node_ids, axis=0)
    hidden_rep = [h + pe]  # dropout in eval mode = identity
    row = edge_index[0]
    col = edge_index[1]
    for layer in range(NUM_LAYERS - 1):
        hin = h + pos[layer] * pe
        # SpecialSpmm: A[row, col] = edge_weight; agg = A @ hin (gather + scatter-add)
        msg = edge_weight[:, None] * jnp.take(hin, col, axis=0)
        agg = jax.ops.segment_sum(msg, row, num_segments=N_NODES)
        x = agg
        for m in range(NUM_MLP):
            x = x @ W_mlp[layer, m] + b_mlp[layer, m]
            if m < NUM_MLP - 1:
                x = jax.nn.relu(x)
        # BatchNorm1d eval mode: running_mean=0, running_var=1
        x = x / jnp.sqrt(1.0 + 1e-5) * bn_gamma[layer] + bn_beta[layer]
        h = _leaky(x)
        hidden_rep.append(h)
    elem_gp = jnp.ones((N_NODES,), dtype=jnp.float32)  # graph_pooling_type='sum'
    score = jnp.zeros((N_GRAPHS, OUT_DIM), dtype=jnp.float32)
    for layer in range(NUM_LAYERS):
        hl = hidden_rep[layer]
        tmp = jnp.concatenate([hl, elem_gp[:, None]], axis=1)
        logits = tmp @ att_w[layer] + att_b[layer]
        elem_gp = jnp.exp(-_leaky(logits) / 20.0)[:, 0]
        row_sum = jax.ops.segment_sum(elem_gp, graph_ids, num_segments=N_GRAPHS)[:, None]
        pooled = jax.ops.segment_sum(elem_gp[:, None] * hl, graph_ids, num_segments=N_GRAPHS)
        pooled = pooled / row_sum
        score = score + pooled @ pred_w[layer] + pred_b[layer]
    return score

if __name__ == "__main__":
    import jax
    _d = setup_inputs()
    print(jax.jit(kernel)(*tuple(_d.values())))

</pallas_src>

<mosaic_0001>
#map = affine_map<(d0, d1) -> (0, 0)>
#map1 = affine_map<(d0, d1) -> (0)>
module attributes {stable_mosaic.version = 14 : i64} {
  func.func @_sc_gather_body(%arg0: i32, %arg1: i32, %arg2: memref<20000x128xf32, #tpu.memory_space<hbm>>, %arg3: memref<10240xi32, #tpu.memory_space<hbm>>, %arg4: memref<512x128xf32, #tpu.memory_space<hbm>>, %arg5: memref<10240xi32, #tpu.memory_space<hbm>>, %arg6: memref<10240x128xf32, #tpu.memory_space<hbm>>, %arg7: memref<10240x128xf32, #tpu.memory_space<hbm>>, %arg8: memref<320xi32, #tpu.memory_space<vmem>>, %arg9: memref<320xi32, #tpu.memory_space<vmem>>, %arg10: memref<320x128xf32, #tpu.memory_space<vmem>>, %arg11: memref<320x128xf32, #tpu.memory_space<vmem>>, %arg12: memref<!tpu.dma_semaphore, #tpu.memory_space<semaphore_mem>>, %arg13: memref<!tpu.dma_semaphore, #tpu.memory_space<semaphore_mem>>) attributes {dimension_semantics = [#tpu.dimension_semantics<core_parallel>, #tpu.dimension_semantics<subcore_parallel>], iteration_bounds = array<i64: 2, 16>, scalar_prefetch = 0 : i64, scratch_operands = 6 : i64, tpu.core_type = #tpu.core_type<sc_vector_subcore>, window_params = [{transform_indices = #map}, {transform_indices = #map1}, {transform_indices = #map}, {transform_indices = #map1}, {transform_indices = #map}, {transform_indices = #map}]} {
    %mul3A = arith.constant 2 : i32
    %mul3A_0 = arith.muli %arg1, %mul3A : i32
    %add3A = arith.addi %mul3A_0, %arg0 : i32
    %mul3A_1 = arith.constant 320 : i32
    %mul3A_2 = arith.muli %add3A, %mul3A_1 : i32
    %multiple_of3A = tpu.assume_multiple %mul3A_2, 320 : i32
    "tpu.region"() ({
      %run_scoped3A = tpu.sem_alloc : memref<!tpu.dma_semaphore, #tpu.memory_space<semaphore_mem>>
      %dma_start3A_161 = tpu.memref_slice %arg3[%multiple_of3A] : memref<10240xi32, #tpu.memory_space<hbm>> -> memref<320xi32, #tpu.memory_space<hbm>>
      %dma_start3A_162 = tpu.memref_slice %arg3[%multiple_of3A] : memref<10240xi32, #tpu.memory_space<hbm>> -> memref<320xi32, #tpu.memory_space<hbm>>
      tpu.enqueue_dma source(%dma_start3A_162 : memref<320xi32, #tpu.memory_space<hbm>>) target(%arg8 : memref<320xi32, #tpu.memory_space<vmem>>) target_semaphore(%run_scoped3A : memref<!tpu.dma_semaphore, #tpu.memory_space<semaphore_mem>>)
      %dma_wait3A_163 = tpu.memref_slice %arg3[%multiple_of3A] : memref<10240xi32, #tpu.memory_space<hbm>> -> memref<320xi32, #tpu.memory_space<hbm>>
      %dma_wait3A_164 = tpu.memref_slice %arg3[%multiple_of3A] : memref<10240xi32, #tpu.memory_space<hbm>> -> memref<320xi32, #tpu.memory_space<hbm>>
      tpu.wait_dma2 semaphore(%run_scoped3A : memref<!tpu.dma_semaphore, #tpu.memory_space<semaphore_mem>>) src(%dma_wait3A_164 : memref<320xi32, #tpu.memory_space<hbm>>) dst(%arg8 : memref<320xi32, #tpu.memory_space<vmem>>)
      tpu.yield
    }) : () -> ()
    "tpu.region"() ({
      %run_scoped3A = tpu.sem_alloc : memref<!tpu.dma_semaphore, #tpu.memory_space<semaphore_mem>>
      %dma_start3A_161 = tpu.memref_slice %arg5[%multiple_of3A] : memref<10240xi32, #tpu.memory_space<hbm>> -> memref<320xi32, #tpu.memory_space<hbm>>
      %dma_start3A_162 = tpu.memref_slice %arg5[%multiple_of3A] : memref<10240xi32, #tpu.memory_space<hbm>> -> memref<320xi32, #tpu.memory_space<hbm>>
      tpu.enqueue_dma source(%dma_start3A_162 : memref<320xi32, #tpu.memory_space<hbm>>) target(%arg9 : memref<320xi32, #tpu.memory_space<vmem>>) target_semaphore(%run_scoped3A : memref<!tpu.dma_semaphore, #tpu.memory_space<semaphore_mem>>)
      %dma_wait3A_163 = tpu.memref_slice %arg5[%multiple_of3A] : memref<10240xi32, #tpu.memory_space<hbm>> -> memref<320xi32, #tpu.memory_space<hbm>>
      %dma_wait3A_164 = tpu.memref_slice %arg5[%multiple_of3A] : memref<10240xi32, #tpu.memory_space<hbm>> -> memref<320xi32, #tpu.memory_space<hbm>>
      tpu.wait_dma2 semaphore(%run_scoped3A : memref<!tpu.dma_semaphore, #tpu.memory_space<semaphore_mem>>) src(%dma_wait3A_164 : memref<320xi32, #tpu.memory_space<hbm>>) dst(%arg9 : memref<320xi32, #tpu.memory_space<vmem>>)
      tpu.yield
    }) : () -> ()
    %dma_start3A = arith.constant 0 : i32
    %dma_start3A_3 = arith.constant 0 : i32
    %dma_start3A_4 = tpu.memref_slice %arg10[%dma_start3A, %dma_start3A_3] : memref<320x128xf32, #tpu.memory_space<vmem>> -> memref<64x128xf32, #tpu.memory_space<vmem>>
    %dma_start3A_5 = arith.constant 0 : i32
    %dma_start3A_6 = tpu.memref_slice %arg8[%dma_start3A_5] : memref<320xi32, #tpu.memory_space<vmem>> -> memref<64xi32, #tpu.memory_space<vmem>>
    %dma_start3A_7 = arith.constant 0 : i32
    %dma_start3A_8 = arith.constant 0 : i32
    %dma_start3A_9 = tpu.memref_slice %arg2[%dma_start3A_7, %dma_start3A_8] : memref<20000x128xf32, #tpu.memory_space<hbm>> -> memref<20000x128xf32, #tpu.memory_space<hbm>>
    tpu.enqueue_indirect_dma source(%dma_start3A_9 : memref<20000x128xf32, #tpu.memory_space<hbm>>) target(%dma_start3A_4 : memref<64x128xf32, #tpu.memory_space<vmem>>) offsets(%dma_start3A_6 : memref<64xi32, #tpu.memory_space<vmem>>) semaphore(%arg12 : memref<!tpu.dma_semaphore, #tpu.memory_space<semaphore_mem>>)
    %dma_start3A_10 = arith.constant 64 : i32
    %dma_start3A_11 = arith.constant 0 : i32
    %dma_start3A_12 = tpu.memref_slice %arg10[%dma_start3A_10, %dma_start3A_11] : memref<320x128xf32, #tpu.memory_space<vmem>> -> memref<64x128xf32, #tpu.memory_space<vmem>>
    %dma_start3A_13 = arith.constant 64 : i32
    %dma_start3A_14 = tpu.memref_slice %arg8[%dma_start3A_13] : memref<320xi32, #tpu.memory_space<vmem>> -> memref<64xi32, #tpu.memory_space<vmem>>
    %dma_start3A_15 = arith.constant 0 : i32
    %dma_start3A_16 = arith.constant 0 : i32
    %dma_start3A_17 = tpu.memref_slice %arg2[%dma_start3A_15, %dma_start3A_16] : memref<20000x128xf32, #tpu.memory_space<hbm>> -> memref<20000x128xf32, #tpu.memory_space<hbm>>
    tpu.enqueue_indirect_dma source(%dma_start3A_17 : memref<20000x128xf32, #tpu.memory_space<hbm>>) target(%dma_start3A_12 : memref<64x128xf32, #tpu.memory_space<vmem>>) offsets(%dma_start3A_14 : memref<64xi32, #tpu.memory_space<vmem>>) semaphore(%arg12 : memref<!tpu.dma_semaphore, #tpu.memory_space<semaphore_mem>>)
    %dma_start3A_18 = arith.constant 128 : i32
    %dma_start3A_19 = arith.constant 0 : i32
    %dma_start3A_20 = tpu.memref_slice %arg10[%dma_start3A_18, %dma_start3A_19] : memref<320x128xf32, #tpu.memory_space<vmem>> -> memref<64x128xf32, #tpu.memory_space<vmem>>
    %dma_start3A_21 = arith.constant 128 : i32
    %dma_start3A_22 = tpu.memref_slice %arg8[%dma_start3A_21] : memref<320xi32, #tpu.memory_space<vmem>> -> memref<64xi32, #tpu.memory_space<vmem>>
    %dma_start3A_23 = arith.constant 0 : i32
    %dma_start3A_24 = arith.constant 0 : i32
    %dma_start3A_25 = tpu.memref_slice %arg2[%dma_start3A_23, %dma_start3A_24] : memref<20000x128xf32, #tpu.memory_space<hbm>> -> memref<20000x128xf32, #tpu.memory_space<hbm>>
    tpu.enqueue_indirect_dma source(%dma_start3A_25 : memref<20000x128xf32, #tpu.memory_space<hbm>>) target(%dma_start3A_20 : memref<64x128xf32, #tpu.memory_space<vmem>>) offsets(%dma_start3A_22 : memref<64xi32, #tpu.memory_space<vmem>>) semaphore(%arg12 : memref<!tpu.dma_semaphore, #tpu.memory_space<semaphore_mem>>)
    %dma_start3A_26 = arith.constant 192 : i32
    %dma_start3A_27 = arith.constant 0 : i32
    %dma_start3A_28 = tpu.memref_slice %arg10[%dma_start3A_26, %dma_start3A_27] : memref<320x128xf32, #tpu.memory_space<vmem>> -> memref<64x128xf32, #tpu.memory_space<vmem>>
    %dma_start3A_29 = arith.constant 192 : i32
    %dma_start3A_30 = tpu.memref_slice %arg8[%dma_start3A_29] : memref<320xi32, #tpu.memory_space<vmem>> -> memref<64xi32, #tpu.memory_space<vmem>>
    %dma_start3A_31 = arith.constant 0 : i32
    %dma_start3A_32 = arith.constant 0 : i32
    %dma_start3A_33 = tpu.memref_slice %arg2[%dma_start3A_31, %dma_start3A_32] : memref<20000x128xf32, #tpu.memory_space<hbm>> -> memref<20000x128xf32, #tpu.memory_space<hbm>>
    tpu.enqueue_indirect_dma source(%dma_start3A_33 : memref<20000x128xf32, #tpu.memory_space<hbm>>) target(%dma_start3A_28 : memref<64x128xf32, #tpu.memory_space<vmem>>) offsets(%dma_start3A_30 : memref<64xi32, #tpu.memory_space<vmem>>) semaphore(%arg12 : memref<!tpu.dma_semaphore, #tpu.memory_space<semaphore_mem>>)
    %dma_start3A_34 = arith.constant 256 : i32
    %dma_start3A_35 = arith.constant 0 : i32
    %dma_start3A_36 = tpu.memref_slice %arg10[%dma_start3A_34, %dma_start3A_35] : memref<320x128xf32, #tpu.memory_space<vmem>> -> memref<64x128xf32, #tpu.memory_space<vmem>>
    %dma_start3A_37 = arith.constant 256 : i32
    %dma_start3A_38 = tpu.memref_slice %arg8[%dma_start3A_37] : memref<320xi32, #tpu.memory_space<vmem>> -> memref<64xi32, #tpu.memory_space<vmem>>
    %dma_start3A_39 = arith.constant 0 : i32
    %dma_start3A_40 = arith.constant 0 : i32
    %dma_start3A_41 = tpu.memref_slice %arg2[%dma_start3A_39, %dma_start3A_40] : memref<20000x128xf32, #tpu.memory_space<hbm>> -> memref<20000x128xf32, #tpu.memory_space<hbm>>
    tpu.enqueue_indirect_dma source(%dma_start3A_41 : memref<20000x128xf32, #tpu.memory_space<hbm>>) target(%dma_start3A_36 : memref<64x128xf32, #tpu.memory_space<vmem>>) offsets(%dma_start3A_38 : memref<64xi32, #tpu.memory_space<vmem>>) semaphore(%arg12 : memref<!tpu.dma_semaphore, #tpu.memory_space<semaphore_mem>>)
    %dma_start3A_42 = arith.constant 0 : i32
    %dma_start3A_43 = arith.constant 0 : i32
    %dma_start3A_44 = tpu.memref_slice %arg11[%dma_start3A_42, %dma_start3A_43] : memref<320x128xf32, #tpu.memory_space<vmem>> -> memref<64x128xf32, #tpu.memory_space<vmem>>
    %dma_start3A_45 = arith.constant 0 : i32
    %dma_start3A_46 = tpu.memref_slice %arg9[%dma_start3A_45] : memref<320xi32, #tpu.memory_space<vmem>> -> memref<64xi32, #tpu.memory_space<vmem>>
    %dma_start3A_47 = arith.constant 0 : i32
    %dma_start3A_48 = arith.constant 0 : i32
    %dma_start3A_49 = tpu.memref_slice %arg4[%dma_start3A_47, %dma_start3A_48] : memref<512x128xf32, #tpu.memory_space<hbm>> -> memref<512x128xf32, #tpu.memory_space<hbm>>
    tpu.enqueue_indirect_dma source(%dma_start3A_49 : memref<512x128xf32, #tpu.memory_space<hbm>>) target(%dma_start3A_44 : memref<64x128xf32, #tpu.memory_space<vmem>>) offsets(%dma_start3A_46 : memref<64xi32, #tpu.memory_space<vmem>>) semaphore(%arg13 : memref<!tpu.dma_semaphore, #tpu.memory_space<semaphore_mem>>)
    %dma_start3A_50 = arith.constant 64 : i32
    %dma_start3A_51 = arith.constant 0 : i32
    %dma_start3A_52 = tpu.memref_slice %arg11[%dma_start3A_50, %dma_start3A_51] : memref<320x128xf32, #tpu.memory_space<vmem>> -> memref<64x128xf32, #tpu.memory_space<vmem>>
    %dma_start3A_53 = arith.constant 64 : i32
    %dma_start3A_54 = tpu.memref_slice %arg9[%dma_start3A_53] : memref<320xi32, #tpu.memory_space<vmem>> -> memref<64xi32, #tpu.memory_space<vmem>>
    %dma_start3A_55 = arith.constant 0 : i32
    %dma_start3A_56 = arith.constant 0 : i32
    %dma_start3A_57 = tpu.memref_slice %arg4[%dma_start3A_55, %dma_start3A_56] : memref<512x128xf32, #tpu.memory_space<hbm>> -> memref<512x128xf32, #tpu.memory_space<hbm>>
    tpu.enqueue_indirect_dma source(%dma_start3A_57 : memref<512x128xf32, #tpu.memory_space<hbm>>) target(%dma_start3A_52 : memref<64x128xf32, #tpu.memory_space<vmem>>) offsets(%dma_start3A_54 : memref<64xi32, #tpu.memory_space<vmem>>) semaphore(%arg13 : memref<!tpu.dma_semaphore, #tpu.memory_space<semaphore_mem>>)
    %dma_start3A_58 = arith.constant 128 : i32
    %dma_start3A_59 = arith.constant 0 : i32
    %dma_start3A_60 = tpu.memref_slice %arg11[%dma_start3A_58, %dma_start3A_59] : memref<320x128xf32, #tpu.memory_space<vmem>> -> memref<64x128xf32, #tpu.memory_space<vmem>>
    %dma_start3A_61 = arith.constant 128 : i32
    %dma_start3A_62 = tpu.memref_slice %arg9[%dma_start3A_61] : memref<320xi32, #tpu.memory_space<vmem>> -> memref<64xi32, #tpu.memory_space<vmem>>
    %dma_start3A_63 = arith.constant 0 : i32
    %dma_start3A_64 = arith.constant 0 : i32
    %dma_start3A_65 = tpu.memref_slice %arg4[%dma_start3A_63, %dma_start3A_64] : memref<512x128xf32, #tpu.memory_space<hbm>> -> memref<512x128xf32, #tpu.memory_space<hbm>>
    tpu.enqueue_indirect_dma source(%dma_start3A_65 : memref<512x128xf32, #tpu.memory_space<hbm>>) target(%dma_start3A_60 : memref<64x128xf32, #tpu.memory_space<vmem>>) offsets(%dma_start3A_62 : memref<64xi32, #tpu.memory_space<vmem>>) semaphore(%arg13 : memref<!tpu.dma_semaphore, #tpu.memory_space<semaphore_mem>>)
    %dma_start3A_66 = arith.constant 192 : i32
    %dma_start3A_67 = arith.constant 0 : i32
    %dma_start3A_68 = tpu.memref_slice %arg11[%dma_start3A_66, %dma_start3A_67] : memref<320x128xf32, #tpu.memory_space<vmem>> -> memref<64x128xf32, #tpu.memory_space<vmem>>
    %dma_start3A_69 = arith.constant 192 : i32
    %dma_start3A_70 = tpu.memref_slice %arg9[%dma_start3A_69] : memref<320xi32, #tpu.memory_space<vmem>> -> memref<64xi32, #tpu.memory_space<vmem>>
    %dma_start3A_71 = arith.constant 0 : i32
    %dma_start3A_72 = arith.constant 0 : i32
    %dma_start3A_73 = tpu.memref_slice %arg4[%dma_start3A_71, %dma_start3A_72] : memref<512x128xf32, #tpu.memory_space<hbm>> -> memref<512x128xf32, #tpu.memory_space<hbm>>
    tpu.enqueue_indirect_dma source(%dma_start3A_73 : memref<512x128xf32, #tpu.memory_space<hbm>>) target(%dma_start3A_68 : memref<64x128xf32, #tpu.memory_space<vmem>>) offsets(%dma_start3A_70 : memref<64xi32, #tpu.memory_space<vmem>>) semaphore(%arg13 : memref<!tpu.dma_semaphore, #tpu.memory_space<semaphore_mem>>)
    %dma_start3A_74 = arith.constant 256 : i32
    %dma_start3A_75 = arith.constant 0 : i32
    %dma_start3A_76 = tpu.memref_slice %arg11[%dma_start3A_74, %dma_start3A_75] : memref<320x128xf32, #tpu.memory_space<vmem>> -> memref<64x128xf32, #tpu.memory_space<vmem>>
    %dma_start3A_77 = arith.constant 256 : i32
    %dma_start3A_78 = tpu.memref_slice %arg9[%dma_start3A_77] : memref<320xi32, #tpu.memory_space<vmem>> -> memref<64xi32, #tpu.memory_space<vmem>>
    %dma_start3A_79 = arith.constant 0 : i32
    %dma_start3A_80 = arith.constant 0 : i32
    %dma_start3A_81 = tpu.memref_slice %arg4[%dma_start3A_79, %dma_start3A_80] : memref<512x128xf32, #tpu.memory_space<hbm>> -> memref<512x128xf32, #tpu.memory_space<hbm>>
    tpu.enqueue_indirect_dma source(%dma_start3A_81 : memref<512x128xf32, #tpu.memory_space<hbm>>) target(%dma_start3A_76 : memref<64x128xf32, #tpu.memory_space<vmem>>) offsets(%dma_start3A_78 : memref<64xi32, #tpu.memory_space<vmem>>) semaphore(%arg13 : memref<!tpu.dma_semaphore, #tpu.memory_space<semaphore_mem>>)
    %dma_wait3A = arith.constant 0 : i32
    %dma_wait3A_82 = arith.constant 0 : i32
    %dma_wait3A_83 = tpu.memref_slice %arg10[%dma_wait3A, %dma_wait3A_82] : memref<320x128xf32, #tpu.memory_space<vmem>> -> memref<64x128xf32, #tpu.memory_space<vmem>>
    %dma_wait3A_84 = arith.constant 0 : i32
    %dma_wait3A_85 = tpu.memref_slice %arg8[%dma_wait3A_84] : memref<320xi32, #tpu.memory_space<vmem>> -> memref<64xi32, #tpu.memory_space<vmem>>
    %dma_wait3A_86 = arith.constant 0 : i32
    %dma_wait3A_87 = arith.constant 0 : i32
    %dma_wait3A_88 = tpu.memref_slice %arg2[%dma_wait3A_86, %dma_wait3A_87] : memref<20000x128xf32, #tpu.memory_space<hbm>> -> memref<20000x128xf32, #tpu.memory_space<hbm>>
    tpu.wait_indirect_dma semaphore(%arg12 : memref<!tpu.dma_semaphore, #tpu.memory_space<semaphore_mem>>) src(%dma_wait3A_88 : memref<20000x128xf32, #tpu.memory_space<hbm>>) dst(%dma_wait3A_83 : memref<64x128xf32, #tpu.memory_space<vmem>>)
    %dma_wait3A_89 = arith.constant 64 : i32
    %dma_wait3A_90 = arith.constant 0 : i32
    %dma_wait3A_91 = tpu.memref_slice %arg10[%dma_wait3A_89, %dma_wait3A_90] : memref<320x128xf32, #tpu.memory_space<vmem>> -> memref<64x128xf32, #tpu.memory_space<vmem>>
    %dma_wait3A_92 = arith.constant 64 : i32
    %dma_wait3A_93 = tpu.memref_slice %arg8[%dma_wait3A_92] : memref<320xi32, #tpu.memory_space<vmem>> -> memref<64xi32, #tpu.memory_space<vmem>>
    %dma_wait3A_94 = arith.constant 0 : i32
    %dma_wait3A_95 = arith.constant 0 : i32
    %dma_wait3A_96 = tpu.memref_slice %arg2[%dma_wait3A_94, %dma_wait3A_95] : memref<20000x128xf32, #tpu.memory_space<hbm>> -> memref<20000x128xf32, #tpu.memory_space<hbm>>
    tpu.wait_indirect_dma semaphore(%arg12 : memref<!tpu.dma_semaphore, #tpu.memory_space<semaphore_mem>>) src(%dma_wait3A_96 : memref<20000x128xf32, #tpu.memory_space<hbm>>) dst(%dma_wait3A_91 : memref<64x128xf32, #tpu.memory_space<vmem>>)
    %dma_wait3A_97 = arith.constant 128 : i32
    %dma_wait3A_98 = arith.constant 0 : i32
    %dma_wait3A_99 = tpu.memref_slice %arg10[%dma_wait3A_97, %dma_wait3A_98] : memref<320x128xf32, #tpu.memory_space<vmem>> -> memref<64x128xf32, #tpu.memory_space<vmem>>
    %dma_wait3A_100 = arith.constant 128 : i32
    %dma_wait3A_101 = tpu.memref_slice %arg8[%dma_wait3A_100] : memref<320xi32, #tpu.memory_space<vmem>> -> memref<64xi32, #tpu.memory_space<vmem>>
    %dma_wait3A_102 = arith.constant 0 : i32
    %dma_wait3A_103 = arith.constant 0 : i32
    %dma_wait3A_104 = tpu.memref_slice %arg2[%dma_wait3A_102, %dma_wait3A_103] : memref<20000x128xf32, #tpu.memory_space<hbm>> -> memref<20000x128xf32, #tpu.memory_space<hbm>>
    tpu.wait_indirect_dma semaphore(%arg12 : memref<!tpu.dma_semaphore, #tpu.memory_space<semaphore_mem>>) src(%dma_wait3A_104 : memref<20000x128xf32, #tpu.memory_space<hbm>>) dst(%dma_wait3A_99 : memref<64x128xf32, #tpu.memory_space<vmem>>)
    %dma_wait3A_105 = arith.constant 192 : i32
    %dma_wait3A_106 = arith.constant 0 : i32
    %dma_wait3A_107 = tpu.memref_slice %arg10[%dma_wait3A_105, %dma_wait3A_106] : memref<320x128xf32, #tpu.memory_space<vmem>> -> memref<64x128xf32, #tpu.memory_space<vmem>>
    %dma_wait3A_108 = arith.constant 192 : i32
    %dma_wait3A_109 = tpu.memref_slice %arg8[%dma_wait3A_108] : memref<320xi32, #tpu.memory_space<vmem>> -> memref<64xi32, #tpu.memory_space<vmem>>
    %dma_wait3A_110 = arith.constant 0 : i32
    %dma_wait3A_111 = arith.constant 0 : i32
    %dma_wait3A_112 = tpu.memref_slice %arg2[%dma_wait3A_110, %dma_wait3A_111] : memref<20000x128xf32, #tpu.memory_space<hbm>> -> memref<20000x128xf32, #tpu.memory_space<hbm>>
    tpu.wait_indirect_dma semaphore(%arg12 : memref<!tpu.dma_semaphore, #tpu.memory_space<semaphore_mem>>) src(%dma_wait3A_112 : memref<20000x128xf32, #tpu.memory_space<hbm>>) dst(%dma_wait3A_107 : memref<64x128xf32, #tpu.memory_space<vmem>>)
    %dma_wait3A_113 = arith.constant 256 : i32
    %dma_wait3A_114 = arith.constant 0 : i32
    %dma_wait3A_115 = tpu.memref_slice %arg10[%dma_wait3A_113, %dma_wait3A_114] : memref<320x128xf32, #tpu.memory_space<vmem>> -> memref<64x128xf32, #tpu.memory_space<vmem>>
    %dma_wait3A_116 = arith.constant 256 : i32
    %dma_wait3A_117 = tpu.memref_slice %arg8[%dma_wait3A_116] : memref<320xi32, #tpu.memory_space<vmem>> -> memref<64xi32, #tpu.memory_space<vmem>>
    %dma_wait3A_118 = arith.constant 0 : i32
    %dma_wait3A_119 = arith.constant 0 : i32
    %dma_wait3A_120 = tpu.memref_slice %arg2[%dma_wait3A_118, %dma_wait3A_119] : memref<20000x128xf32, #tpu.memory_space<hbm>> -> memref<20000x128xf32, #tpu.memory_space<hbm>>
    tpu.wait_indirect_dma semaphore(%arg12 : memref<!tpu.dma_semaphore, #tpu.memory_space<semaphore_mem>>) src(%dma_wait3A_120 : memref<20000x128xf32, #tpu.memory_space<hbm>>) dst(%dma_wait3A_115 : memref<64x128xf32, #tpu.memory_space<vmem>>)
    "tpu.region"() ({
      %run_scoped3A = tpu.sem_alloc : memref<!tpu.dma_semaphore, #tpu.memory_space<semaphore_mem>>
      %dma_start3A_161 = arith.constant 0 : i32
      %dma_start3A_162 = tpu.memref_slice %arg6[%multiple_of3A, %dma_start3A_161] : memref<10240x128xf32, #tpu.memory_space<hbm>> -> memref<320x128xf32, #tpu.memory_space<hbm>>
      %dma_start3A_163 = arith.constant 0 : i32
      %dma_start3A_164 = tpu.memref_slice %arg6[%multiple_of3A, %dma_start3A_163] : memref<10240x128xf32, #tpu.memory_space<hbm>> -> memref<320x128xf32, #tpu.memory_space<hbm>>
      tpu.enqueue_dma source(%arg10 : memref<320x128xf32, #tpu.memory_space<vmem>>) target(%dma_start3A_164 : memref<320x128xf32, #tpu.memory_space<hbm>>) target_semaphore(%run_scoped3A : memref<!tpu.dma_semaphore, #tpu.memory_space<semaphore_mem>>)
      %dma_wait3A_165 = arith.constant 0 : i32
      %dma_wait3A_166 = tpu.memref_slice %arg6[%multiple_of3A, %dma_wait3A_165] : memref<10240x128xf32, #tpu.memory_space<hbm>> -> memref<320x128xf32, #tpu.memory_space<hbm>>
      %dma_wait3A_167 = arith.constant 0 : i32
      %dma_wait3A_168 = tpu.memref_slice %arg6[%multiple_of3A, %dma_wait3A_167] : memref<10240x128xf32, #tpu.memory_space<hbm>> -> memref<320x128xf32, #tpu.memory_space<hbm>>
      tpu.wait_dma2 semaphore(%run_scoped3A : memref<!tpu.dma_semaphore, #tpu.memory_space<semaphore_mem>>) src(%arg10 : memref<320x128xf32, #tpu.memory_space<vmem>>) dst(%dma_wait3A_168 : memref<320x128xf32, #tpu.memory_space<hbm>>)
      tpu.yield
    }) : () -> ()
    %dma_wait3A_121 = arith.constant 0 : i32
    %dma_wait3A_122 = arith.constant 0 : i32
    %dma_wait3A_123 = tpu.memref_slice %arg11[%dma_wait3A_121, %dma_wait3A_122] : memref<320x128xf32, #tpu.memory_space<vmem>> -> memref<64x128xf32, #tpu.memory_space<vmem>>
    %dma_wait3A_124 = arith.constant 0 : i32
    %dma_wait3A_125 = tpu.memref_slice %arg9[%dma_wait3A_124] : memref<320xi32, #tpu.memory_space<vmem>> -> memref<64xi32, #tpu.memory_space<vmem>>
    %dma_wait3A_126 = arith.constant 0 : i32
    %dma_wait3A_127 = arith.constant 0 : i32
    %dma_wait3A_128 = tpu.memref_slice %arg4[%dma_wait3A_126, %dma_wait3A_127] : memref<512x128xf32, #tpu.memory_space<hbm>> -> memref<512x128xf32, #tpu.memory_space<hbm>>
    tpu.wait_indirect_dma semaphore(%arg13 : memref<!tpu.dma_semaphore, #tpu.memory_space<semaphore_mem>>) src(%dma_wait3A_128 : memref<512x128xf32, #tpu.memory_space<hbm>>) dst(%dma_wait3A_123 : memref<64x128xf32, #tpu.memory_space<vmem>>)
    %dma_wait3A_129 = arith.constant 64 : i32
    %dma_wait3A_130 = arith.constant 0 : i32
    %dma_wait3A_131 = tpu.memref_slice %arg11[%dma_wait3A_129, %dma_wait3A_130] : memref<320x128xf32, #tpu.memory_space<vmem>> -> memref<64x128xf32, #tpu.memory_space<vmem>>
    %dma_wait3A_132 = arith.constant 64 : i32
    %dma_wait3A_133 = tpu.memref_slice %arg9[%dma_wait3A_132] : memref<320xi32, #tpu.memory_space<vmem>> -> memref<64xi32, #tpu.memory_space<vmem>>
    %dma_wait3A_134 = arith.constant 0 : i32
    %dma_wait3A_135 = arith.constant 0 : i32
    %dma_wait3A_136 = tpu.memref_slice %arg4[%dma_wait3A_134, %dma_wait3A_135] : memref<512x128xf32, #tpu.memory_space<hbm>> -> memref<512x128xf32, #tpu.memory_space<hbm>>
    tpu.wait_indirect_dma semaphore(%arg13 : memref<!tpu.dma_semaphore, #tpu.memory_space<semaphore_mem>>) src(%dma_wait3A_136 : memref<512x128xf32, #tpu.memory_space<hbm>>) dst(%dma_wait3A_131 : memref<64x128xf32, #tpu.memory_space<vmem>>)
    %dma_wait3A_137 = arith.constant 128 : i32
    %dma_wait3A_138 = arith.constant 0 : i32
    %dma_wait3A_139 = tpu.memref_slice %arg11[%dma_wait3A_137, %dma_wait3A_138] : memref<320x128xf32, #tpu.memory_space<vmem>> -> memref<64x128xf32, #tpu.memory_space<vmem>>
    %dma_wait3A_140 = arith.constant 128 : i32
    %dma_wait3A_141 = tpu.memref_slice %arg9[%dma_wait3A_140] : memref<320xi32, #tpu.memory_space<vmem>> -> memref<64xi32, #tpu.memory_space<vmem>>
    %dma_wait3A_142 = arith.constant 0 : i32
    %dma_wait3A_143 = arith.constant 0 : i32
    %dma_wait3A_144 = tpu.memref_slice %arg4[%dma_wait3A_142, %dma_wait3A_143] : memref<512x128xf32, #tpu.memory_space<hbm>> -> memref<512x128xf32, #tpu.memory_space<hbm>>
    tpu.wait_indirect_dma semaphore(%arg13 : memref<!tpu.dma_semaphore, #tpu.memory_space<semaphore_mem>>) src(%dma_wait3A_144 : memref<512x128xf32, #tpu.memory_space<hbm>>) dst(%dma_wait3A_139 : memref<64x128xf32, #tpu.memory_space<vmem>>)
    %dma_wait3A_145 = arith.constant 192 : i32
    %dma_wait3A_146 = arith.constant 0 : i32
    %dma_wait3A_147 = tpu.memref_slice %arg11[%dma_wait3A_145, %dma_wait3A_146] : memref<320x128xf32, #tpu.memory_space<vmem>> -> memref<64x128xf32, #tpu.memory_space<vmem>>
    %dma_wait3A_148 = arith.constant 192 : i32
    %dma_wait3A_149 = tpu.memref_slice %arg9[%dma_wait3A_148] : memref<320xi32, #tpu.memory_space<vmem>> -> memref<64xi32, #tpu.memory_space<vmem>>
    %dma_wait3A_150 = arith.constant 0 : i32
    %dma_wait3A_151 = arith.constant 0 : i32
    %dma_wait3A_152 = tpu.memref_slice %arg4[%dma_wait3A_150, %dma_wait3A_151] : memref<512x128xf32, #tpu.memory_space<hbm>> -> memref<512x128xf32, #tpu.memory_space<hbm>>
    tpu.wait_indirect_dma semaphore(%arg13 : memref<!tpu.dma_semaphore, #tpu.memory_space<semaphore_mem>>) src(%dma_wait3A_152 : memref<512x128xf32, #tpu.memory_space<hbm>>) dst(%dma_wait3A_147 : memref<64x128xf32, #tpu.memory_space<vmem>>)
    %dma_wait3A_153 = arith.constant 256 : i32
    %dma_wait3A_154 = arith.constant 0 : i32
    %dma_wait3A_155 = tpu.memref_slice %arg11[%dma_wait3A_153, %dma_wait3A_154] : memref<320x128xf32, #tpu.memory_space<vmem>> -> memref<64x128xf32, #tpu.memory_space<vmem>>
    %dma_wait3A_156 = arith.constant 256 : i32
    %dma_wait3A_157 = tpu.memref_slice %arg9[%dma_wait3A_156] : memref<320xi32, #tpu.memory_space<vmem>> -> memref<64xi32, #tpu.memory_space<vmem>>
    %dma_wait3A_158 = arith.constant 0 : i32
    %dma_wait3A_159 = arith.constant 0 : i32
    %dma_wait3A_160 = tpu.memref_slice %arg4[%dma_wait3A_158, %dma_wait3A_159] : memref<512x128xf32, #tpu.memory_space<hbm>> -> memref<512x128xf32, #tpu.memory_space<hbm>>
    tpu.wait_indirect_dma semaphore(%arg13 : memref<!tpu.dma_semaphore, #tpu.memory_space<semaphore_mem>>) src(%dma_wait3A_160 : memref<512x128xf32, #tpu.memory_space<hbm>>) dst(%dma_wait3A_155 : memref<64x128xf32, #tpu.memory_space<vmem>>)
    "tpu.region"() ({
      %run_scoped3A = tpu.sem_alloc : memref<!tpu.dma_semaphore, #tpu.memory_space<semaphore_mem>>
      %dma_start3A_161 = arith.constant 0 : i32
      %dma_start3A_162 = tpu.memref_slice %arg7[%multiple_of3A, %dma_start3A_161] : memref<10240x128xf32, #tpu.memory_space<hbm>> -> memref<320x128xf32, #tpu.memory_space<hbm>>
      %dma_start3A_163 = arith.constant 0 : i32
      %dma_start3A_164 = tpu.memref_slice %arg7[%multiple_of3A, %dma_start3A_163] : memref<10240x128xf32, #tpu.memory_space<hbm>> -> memref<320x128xf32, #tpu.memory_space<hbm>>
      tpu.enqueue_dma source(%arg11 : memref<320x128xf32, #tpu.memory_space<vmem>>) target(%dma_start3A_164 : memref<320x128xf32, #tpu.memory_space<hbm>>) target_semaphore(%run_scoped3A : memref<!tpu.dma_semaphore, #tpu.memory_space<semaphore_mem>>)
      %dma_wait3A_165 = arith.constant 0 : i32
      %dma_wait3A_166 = tpu.memref_slice %arg7[%multiple_of3A, %dma_wait3A_165] : memref<10240x128xf32, #tpu.memory_space<hbm>> -> memref<320x128xf32, #tpu.memory_space<hbm>>
      %dma_wait3A_167 = arith.constant 0 : i32
      %dma_wait3A_168 = tpu.memref_slice %arg7[%multiple_of3A, %dma_wait3A_167] : memref<10240x128xf32, #tpu.memory_space<hbm>> -> memref<320x128xf32, #tpu.memory_space<hbm>>
      tpu.wait_dma2 semaphore(%run_scoped3A : memref<!tpu.dma_semaphore, #tpu.memory_space<semaphore_mem>>) src(%arg11 : memref<320x128xf32, #tpu.memory_space<vmem>>) dst(%dma_wait3A_168 : memref<320x128xf32, #tpu.memory_space<hbm>>)
      tpu.yield
    }) : () -> ()
    return
  }
}

#map = affine_map<(d0, d1) -> (0)>
module attributes {stable_mosaic.version = 14 : i64} {
  func.func @_sc_edge_body(%arg0: i32, %arg1: i32, %arg2: memref<655360xi32, #tpu.memory_space<hbm>>, %arg3: memref<320000xi32, #tpu.memory_space<hbm>>, %arg4: memref<320000xf32, #tpu.memory_space<hbm>>, %arg5: memref<1310720xf32, #tpu.memory_space<hbm>>, %arg6: memref<10240xi32, #tpu.memory_space<vmem>>, %arg7: memref<10240xi32, #tpu.memory_space<vmem>>, %arg8: memref<10240xf32, #tpu.memory_space<vmem>>, %arg9: memref<10240xf32, #tpu.memory_space<vmem>>, %arg10: memref<10240xf32, #tpu.memory_space<vmem>>, %arg11: memref<10240xf32, #tpu.memory_space<vmem>>, %arg12: memref<6400xi32, #tpu.memory_space<vmem>>, %arg13: memref<6400xi32, #tpu.memory_space<vmem>>, %arg14: memref<6400xf32, #tpu.memory_space<vmem>>, %arg15: memref<6400xf32, #tpu.memory_space<vmem>>, %arg16: memref<!tpu.dma_semaphore, #tpu.memory_space<semaphore_mem>>, %arg17: memref<!tpu.dma_semaphore, #tpu.memory_space<semaphore_mem>>) attributes {dimension_semantics = [#tpu.dimension_semantics<core_parallel>, #tpu.dimension_semantics<subcore_parallel>], iteration_bounds = array<i64: 2, 16>, scalar_prefetch = 0 : i64, scratch_operands = 12 : i64, tpu.core_type = #tpu.core_type<sc_vector_subcore>, window_params = [{transform_indices = #map}, {transform_indices = #map}, {transform_indices = #map}, {transform_indices = #map}]} {
    %mul3A = arith.constant 2 : i32
    %mul3A_0 = arith.muli %arg1, %mul3A : i32
    %add3A = arith.addi %mul3A_0, %arg0 : i32
    %mul3A_1 = arith.constant 2 : i32
    %mul3A_2 = arith.muli %add3A, %mul3A_1 : i32
    %add3A_3 = arith.constant 0 : i32
    %add3A_4 = arith.addi %mul3A_2, %add3A_3 : i32
    %mul3A_5 = arith.constant 10240 : i32
    %mul3A_6 = arith.muli %add3A_4, %mul3A_5 : i32
    %multiple_of3A = tpu.assume_multiple %mul3A_6, 10240 : i32
    "tpu.region"() ({
      %run_scoped3A = tpu.sem_alloc : memref<!tpu.dma_semaphore, #tpu.memory_space<semaphore_mem>>
      %dma_start3A_59 = tpu.memref_slice %arg2[%multiple_of3A] : memref<655360xi32, #tpu.memory_space<hbm>> -> memref<10240xi32, #tpu.memory_space<hbm>>
      %dma_start3A_60 = tpu.memref_slice %arg2[%multiple_of3A] : memref<655360xi32, #tpu.memory_space<hbm>> -> memref<10240xi32, #tpu.memory_space<hbm>>
      tpu.enqueue_dma source(%dma_start3A_60 : memref<10240xi32, #tpu.memory_space<hbm>>) target(%arg6 : memref<10240xi32, #tpu.memory_space<vmem>>) target_semaphore(%run_scoped3A : memref<!tpu.dma_semaphore, #tpu.memory_space<semaphore_mem>>)
      %dma_wait3A = tpu.memref_slice %arg2[%multiple_of3A] : memref<655360xi32, #tpu.memory_space<hbm>> -> memref<10240xi32, #tpu.memory_space<hbm>>
      %dma_wait3A_61 = tpu.memref_slice %arg2[%multiple_of3A] : memref<655360xi32, #tpu.memory_space<hbm>> -> memref<10240xi32, #tpu.memory_space<hbm>>
      tpu.wait_dma2 semaphore(%run_scoped3A : memref<!tpu.dma_semaphore, #tpu.memory_space<semaphore_mem>>) src(%dma_wait3A_61 : memref<10240xi32, #tpu.memory_space<hbm>>) dst(%arg6 : memref<10240xi32, #tpu.memory_space<vmem>>)
      tpu.yield
    }) : () -> ()
    %mul3A_7 = arith.constant 2 : i32
    %mul3A_8 = arith.muli %add3A, %mul3A_7 : i32
    %add3A_9 = arith.constant 1 : i32
    %add3A_10 = arith.addi %mul3A_8, %add3A_9 : i32
    %mul3A_11 = arith.constant 10240 : i32
    %mul3A_12 = arith.muli %add3A_10, %mul3A_11 : i32
    %multiple_of3A_13 = tpu.assume_multiple %mul3A_12, 10240 : i32
    "tpu.region"() ({
      %run_scoped3A = tpu.sem_alloc : memref<!tpu.dma_semaphore, #tpu.memory_space<semaphore_mem>>
      %dma_start3A_59 = tpu.memref_slice %arg2[%multiple_of3A_13] : memref<655360xi32, #tpu.memory_space<hbm>> -> memref<10240xi32, #tpu.memory_space<hbm>>
      %dma_start3A_60 = tpu.memref_slice %arg2[%multiple_of3A_13] : memref<655360xi32, #tpu.memory_space<hbm>> -> memref<10240xi32, #tpu.memory_space<hbm>>
      tpu.enqueue_dma source(%dma_start3A_60 : memref<10240xi32, #tpu.memory_space<hbm>>) target(%arg7 : memref<10240xi32, #tpu.memory_space<vmem>>) target_semaphore(%run_scoped3A : memref<!tpu.dma_semaphore, #tpu.memory_space<semaphore_mem>>)
      %dma_wait3A = tpu.memref_slice %arg2[%multiple_of3A_13] : memref<655360xi32, #tpu.memory_space<hbm>> -> memref<10240xi32, #tpu.memory_space<hbm>>
      %dma_wait3A_61 = tpu.memref_slice %arg2[%multiple_of3A_13] : memref<655360xi32, #tpu.memory_space<hbm>> -> memref<10240xi32, #tpu.memory_space<hbm>>
      tpu.wait_dma2 semaphore(%run_scoped3A : memref<!tpu.dma_semaphore, #tpu.memory_space<semaphore_mem>>) src(%dma_wait3A_61 : memref<10240xi32, #tpu.memory_space<hbm>>) dst(%arg7 : memref<10240xi32, #tpu.memory_space<vmem>>)
      tpu.yield
    }) : () -> ()
    %broadcast_in_dim3A = arith.constant 0.000000e+00 : f32
    %broadcast_in_dim3A_14 = vector.broadcast %broadcast_in_dim3A : f32 to vector<16xf32>
    %parallel_loop3A = arith.constant 0 : i32
    %parallel_loop3A_15 = arith.constant 10240 : i32
    %parallel_loop3A_16 = arith.constant 16 : i32
    scf.for %parallel_loop3A_59 = %parallel_loop3A to %parallel_loop3A_15 step %parallel_loop3A_16  : i32 {
      %parallel_loop3A_60 = arith.index_cast %parallel_loop3A_59 : i32 to index
      %parallel_loop3A_61 = tpu.vector_load %arg8[%parallel_loop3A_60] {strides = array<i32>} : memref<10240xf32, #tpu.memory_space<vmem>>, vector<16xf32>,
      tpu.vector_store %arg8[%parallel_loop3A_60], %broadcast_in_dim3A_14 {strides = array<i32>} : memref<10240xf32, #tpu.memory_space<vmem>>, vector<16xf32>,
      %parallel_loop3A_62 = arith.index_cast %parallel_loop3A_59 : i32 to index
      %parallel_loop3A_63 = tpu.vector_load %arg9[%parallel_loop3A_62] {strides = array<i32>} : memref<10240xf32, #tpu.memory_space<vmem>>, vector<16xf32>,
      tpu.vector_store %arg9[%parallel_loop3A_62], %broadcast_in_dim3A_14 {strides = array<i32>} : memref<10240xf32, #tpu.memory_space<vmem>>, vector<16xf32>,
      %parallel_loop3A_64 = arith.index_cast %parallel_loop3A_59 : i32 to index
      %parallel_loop3A_65 = tpu.vector_load %arg10[%parallel_loop3A_64] {strides = array<i32>} : memref<10240xf32, #tpu.memory_space<vmem>>, vector<16xf32>,
      tpu.vector_store %arg10[%parallel_loop3A_64], %broadcast_in_dim3A_14 {strides = array<i32>} : memref<10240xf32, #tpu.memory_space<vmem>>, vector<16xf32>,
      %parallel_loop3A_66 = arith.index_cast %parallel_loop3A_59 : i32 to index
      %parallel_loop3A_67 = tpu.vector_load %arg11[%parallel_loop3A_66] {strides = array<i32>} : memref<10240xf32, #tpu.memory_space<vmem>>, vector<16xf32>,
      tpu.vector_store %arg11[%parallel_loop3A_66], %broadcast_in_dim3A_14 {strides = array<i32>} : memref<10240xf32, #tpu.memory_space<vmem>>, vector<16xf32>,
    } {sc.loop_unroll_factor = 8 : i64, sc.parallel_access}
    %multiple_of3A_17 = arith.constant 0 : i32
    %multiple_of3A_18 = tpu.assume_multiple %multiple_of3A_17, 6400 : i32
    %dma_start3A = tpu.memref_slice %arg3[%multiple_of3A_18] : memref<320000xi32, #tpu.memory_space<hbm>> -> memref<6400xi32, #tpu.memory_space<hbm>>
    %dma_start3A_19 = tpu.memref_slice %arg3[%multiple_of3A_18] : memref<320000xi32, #tpu.memory_space<hbm>> -> memref<6400xi32, #tpu.memory_space<hbm>>
    tpu.enqueue_dma source(%dma_start3A_19 : memref<6400xi32, #tpu.memory_space<hbm>>) target(%arg12 : memref<6400xi32, #tpu.memory_space<vmem>>) target_semaphore(%arg16 : memref<!tpu.dma_semaphore, #tpu.memory_space<semaphore_mem>>)
    %dma_start3A_20 = tpu.memref_slice %arg4[%multiple_of3A_18] : memref<320000xf32, #tpu.memory_space<hbm>> -> memref<6400xf32, #tpu.memory_space<hbm>>
    %dma_start3A_21 = tpu.memref_slice %arg4[%multiple_of3A_18] : memref<320000xf32, #tpu.memory_space<hbm>> -> memref<6400xf32, #tpu.memory_space<hbm>>
    tpu.enqueue_dma source(%dma_start3A_21 : memref<6400xf32, #tpu.memory_space<hbm>>) target(%arg14 : memref<6400xf32, #tpu.memory_space<vmem>>) target_semaphore(%arg16 : memref<!tpu.dma_semaphore, #tpu.memory_space<semaphore_mem>>)
    %scan3A = arith.constant 0 : i32
    %scan3A_22 = arith.constant 0 : i32
    %scan3A_23 = arith.constant 25 : i32
    %scan3A_24 = arith.addi %scan3A_22, %scan3A_23 : i32
    %scan3A_25 = arith.constant 1 : i32
    scf.for %scan3A_59 = %scan3A_22 to %scan3A_24 step %scan3A_25  : i32 {
      %mul3A_60 = arith.constant 2 : i32
      %mul3A_61 = arith.muli %scan3A_59, %mul3A_60 : i32
      %add3A_62 = arith.constant 0 : i32
      %add3A_63 = arith.addi %mul3A_61, %add3A_62 : i32
      %mul3A_64 = arith.constant 6400 : i32
      %mul3A_65 = arith.muli %add3A_63, %mul3A_64 : i32
      %multiple_of3A_66 = tpu.assume_multiple %mul3A_65, 6400 : i32
      %dma_wait3A = tpu.memref_slice %arg3[%multiple_of3A_66] : memref<320000xi32, #tpu.memory_space<hbm>> -> memref<6400xi32, #tpu.memory_space<hbm>>
      %dma_wait3A_67 = tpu.memref_slice %arg3[%multiple_of3A_66] : memref<320000xi32, #tpu.memory_space<hbm>> -> memref<6400xi32, #tpu.memory_space<hbm>>
      tpu.wait_dma2 semaphore(%arg16 : memref<!tpu.dma_semaphore, #tpu.memory_space<semaphore_mem>>) src(%dma_wait3A_67 : memref<6400xi32, #tpu.memory_space<hbm>>) dst(%arg12 : memref<6400xi32, #tpu.memory_space<vmem>>)
      %dma_wait3A_68 = tpu.memref_slice %arg4[%multiple_of3A_66] : memref<320000xf32, #tpu.memory_space<hbm>> -> memref<6400xf32, #tpu.memory_space<hbm>>
      %dma_wait3A_69 = tpu.memref_slice %arg4[%multiple_of3A_66] : memref<320000xf32, #tpu.memory_space<hbm>> -> memref<6400xf32, #tpu.memory_space<hbm>>
      tpu.wait_dma2 semaphore(%arg16 : memref<!tpu.dma_semaphore, #tpu.memory_space<semaphore_mem>>) src(%dma_wait3A_69 : memref<6400xf32, #tpu.memory_space<hbm>>) dst(%arg14 : memref<6400xf32, #tpu.memory_space<vmem>>)
      %add3A_70 = arith.constant 1 : i32
      %add3A_71 = arith.addi %add3A_63, %add3A_70 : i32
      %lt3A = arith.constant 50 : i32
      %lt3A_72 = arith.cmpi slt, %add3A_71, %lt3A : i32
      %convert_element_type3A = arith.extui %lt3A_72 : i1 to i32
      %cond3A = arith.constant 0 : i32
      %cond3A_73 = arith.cmpi ne, %convert_element_type3A, %cond3A : i32
      scf.if %cond3A_73 {
        %add3A_98 = arith.constant 1 : i32
        %add3A_99 = arith.addi %add3A_63, %add3A_98 : i32
        %mul3A_100 = arith.constant 6400 : i32
        %mul3A_101 = arith.muli %add3A_99, %mul3A_100 : i32
        %multiple_of3A_102 = tpu.assume_multiple %mul3A_101, 6400 : i32
        %dma_start3A_103 = tpu.memref_slice %arg3[%multiple_of3A_102] : memref<320000xi32, #tpu.memory_space<hbm>> -> memref<6400xi32, #tpu.memory_space<hbm>>
        %dma_start3A_104 = tpu.memref_slice %arg3[%multiple_of3A_102] : memref<320000xi32, #tpu.memory_space<hbm>> -> memref<6400xi32, #tpu.memory_space<hbm>>
        tpu.enqueue_dma source(%dma_start3A_104 : memref<6400xi32, #tpu.memory_space<hbm>>) target(%arg13 : memref<6400xi32, #tpu.memory_space<vmem>>) target_semaphore(%arg17 : memref<!tpu.dma_semaphore, #tpu.memory_space<semaphore_mem>>)
        %dma_start3A_105 = tpu.memref_slice %arg4[%multiple_of3A_102] : memref<320000xf32, #tpu.memory_space<hbm>> -> memref<6400xf32, #tpu.memory_space<hbm>>
        %dma_start3A_106 = tpu.memref_slice %arg4[%multiple_of3A_102] : memref<320000xf32, #tpu.memory_space<hbm>> -> memref<6400xf32, #tpu.memory_space<hbm>>
        tpu.enqueue_dma source(%dma_start3A_106 : memref<6400xf32, #tpu.memory_space<hbm>>) target(%arg15 : memref<6400xf32, #tpu.memory_space<vmem>>) target_semaphore(%arg17 : memref<!tpu.dma_semaphore, #tpu.memory_space<semaphore_mem>>)
      } else {
      }
      %parallel_loop3A_74 = arith.constant 0 : i32
      %parallel_loop3A_75 = arith.constant 6400 : i32
      %parallel_loop3A_76 = arith.constant 16 : i32
      scf.for %parallel_loop3A_98 = %parallel_loop3A_74 to %parallel_loop3A_75 step %parallel_loop3A_76  : i32 {
        %parallel_loop3A_99 = arith.index_cast %parallel_loop3A_98 : i32 to index
        %parallel_loop3A_100 = tpu.vector_load %arg12[%parallel_loop3A_99] {strides = array<i32>} : memref<6400xi32, #tpu.memory_space<vmem>>, vector<16xi32>,
        %parallel_loop3A_101 = arith.index_cast %parallel_loop3A_98 : i32 to index
        %parallel_loop3A_102 = tpu.vector_load %arg14[%parallel_loop3A_101] {strides = array<i32>} : memref<6400xf32, #tpu.memory_space<vmem>>, vector<16xf32>,
        %parallel_loop3A_103 = arith.constant 16383 : i32
        %parallel_loop3A_104 = vector.broadcast %parallel_loop3A_103 : i32 to vector<16xi32>
        %parallel_loop3A_105 = arith.andi %parallel_loop3A_100, %parallel_loop3A_104 : vector<16xi32>
        %parallel_loop3A_106 = arith.constant 14 : i32
        %parallel_loop3A_107 = vector.broadcast %parallel_loop3A_106 : i32 to vector<16xi32>
        %parallel_loop3A_108 = arith.shrsi %parallel_loop3A_100, %parallel_loop3A_107 : vector<16xi32>
        %parallel_loop3A_109 = tpu.vector_load_idx %arg6[%parallel_loop3A_105] : memref<10240xi32, #tpu.memory_space<vmem>>[vector<16xi32>], vector<16xi32>,
        %parallel_loop3A_110 = vector.bitcast %parallel_loop3A_109 : vector<16xi32> to vector<32xbf16>
        %parallel_loop3A_111 = tpu.unpack_subelements %parallel_loop3A_110, 0 {pack_format = #tpu.pack_format<interleaved>} : vector<32xbf16> -> vector<16xf32>
        %parallel_loop3A_112 = tpu.unpack_subelements %parallel_loop3A_110, 1 {pack_format = #tpu.pack_format<interleaved>} : vector<32xbf16> -> vector<16xf32>
        %parallel_loop3A_113 = arith.mulf %parallel_loop3A_111, %parallel_loop3A_102 : vector<16xf32>
        tpu.vector_store_idx %arg8[%parallel_loop3A_108], %parallel_loop3A_113 {add = true} : memref<10240xf32, #tpu.memory_space<vmem>>[vector<16xi32>], vector<16xf32>,
        %parallel_loop3A_114 = arith.mulf %parallel_loop3A_112, %parallel_loop3A_102 : vector<16xf32>
        tpu.vector_store_idx %arg10[%parallel_loop3A_108], %parallel_loop3A_114 {add = true} : memref<10240xf32, #tpu.memory_space<vmem>>[vector<16xi32>], vector<16xf32>,
        %parallel_loop3A_115 = tpu.vector_load_idx %arg7[%parallel_loop3A_105] : memref<10240xi32, #tpu.memory_space<vmem>>[vector<16xi32>], vector<16xi32>,
        %parallel_loop3A_116 = vector.bitcast %parallel_loop3A_115 : vector<16xi32> to vector<32xbf16>
        %parallel_loop3A_117 = tpu.unpack_subelements %parallel_loop3A_116, 0 {pack_format = #tpu.pack_format<interleaved>} : vector<32xbf16> -> vector<16xf32>
        %parallel_loop3A_118 = tpu.unpack_subelements %parallel_loop3A_116, 1 {pack_format = #tpu.pack_format<interleaved>} : vector<32xbf16> -> vector<16xf32>
        %parallel_loop3A_119 = arith.mulf %parallel_loop3A_117, %parallel_loop3A_102 : vector<16xf32>
        tpu.vector_store_idx %arg9[%parallel_loop3A_108], %parallel_loop3A_119 {add = true} : memref<10240xf32, #tpu.memory_space<vmem>>[vector<16xi32>], vector<16xf32>,
        %parallel_loop3A_120 = arith.mulf %parallel_loop3A_118, %parallel_loop3A_102 : vector<16xf32>
        tpu.vector_store_idx %arg11[%parallel_loop3A_108], %parallel_loop3A_120 {add = true} : memref<10240xf32, #tpu.memory_space<vmem>>[vector<16xi32>], vector<16xf32>,
      } {sc.loop_unroll_factor = 8 : i64, sc.parallel_access}
      %mul3A_77 = arith.constant 2 : i32
      %mul3A_78 = arith.muli %scan3A_59, %mul3A_77 : i32
      %add3A_79 = arith.constant 1 : i32
      %add3A_80 = arith.addi %mul3A_78, %add3A_79 : i32
      %mul3A_81 = arith.constant 6400 : i32
      %mul3A_82 = arith.muli %add3A_80, %mul3A_81 : i32
      %multiple_of3A_83 = tpu.assume_multiple %mul3A_82, 6400 : i32
      %dma_wait3A_84 = tpu.memref_slice %arg3[%multiple_of3A_83] : memref<320000xi32, #tpu.memory_space<hbm>> -> memref<6400xi32, #tpu.memory_space<hbm>>
      %dma_wait3A_85 = tpu.memref_slice %arg3[%multiple_of3A_83] : memref<320000xi32, #tpu.memory_space<hbm>> -> memref<6400xi32, #tpu.memory_space<hbm>>
      tpu.wait_dma2 semaphore(%arg17 : memref<!tpu.dma_semaphore, #tpu.memory_space<semaphore_mem>>) src(%dma_wait3A_85 : memref<6400xi32, #tpu.memory_space<hbm>>) dst(%arg13 : memref<6400xi32, #tpu.memory_space<vmem>>)
      %dma_wait3A_86 = tpu.memref_slice %arg4[%multiple_of3A_83] : memref<320000xf32, #tpu.memory_space<hbm>> -> memref<6400xf32, #tpu.memory_space<hbm>>
      %dma_wait3A_87 = tpu.memref_slice %arg4[%multiple_of3A_83] : memref<320000xf32, #tpu.memory_space<hbm>> -> memref<6400xf32, #tpu.memory_space<hbm>>
      tpu.wait_dma2 semaphore(%arg17 : memref<!tpu.dma_semaphore, #tpu.memory_space<semaphore_mem>>) src(%dma_wait3A_87 : memref<6400xf32, #tpu.memory_space<hbm>>) dst(%arg15 : memref<6400xf32, #tpu.memory_space<vmem>>)
      %add3A_88 = arith.constant 1 : i32
      %add3A_89 = arith.addi %add3A_80, %add3A_88 : i32
      %lt3A_90 = arith.constant 50 : i32
      %lt3A_91 = arith.cmpi slt, %add3A_89, %lt3A_90 : i32
      %convert_element_type3A_92 = arith.extui %lt3A_91 : i1 to i32
      %cond3A_93 = arith.constant 0 : i32
      %cond3A_94 = arith.cmpi ne, %convert_element_type3A_92, %cond3A_93 : i32
      scf.if %cond3A_94 {
        %add3A_98 = arith.constant 1 : i32
        %add3A_99 = arith.addi %add3A_80, %add3A_98 : i32
        %mul3A_100 = arith.constant 6400 : i32
        %mul3A_101 = arith.muli %add3A_99, %mul3A_100 : i32
        %multiple_of3A_102 = tpu.assume_multiple %mul3A_101, 6400 : i32
        %dma_start3A_103 = tpu.memref_slice %arg3[%multiple_of3A_102] : memref<320000xi32, #tpu.memory_space<hbm>> -> memref<6400xi32, #tpu.memory_space<hbm>>
        %dma_start3A_104 = tpu.memref_slice %arg3[%multiple_of3A_102] : memref<320000xi32, #tpu.memory_space<hbm>> -> memref<6400xi32, #tpu.memory_space<hbm>>
        tpu.enqueue_dma source(%dma_start3A_104 : memref<6400xi32, #tpu.memory_space<hbm>>) target(%arg12 : memref<6400xi32, #tpu.memory_space<vmem>>) target_semaphore(%arg16 : memref<!tpu.dma_semaphore, #tpu.memory_space<semaphore_mem>>)
        %dma_start3A_105 = tpu.memref_slice %arg4[%multiple_of3A_102] : memref<320000xf32, #tpu.memory_space<hbm>> -> memref<6400xf32, #tpu.memory_space<hbm>>
        %dma_start3A_106 = tpu.memref_slice %arg4[%multiple_of3A_102] : memref<320000xf32, #tpu.memory_space<hbm>> -> memref<6400xf32, #tpu.memory_space<hbm>>
        tpu.enqueue_dma source(%dma_start3A_106 : memref<6400xf32, #tpu.memory_space<hbm>>) target(%arg14 : memref<6400xf32, #tpu.memory_space<vmem>>) target_semaphore(%arg16 : memref<!tpu.dma_semaphore, #tpu.memory_space<semaphore_mem>>)
      } else {
      }
      %parallel_loop3A_95 = arith.constant 0 : i32
      %parallel_loop3A_96 = arith.constant 6400 : i32
      %parallel_loop3A_97 = arith.constant 16 : i32
      scf.for %parallel_loop3A_98 = %parallel_loop3A_95 to %parallel_loop3A_96 step %parallel_loop3A_97  : i32 {
        %parallel_loop3A_99 = arith.index_cast %parallel_loop3A_98 : i32 to index
        %parallel_loop3A_100 = tpu.vector_load %arg13[%parallel_loop3A_99] {strides = array<i32>} : memref<6400xi32, #tpu.memory_space<vmem>>, vector<16xi32>,
        %parallel_loop3A_101 = arith.index_cast %parallel_loop3A_98 : i32 to index
        %parallel_loop3A_102 = tpu.vector_load %arg15[%parallel_loop3A_101] {strides = array<i32>} : memref<6400xf32, #tpu.memory_space<vmem>>, vector<16xf32>,
        %parallel_loop3A_103 = arith.constant 16383 : i32
        %parallel_loop3A_104 = vector.broadcast %parallel_loop3A_103 : i32 to vector<16xi32>
        %parallel_loop3A_105 = arith.andi %parallel_loop3A_100, %parallel_loop3A_104 : vector<16xi32>
        %parallel_loop3A_106 = arith.constant 14 : i32
        %parallel_loop3A_107 = vector.broadcast %parallel_loop3A_106 : i32 to vector<16xi32>
        %parallel_loop3A_108 = arith.shrsi %parallel_loop3A_100, %parallel_loop3A_107 : vector<16xi32>
        %parallel_loop3A_109 = tpu.vector_load_idx %arg6[%parallel_loop3A_105] : memref<10240xi32, #tpu.memory_space<vmem>>[vector<16xi32>], vector<16xi32>,
        %parallel_loop3A_110 = vector.bitcast %parallel_loop3A_109 : vector<16xi32> to vector<32xbf16>
        %parallel_loop3A_111 = tpu.unpack_subelements %parallel_loop3A_110, 0 {pack_format = #tpu.pack_format<interleaved>} : vector<32xbf16> -> vector<16xf32>
        %parallel_loop3A_112 = tpu.unpack_subelements %parallel_loop3A_110, 1 {pack_format = #tpu.pack_format<interleaved>} : vector<32xbf16> -> vector<16xf32>
        %parallel_loop3A_113 = arith.mulf %parallel_loop3A_111, %parallel_loop3A_102 : vector<16xf32>
        tpu.vector_store_idx %arg8[%parallel_loop3A_108], %parallel_loop3A_113 {add = true} : memref<10240xf32, #tpu.memory_space<vmem>>[vector<16xi32>], vector<16xf32>,
        %parallel_loop3A_114 = arith.mulf %parallel_loop3A_112, %parallel_loop3A_102 : vector<16xf32>
        tpu.vector_store_idx %arg10[%parallel_loop3A_108], %parallel_loop3A_114 {add = true} : memref<10240xf32, #tpu.memory_space<vmem>>[vector<16xi32>], vector<16xf32>,
        %parallel_loop3A_115 = tpu.vector_load_idx %arg7[%parallel_loop3A_105] : memref<10240xi32, #tpu.memory_space<vmem>>[vector<16xi32>], vector<16xi32>,
        %parallel_loop3A_116 = vector.bitcast %parallel_loop3A_115 : vector<16xi32> to vector<32xbf16>
        %parallel_loop3A_117 = tpu.unpack_subelements %parallel_loop3A_116, 0 {pack_format = #tpu.pack_format<interleaved>} : vector<32xbf16> -> vector<16xf32>
        %parallel_loop3A_118 = tpu.unpack_subelements %parallel_loop3A_116, 1 {pack_format = #tpu.pack_format<interleaved>} : vector<32xbf16> -> vector<16xf32>
        %parallel_loop3A_119 = arith.mulf %parallel_loop3A_117, %parallel_loop3A_102 : vector<16xf32>
        tpu.vector_store_idx %arg9[%parallel_loop3A_108], %parallel_loop3A_119 {add = true} : memref<10240xf32, #tpu.memory_space<vmem>>[vector<16xi32>], vector<16xf32>,
        %parallel_loop3A_120 = arith.mulf %parallel_loop3A_118, %parallel_loop3A_102 : vector<16xf32>
        tpu.vector_store_idx %arg11[%parallel_loop3A_108], %parallel_loop3A_120 {add = true} : memref<10240xf32, #tpu.memory_space<vmem>>[vector<16xi32>], vector<16xf32>,
      } {sc.loop_unroll_factor = 8 : i64, sc.parallel_access}
    }
    %scan3A_26 = arith.constant 25 : i32
    %mul3A_27 = arith.constant 2 : i32
    %mul3A_28 = arith.muli %add3A, %mul3A_27 : i32
    %add3A_29 = arith.constant 0 : i32
    %add3A_30 = arith.addi %mul3A_28, %add3A_29 : i32
    %mul3A_31 = arith.constant 10240 : i32
    %mul3A_32 = arith.muli %add3A_30, %mul3A_31 : i32
    %multiple_of3A_33 = tpu.assume_multiple %mul3A_32, 10240 : i32
    %mul3A_34 = arith.constant 2 : i32
    %mul3A_35 = arith.muli %add3A, %mul3A_34 : i32
    %add3A_36 = arith.constant 64 : i32
    %add3A_37 = arith.addi %mul3A_35, %add3A_36 : i32
    %add3A_38 = arith.constant 0 : i32
    %add3A_39 = arith.addi %add3A_37, %add3A_38 : i32
    %mul3A_40 = arith.constant 10240 : i32
    %mul3A_41 = arith.muli %add3A_39, %mul3A_40 : i32
    %multiple_of3A_42 = tpu.assume_multiple %mul3A_41, 10240 : i32
    "tpu.region"() ({
      %run_scoped3A = tpu.sem_alloc : memref<!tpu.dma_semaphore, #tpu.memory_space<semaphore_mem>>
      %dma_start3A_59 = tpu.memref_slice %arg5[%multiple_of3A_33] : memref<1310720xf32, #tpu.memory_space<hbm>> -> memref<10240xf32, #tpu.memory_space<hbm>>
      %dma_start3A_60 = tpu.memref_slice %arg5[%multiple_of3A_33] : memref<1310720xf32, #tpu.memory_space<hbm>> -> memref<10240xf32, #tpu.memory_space<hbm>>
      tpu.enqueue_dma source(%arg8 : memref<10240xf32, #tpu.memory_space<vmem>>) target(%dma_start3A_60 : memref<10240xf32, #tpu.memory_space<hbm>>) target_semaphore(%run_scoped3A : memref<!tpu.dma_semaphore, #tpu.memory_space<semaphore_mem>>)
      %dma_wait3A = tpu.memref_slice %arg5[%multiple_of3A_33] : memref<1310720xf32, #tpu.memory_space<hbm>> -> memref<10240xf32, #tpu.memory_space<hbm>>
      %dma_wait3A_61 = tpu.memref_slice %arg5[%multiple_of3A_33] : memref<1310720xf32, #tpu.memory_space<hbm>> -> memref<10240xf32, #tpu.memory_space<hbm>>
      tpu.wait_dma2 semaphore(%run_scoped3A : memref<!tpu.dma_semaphore, #tpu.memory_space<semaphore_mem>>) src(%arg8 : memref<10240xf32, #tpu.memory_space<vmem>>) dst(%dma_wait3A_61 : memref<10240xf32, #tpu.memory_space<hbm>>)
      tpu.yield
    }) : () -> ()
    "tpu.region"() ({
      %run_scoped3A = tpu.sem_alloc : memref<!tpu.dma_semaphore, #tpu.memory_space<semaphore_mem>>
      %dma_start3A_59 = tpu.memref_slice %arg5[%multiple_of3A_42] : memref<1310720xf32, #tpu.memory_space<hbm>> -> memref<10240xf32, #tpu.memory_space<hbm>>
      %dma_start3A_60 = tpu.memref_slice %arg5[%multiple_of3A_42] : memref<1310720xf32, #tpu.memory_space<hbm>> -> memref<10240xf32, #tpu.memory_space<hbm>>
      tpu.enqueue_dma source(%arg10 : memref<10240xf32, #tpu.memory_space<vmem>>) target(%dma_start3A_60 : memref<10240xf32, #tpu.memory_space<hbm>>) target_semaphore(%run_scoped3A : memref<!tpu.dma_semaphore, #tpu.memory_space<semaphore_mem>>)
      %dma_wait3A = tpu.memref_slice %arg5[%multiple_of3A_42] : memref<1310720xf32, #tpu.memory_space<hbm>> -> memref<10240xf32, #tpu.memory_space<hbm>>
      %dma_wait3A_61 = tpu.memref_slice %arg5[%multiple_of3A_42] : memref<1310720xf32, #tpu.memory_space<hbm>> -> memref<10240xf32, #tpu.memory_space<hbm>>
      tpu.wait_dma2 semaphore(%run_scoped3A : memref<!tpu.dma_semaphore, #tpu.memory_space<semaphore_mem>>) src(%arg10 : memref<10240xf32, #tpu.memory_space<vmem>>) dst(%dma_wait3A_61 : memref<10240xf32, #tpu.memory_space<hbm>>)
      tpu.yield
    }) : () -> ()
    %mul3A_43 = arith.constant 2 : i32
    %mul3A_44 = arith.muli %add3A, %mul3A_43 : i32
    %add3A_45 = arith.constant 1 : i32
    %add3A_46 = arith.addi %mul3A_44, %add3A_45 : i32
    %mul3A_47 = arith.constant 10240 : i32
    %mul3A_48 = arith.muli %add3A_46, %mul3A_47 : i32
    %multiple_of3A_49 = tpu.assume_multiple %mul3A_48, 10240 : i32
    %mul3A_50 = arith.constant 2 : i32
    %mul3A_51 = arith.muli %add3A, %mul3A_50 : i32
    %add3A_52 = arith.constant 64 : i32
    %add3A_53 = arith.addi %mul3A_51, %add3A_52 : i32
    %add3A_54 = arith.constant 1 : i32
    %add3A_55 = arith.addi %add3A_53, %add3A_54 : i32
    %mul3A_56 = arith.constant 10240 : i32
    %mul3A_57 = arith.muli %add3A_55, %mul3A_56 : i32
    %multiple_of3A_58 = tpu.assume_multiple %mul3A_57, 10240 : i32
    "tpu.region"() ({
      %run_scoped3A = tpu.sem_alloc : memref<!tpu.dma_semaphore, #tpu.memory_space<semaphore_mem>>
      %dma_start3A_59 = tpu.memref_slice %arg5[%multiple_of3A_49] : memref<1310720xf32, #tpu.memory_space<hbm>> -> memref<10240xf32, #tpu.memory_space<hbm>>
      %dma_start3A_60 = tpu.memref_slice %arg5[%multiple_of3A_49] : memref<1310720xf32, #tpu.memory_space<hbm>> -> memref<10240xf32, #tpu.memory_space<hbm>>
      tpu.enqueue_dma source(%arg9 : memref<10240xf32, #tpu.memory_space<vmem>>) target(%dma_start3A_60 : memref<10240xf32, #tpu.memory_space<hbm>>) target_semaphore(%run_scoped3A : memref<!tpu.dma_semaphore, #tpu.memory_space<semaphore_mem>>)
      %dma_wait3A = tpu.memref_slice %arg5[%multiple_of3A_49] : memref<1310720xf32, #tpu.memory_space<hbm>> -> memref<10240xf32, #tpu.memory_space<hbm>>
      %dma_wait3A_61 = tpu.memref_slice %arg5[%multiple_of3A_49] : memref<1310720xf32, #tpu.memory_space<hbm>> -> memref<10240xf32, #tpu.memory_space<hbm>>
      tpu.wait_dma2 semaphore(%run_scoped3A : memref<!tpu.dma_semaphore, #tpu.memory_space<semaphore_mem>>) src(%arg9 : memref<10240xf32, #tpu.memory_space<vmem>>) dst(%dma_wait3A_61 : memref<10240xf32, #tpu.memory_space<hbm>>)
      tpu.yield
    }) : () -> ()
    "tpu.region"() ({
      %run_scoped3A = tpu.sem_alloc : memref<!tpu.dma_semaphore, #tpu.memory_space<semaphore_mem>>
      %dma_start3A_59 = tpu.memref_slice %arg5[%multiple_of3A_58] : memref<1310720xf32, #tpu.memory_space<hbm>> -> memref<10240xf32, #tpu.memory_space<hbm>>
      %dma_start3A_60 = tpu.memref_slice %arg5[%multiple_of3A_58] : memref<1310720xf32, #tpu.memory_space<hbm>> -> memref<10240xf32, #tpu.memory_space<hbm>>
      tpu.enqueue_dma source(%arg11 : memref<10240xf32, #tpu.memory_space<vmem>>) target(%dma_start3A_60 : memref<10240xf32, #tpu.memory_space<hbm>>) target_semaphore(%run_scoped3A : memref<!tpu.dma_semaphore, #tpu.memory_space<semaphore_mem>>)
      %dma_wait3A = tpu.memref_slice %arg5[%multiple_of3A_58] : memref<1310720xf32, #tpu.memory_space<hbm>> -> memref<10240xf32, #tpu.memory_space<hbm>>
      %dma_wait3A_61 = tpu.memref_slice %arg5[%multiple_of3A_58] : memref<1310720xf32, #tpu.memory_space<hbm>> -> memref<10240xf32, #tpu.memory_space<hbm>>
      tpu.wait_dma2 semaphore(%run_scoped3A : memref<!tpu.dma_semaphore, #tpu.memory_space<semaphore_mem>>) src(%arg11 : memref<10240xf32, #tpu.memory_space<vmem>>) dst(%dma_wait3A_61 : memref<10240xf32, #tpu.memory_space<hbm>>)
      tpu.yield
    }) : () -> ()
    return
  }
}

#map = affine_map<(d0, d1) -> (0)>
module attributes {stable_mosaic.version = 14 : i64} {
  func.func @_sc_edge_body(%arg0: i32, %arg1: i32, %arg2: memref<655360xi32, #tpu.memory_space<hbm>>, %arg3: memref<320000xi32, #tpu.memory_space<hbm>>, %arg4: memref<320000xf32, #tpu.memory_space<hbm>>, %arg5: memref<1310720xf32, #tpu.memory_space<hbm>>, %arg6: memref<10240xi32, #tpu.memory_space<vmem>>, %arg7: memref<10240xi32, #tpu.memory_space<vmem>>, %arg8: memref<10240xf32, #tpu.memory_space<vmem>>, %arg9: memref<10240xf32, #tpu.memory_space<vmem>>, %arg10: memref<10240xf32, #tpu.memory_space<vmem>>, %arg11: memref<10240xf32, #tpu.memory_space<vmem>>, %arg12: memref<6400xi32, #tpu.memory_space<vmem>>, %arg13: memref<6400xi32, #tpu.memory_space<vmem>>, %arg14: memref<6400xf32, #tpu.memory_space<vmem>>, %arg15: memref<6400xf32, #tpu.memory_space<vmem>>, %arg16: memref<!tpu.dma_semaphore, #tpu.memory_space<semaphore_mem>>, %arg17: memref<!tpu.dma_semaphore, #tpu.memory_space<semaphore_mem>>) attributes {dimension_semantics = [#tpu.dimension_semantics<core_parallel>, #tpu.dimension_semantics<subcore_parallel>], iteration_bounds = array<i64: 2, 16>, scalar_prefetch = 0 : i64, scratch_operands = 12 : i64, tpu.core_type = #tpu.core_type<sc_vector_subcore>, window_params = [{transform_indices = #map}, {transform_indices = #map}, {transform_indices = #map}, {transform_indices = #map}]} {
    %mul3A = arith.constant 2 : i32
    %mul3A_0 = arith.muli %arg1, %mul3A : i32
    %add3A = arith.addi %mul3A_0, %arg0 : i32
    %mul3A_1 = arith.constant 2 : i32
    %mul3A_2 = arith.muli %add3A, %mul3A_1 : i32
    %add3A_3 = arith.constant 0 : i32
    %add3A_4 = arith.addi %mul3A_2, %add3A_3 : i32
    %mul3A_5 = arith.constant 10240 : i32
    %mul3A_6 = arith.muli %add3A_4, %mul3A_5 : i32
    %multiple_of3A = tpu.assume_multiple %mul3A_6, 10240 : i32
    "tpu.region"() ({
      %run_scoped3A = tpu.sem_alloc : memref<!tpu.dma_semaphore, #tpu.memory_space<semaphore_mem>>
      %dma_start3A_59 = tpu.memref_slice %arg2[%multiple_of3A] : memref<655360xi32, #tpu.memory_space<hbm>> -> memref<10240xi32, #tpu.memory_space<hbm>>
      %dma_start3A_60 = tpu.memref_slice %arg2[%multiple_of3A] : memref<655360xi32, #tpu.memory_space<hbm>> -> memref<10240xi32, #tpu.memory_space<hbm>>
      tpu.enqueue_dma source(%dma_start3A_60 : memref<10240xi32, #tpu.memory_space<hbm>>) target(%arg6 : memref<10240xi32, #tpu.memory_space<vmem>>) target_semaphore(%run_scoped3A : memref<!tpu.dma_semaphore, #tpu.memory_space<semaphore_mem>>)
      %dma_wait3A = tpu.memref_slice %arg2[%multiple_of3A] : memref<655360xi32, #tpu.memory_space<hbm>> -> memref<10240xi32, #tpu.memory_space<hbm>>
      %dma_wait3A_61 = tpu.memref_slice %arg2[%multiple_of3A] : memref<655360xi32, #tpu.memory_space<hbm>> -> memref<10240xi32, #tpu.memory_space<hbm>>
      tpu.wait_dma2 semaphore(%run_scoped3A : memref<!tpu.dma_semaphore, #tpu.memory_space<semaphore_mem>>) src(%dma_wait3A_61 : memref<10240xi32, #tpu.memory_space<hbm>>) dst(%arg6 : memref<10240xi32, #tpu.memory_space<vmem>>)
      tpu.yield
    }) : () -> ()
    %mul3A_7 = arith.constant 2 : i32
    %mul3A_8 = arith.muli %add3A, %mul3A_7 : i32
    %add3A_9 = arith.constant 1 : i32
    %add3A_10 = arith.addi %mul3A_8, %add3A_9 : i32
    %mul3A_11 = arith.constant 10240 : i32
    %mul3A_12 = arith.muli %add3A_10, %mul3A_11 : i32
    %multiple_of3A_13 = tpu.assume_multiple %mul3A_12, 10240 : i32
    "tpu.region"() ({
      %run_scoped3A = tpu.sem_alloc : memref<!tpu.dma_semaphore, #tpu.memory_space<semaphore_mem>>
      %dma_start3A_59 = tpu.memref_slice %arg2[%multiple_of3A_13] : memref<655360xi32, #tpu.memory_space<hbm>> -> memref<10240xi32, #tpu.memory_space<hbm>>
      %dma_start3A_60 = tpu.memref_slice %arg2[%multiple_of3A_13] : memref<655360xi32, #tpu.memory_space<hbm>> -> memref<10240xi32, #tpu.memory_space<hbm>>
      tpu.enqueue_dma source(%dma_start3A_60 : memref<10240xi32, #tpu.memory_space<hbm>>) target(%arg7 : memref<10240xi32, #tpu.memory_space<vmem>>) target_semaphore(%run_scoped3A : memref<!tpu.dma_semaphore, #tpu.memory_space<semaphore_mem>>)
      %dma_wait3A = tpu.memref_slice %arg2[%multiple_of3A_13] : memref<655360xi32, #tpu.memory_space<hbm>> -> memref<10240xi32, #tpu.memory_space<hbm>>
      %dma_wait3A_61 = tpu.memref_slice %arg2[%multiple_of3A_13] : memref<655360xi32, #tpu.memory_space<hbm>> -> memref<10240xi32, #tpu.memory_space<hbm>>
      tpu.wait_dma2 semaphore(%run_scoped3A : memref<!tpu.dma_semaphore, #tpu.memory_space<semaphore_mem>>) src(%dma_wait3A_61 : memref<10240xi32, #tpu.memory_space<hbm>>) dst(%arg7 : memref<10240xi32, #tpu.memory_space<vmem>>)
      tpu.yield
    }) : () -> ()
    %broadcast_in_dim3A = arith.constant 0.000000e+00 : f32
    %broadcast_in_dim3A_14 = vector.broadcast %broadcast_in_dim3A : f32 to vector<16xf32>
    %parallel_loop3A = arith.constant 0 : i32
    %parallel_loop3A_15 = arith.constant 10240 : i32
    %parallel_loop3A_16 = arith.constant 16 : i32
    scf.for %parallel_loop3A_59 = %parallel_loop3A to %parallel_loop3A_15 step %parallel_loop3A_16  : i32 {
      %parallel_loop3A_60 = arith.index_cast %parallel_loop3A_59 : i32 to index
      %parallel_loop3A_61 = tpu.vector_load %arg8[%parallel_loop3A_60] {strides = array<i32>} : memref<10240xf32, #tpu.memory_space<vmem>>, vector<16xf32>,
      tpu.vector_store %arg8[%parallel_loop3A_60], %broadcast_in_dim3A_14 {strides = array<i32>} : memref<10240xf32, #tpu.memory_space<vmem>>, vector<16xf32>,
      %parallel_loop3A_62 = arith.index_cast %parallel_loop3A_59 : i32 to index
      %parallel_loop3A_63 = tpu.vector_load %arg9[%parallel_loop3A_62] {strides = array<i32>} : memref<10240xf32, #tpu.memory_space<vmem>>, vector<16xf32>,
      tpu.vector_store %arg9[%parallel_loop3A_62], %broadcast_in_dim3A_14 {strides = array<i32>} : memref<10240xf32, #tpu.memory_space<vmem>>, vector<16xf32>,
      %parallel_loop3A_64 = arith.index_cast %parallel_loop3A_59 : i32 to index
      %parallel_loop3A_65 = tpu.vector_load %arg10[%parallel_loop3A_64] {strides = array<i32>} : memref<10240xf32, #tpu.memory_space<vmem>>, vector<16xf32>,
      tpu.vector_store %arg10[%parallel_loop3A_64], %broadcast_in_dim3A_14 {strides = array<i32>} : memref<10240xf32, #tpu.memory_space<vmem>>, vector<16xf32>,
      %parallel_loop3A_66 = arith.index_cast %parallel_loop3A_59 : i32 to index
      %parallel_loop3A_67 = tpu.vector_load %arg11[%parallel_loop3A_66] {strides = array<i32>} : memref<10240xf32, #tpu.memory_space<vmem>>, vector<16xf32>,
      tpu.vector_store %arg11[%parallel_loop3A_66], %broadcast_in_dim3A_14 {strides = array<i32>} : memref<10240xf32, #tpu.memory_space<vmem>>, vector<16xf32>,
    } {sc.loop_unroll_factor = 8 : i64, sc.parallel_access}
    %multiple_of3A_17 = arith.constant 0 : i32
    %multiple_of3A_18 = tpu.assume_multiple %multiple_of3A_17, 6400 : i32
    %dma_start3A = tpu.memref_slice %arg3[%multiple_of3A_18] : memref<320000xi32, #tpu.memory_space<hbm>> -> memref<6400xi32, #tpu.memory_space<hbm>>
    %dma_start3A_19 = tpu.memref_slice %arg3[%multiple_of3A_18] : memref<320000xi32, #tpu.memory_space<hbm>> -> memref<6400xi32, #tpu.memory_space<hbm>>
    tpu.enqueue_dma source(%dma_start3A_19 : memref<6400xi32, #tpu.memory_space<hbm>>) target(%arg12 : memref<6400xi32, #tpu.memory_space<vmem>>) target_semaphore(%arg16 : memref<!tpu.dma_semaphore, #tpu.memory_space<semaphore_mem>>)
    %dma_start3A_20 = tpu.memref_slice %arg4[%multiple_of3A_18] : memref<320000xf32, #tpu.memory_space<hbm>> -> memref<6400xf32, #tpu.memory_space<hbm>>
    %dma_start3A_21 = tpu.memref_slice %arg4[%multiple_of3A_18] : memref<320000xf32, #tpu.memory_space<hbm>> -> memref<6400xf32, #tpu.memory_space<hbm>>
    tpu.enqueue_dma source(%dma_start3A_21 : memref<6400xf32, #tpu.memory_space<hbm>>) target(%arg14 : memref<6400xf32, #tpu.memory_space<vmem>>) target_semaphore(%arg16 : memref<!tpu.dma_semaphore, #tpu.memory_space<semaphore_mem>>)
    %scan3A = arith.constant 0 : i32
    %scan3A_22 = arith.constant 0 : i32
    %scan3A_23 = arith.constant 25 : i32
    %scan3A_24 = arith.addi %scan3A_22, %scan3A_23 : i32
    %scan3A_25 = arith.constant 1 : i32
    scf.for %scan3A_59 = %scan3A_22 to %scan3A_24 step %scan3A_25  : i32 {
      %mul3A_60 = arith.constant 2 : i32
      %mul3A_61 = arith.muli %scan3A_59, %mul3A_60 : i32
      %add3A_62 = arith.constant 0 : i32
      %add3A_63 = arith.addi %mul3A_61, %add3A_62 : i32
      %mul3A_64 = arith.constant 6400 : i32
      %mul3A_65 = arith.muli %add3A_63, %mul3A_64 : i32
      %multiple_of3A_66 = tpu.assume_multiple %mul3A_65, 6400 : i32
      %dma_wait3A = tpu.memref_slice %arg3[%multiple_of3A_66] : memref<320000xi32, #tpu.memory_space<hbm>> -> memref<6400xi32, #tpu.memory_space<hbm>>
      %dma_wait3A_67 = tpu.memref_slice %arg3[%multiple_of3A_66] : memref<320000xi32, #tpu.memory_space<hbm>> -> memref<6400xi32, #tpu.memory_space<hbm>>
      tpu.wait_dma2 semaphore(%arg16 : memref<!tpu.dma_semaphore, #tpu.memory_space<semaphore_mem>>) src(%dma_wait3A_67 : memref<6400xi32, #tpu.memory_space<hbm>>) dst(%arg12 : memref<6400xi32, #tpu.memory_space<vmem>>)
      %dma_wait3A_68 = tpu.memref_slice %arg4[%multiple_of3A_66] : memref<320000xf32, #tpu.memory_space<hbm>> -> memref<6400xf32, #tpu.memory_space<hbm>>
      %dma_wait3A_69 = tpu.memref_slice %arg4[%multiple_of3A_66] : memref<320000xf32, #tpu.memory_space<hbm>> -> memref<6400xf32, #tpu.memory_space<hbm>>
      tpu.wait_dma2 semaphore(%arg16 : memref<!tpu.dma_semaphore, #tpu.memory_space<semaphore_mem>>) src(%dma_wait3A_69 : memref<6400xf32, #tpu.memory_space<hbm>>) dst(%arg14 : memref<6400xf32, #tpu.memory_space<vmem>>)
      %add3A_70 = arith.constant 1 : i32
      %add3A_71 = arith.addi %add3A_63, %add3A_70 : i32
      %lt3A = arith.constant 50 : i32
      %lt3A_72 = arith.cmpi slt, %add3A_71, %lt3A : i32
      %convert_element_type3A = arith.extui %lt3A_72 : i1 to i32
      %cond3A = arith.constant 0 : i32
      %cond3A_73 = arith.cmpi ne, %convert_element_type3A, %cond3A : i32
      scf.if %cond3A_73 {
        %add3A_98 = arith.constant 1 : i32
        %add3A_99 = arith.addi %add3A_63, %add3A_98 : i32
        %mul3A_100 = arith.constant 6400 : i32
        %mul3A_101 = arith.muli %add3A_99, %mul3A_100 : i32
        %multiple_of3A_102 = tpu.assume_multiple %mul3A_101, 6400 : i32
        %dma_start3A_103 = tpu.memref_slice %arg3[%multiple_of3A_102] : memref<320000xi32, #tpu.memory_space<hbm>> -> memref<6400xi32, #tpu.memory_space<hbm>>
        %dma_start3A_104 = tpu.memref_slice %arg3[%multiple_of3A_102] : memref<320000xi32, #tpu.memory_space<hbm>> -> memref<6400xi32, #tpu.memory_space<hbm>>
        tpu.enqueue_dma source(%dma_start3A_104 : memref<6400xi32, #tpu.memory_space<hbm>>) target(%arg13 : memref<6400xi32, #tpu.memory_space<vmem>>) target_semaphore(%arg17 : memref<!tpu.dma_semaphore, #tpu.memory_space<semaphore_mem>>)
        %dma_start3A_105 = tpu.memref_slice %arg4[%multiple_of3A_102] : memref<320000xf32, #tpu.memory_space<hbm>> -> memref<6400xf32, #tpu.memory_space<hbm>>
        %dma_start3A_106 = tpu.memref_slice %arg4[%multiple_of3A_102] : memref<320000xf32, #tpu.memory_space<hbm>> -> memref<6400xf32, #tpu.memory_space<hbm>>
        tpu.enqueue_dma source(%dma_start3A_106 : memref<6400xf32, #tpu.memory_space<hbm>>) target(%arg15 : memref<6400xf32, #tpu.memory_space<vmem>>) target_semaphore(%arg17 : memref<!tpu.dma_semaphore, #tpu.memory_space<semaphore_mem>>)
      } else {
      }
      %parallel_loop3A_74 = arith.constant 0 : i32
      %parallel_loop3A_75 = arith.constant 6400 : i32
      %parallel_loop3A_76 = arith.constant 16 : i32
      scf.for %parallel_loop3A_98 = %parallel_loop3A_74 to %parallel_loop3A_75 step %parallel_loop3A_76  : i32 {
        %parallel_loop3A_99 = arith.index_cast %parallel_loop3A_98 : i32 to index
        %parallel_loop3A_100 = tpu.vector_load %arg12[%parallel_loop3A_99] {strides = array<i32>} : memref<6400xi32, #tpu.memory_space<vmem>>, vector<16xi32>,
        %parallel_loop3A_101 = arith.index_cast %parallel_loop3A_98 : i32 to index
        %parallel_loop3A_102 = tpu.vector_load %arg14[%parallel_loop3A_101] {strides = array<i32>} : memref<6400xf32, #tpu.memory_space<vmem>>, vector<16xf32>,
        %parallel_loop3A_103 = arith.constant 16383 : i32
        %parallel_loop3A_104 = vector.broadcast %parallel_loop3A_103 : i32 to vector<16xi32>
        %parallel_loop3A_105 = arith.andi %parallel_loop3A_100, %parallel_loop3A_104 : vector<16xi32>
        %parallel_loop3A_106 = arith.constant 14 : i32
        %parallel_loop3A_107 = vector.broadcast %parallel_loop3A_106 : i32 to vector<16xi32>
        %parallel_loop3A_108 = arith.shrsi %parallel_loop3A_100, %parallel_loop3A_107 : vector<16xi32>
        %parallel_loop3A_109 = tpu.vector_load_idx %arg6[%parallel_loop3A_105] : memref<10240xi32, #tpu.memory_space<vmem>>[vector<16xi32>], vector<16xi32>,
        %parallel_loop3A_110 = vector.bitcast %parallel_loop3A_109 : vector<16xi32> to vector<32xbf16>
        %parallel_loop3A_111 = tpu.unpack_subelements %parallel_loop3A_110, 0 {pack_format = #tpu.pack_format<interleaved>} : vector<32xbf16> -> vector<16xf32>
        %parallel_loop3A_112 = tpu.unpack_subelements %parallel_loop3A_110, 1 {pack_format = #tpu.pack_format<interleaved>} : vector<32xbf16> -> vector<16xf32>
        %parallel_loop3A_113 = arith.mulf %parallel_loop3A_111, %parallel_loop3A_102 : vector<16xf32>
        tpu.vector_store_idx %arg8[%parallel_loop3A_108], %parallel_loop3A_113 {add = true} : memref<10240xf32, #tpu.memory_space<vmem>>[vector<16xi32>], vector<16xf32>,
        %parallel_loop3A_114 = arith.mulf %parallel_loop3A_112, %parallel_loop3A_102 : vector<16xf32>
        tpu.vector_store_idx %arg10[%parallel_loop3A_108], %parallel_loop3A_114 {add = true} : memref<10240xf32, #tpu.memory_space<vmem>>[vector<16xi32>], vector<16xf32>,
        %parallel_loop3A_115 = tpu.vector_load_idx %arg7[%parallel_loop3A_105] : memref<10240xi32, #tpu.memory_space<vmem>>[vector<16xi32>], vector<16xi32>,
        %parallel_loop3A_116 = vector.bitcast %parallel_loop3A_115 : vector<16xi32> to vector<32xbf16>
        %parallel_loop3A_117 = tpu.unpack_subelements %parallel_loop3A_116, 0 {pack_format = #tpu.pack_format<interleaved>} : vector<32xbf16> -> vector<16xf32>
        %parallel_loop3A_118 = tpu.unpack_subelements %parallel_loop3A_116, 1 {pack_format = #tpu.pack_format<interleaved>} : vector<32xbf16> -> vector<16xf32>
        %parallel_loop3A_119 = arith.mulf %parallel_loop3A_117, %parallel_loop3A_102 : vector<16xf32>
        tpu.vector_store_idx %arg9[%parallel_loop3A_108], %parallel_loop3A_119 {add = true} : memref<10240xf32, #tpu.memory_space<vmem>>[vector<16xi32>], vector<16xf32>,
        %parallel_loop3A_120 = arith.mulf %parallel_loop3A_118, %parallel_loop3A_102 : vector<16xf32>
        tpu.vector_store_idx %arg11[%parallel_loop3A_108], %parallel_loop3A_120 {add = true} : memref<10240xf32, #tpu.memory_space<vmem>>[vector<16xi32>], vector<16xf32>,
      } {sc.loop_unroll_factor = 8 : i64, sc.parallel_access}
      %mul3A_77 = arith.constant 2 : i32
      %mul3A_78 = arith.muli %scan3A_59, %mul3A_77 : i32
      %add3A_79 = arith.constant 1 : i32
      %add3A_80 = arith.addi %mul3A_78, %add3A_79 : i32
      %mul3A_81 = arith.constant 6400 : i32
      %mul3A_82 = arith.muli %add3A_80, %mul3A_81 : i32
      %multiple_of3A_83 = tpu.assume_multiple %mul3A_82, 6400 : i32
      %dma_wait3A_84 = tpu.memref_slice %arg3[%multiple_of3A_83] : memref<320000xi32, #tpu.memory_space<hbm>> -> memref<6400xi32, #tpu.memory_space<hbm>>
      %dma_wait3A_85 = tpu.memref_slice %arg3[%multiple_of3A_83] : memref<320000xi32, #tpu.memory_space<hbm>> -> memref<6400xi32, #tpu.memory_space<hbm>>
      tpu.wait_dma2 semaphore(%arg17 : memref<!tpu.dma_semaphore, #tpu.memory_space<semaphore_mem>>) src(%dma_wait3A_85 : memref<6400xi32, #tpu.memory_space<hbm>>) dst(%arg13 : memref<6400xi32, #tpu.memory_space<vmem>>)
      %dma_wait3A_86 = tpu.memref_slice %arg4[%multiple_of3A_83] : memref<320000xf32, #tpu.memory_space<hbm>> -> memref<6400xf32, #tpu.memory_space<hbm>>
      %dma_wait3A_87 = tpu.memref_slice %arg4[%multiple_of3A_83] : memref<320000xf32, #tpu.memory_space<hbm>> -> memref<6400xf32, #tpu.memory_space<hbm>>
      tpu.wait_dma2 semaphore(%arg17 : memref<!tpu.dma_semaphore, #tpu.memory_space<semaphore_mem>>) src(%dma_wait3A_87 : memref<6400xf32, #tpu.memory_space<hbm>>) dst(%arg15 : memref<6400xf32, #tpu.memory_space<vmem>>)
      %add3A_88 = arith.constant 1 : i32
      %add3A_89 = arith.addi %add3A_80, %add3A_88 : i32
      %lt3A_90 = arith.constant 50 : i32
      %lt3A_91 = arith.cmpi slt, %add3A_89, %lt3A_90 : i32
      %convert_element_type3A_92 = arith.extui %lt3A_91 : i1 to i32
      %cond3A_93 = arith.constant 0 : i32
      %cond3A_94 = arith.cmpi ne, %convert_element_type3A_92, %cond3A_93 : i32
      scf.if %cond3A_94 {
        %add3A_98 = arith.constant 1 : i32
        %add3A_99 = arith.addi %add3A_80, %add3A_98 : i32
        %mul3A_100 = arith.constant 6400 : i32
        %mul3A_101 = arith.muli %add3A_99, %mul3A_100 : i32
        %multiple_of3A_102 = tpu.assume_multiple %mul3A_101, 6400 : i32
        %dma_start3A_103 = tpu.memref_slice %arg3[%multiple_of3A_102] : memref<320000xi32, #tpu.memory_space<hbm>> -> memref<6400xi32, #tpu.memory_space<hbm>>
        %dma_start3A_104 = tpu.memref_slice %arg3[%multiple_of3A_102] : memref<320000xi32, #tpu.memory_space<hbm>> -> memref<6400xi32, #tpu.memory_space<hbm>>
        tpu.enqueue_dma source(%dma_start3A_104 : memref<6400xi32, #tpu.memory_space<hbm>>) target(%arg12 : memref<6400xi32, #tpu.memory_space<vmem>>) target_semaphore(%arg16 : memref<!tpu.dma_semaphore, #tpu.memory_space<semaphore_mem>>)
        %dma_start3A_105 = tpu.memref_slice %arg4[%multiple_of3A_102] : memref<320000xf32, #tpu.memory_space<hbm>> -> memref<6400xf32, #tpu.memory_space<hbm>>
        %dma_start3A_106 = tpu.memref_slice %arg4[%multiple_of3A_102] : memref<320000xf32, #tpu.memory_space<hbm>> -> memref<6400xf32, #tpu.memory_space<hbm>>
        tpu.enqueue_dma source(%dma_start3A_106 : memref<6400xf32, #tpu.memory_space<hbm>>) target(%arg14 : memref<6400xf32, #tpu.memory_space<vmem>>) target_semaphore(%arg16 : memref<!tpu.dma_semaphore, #tpu.memory_space<semaphore_mem>>)
      } else {
      }
      %parallel_loop3A_95 = arith.constant 0 : i32
      %parallel_loop3A_96 = arith.constant 6400 : i32
      %parallel_loop3A_97 = arith.constant 16 : i32
      scf.for %parallel_loop3A_98 = %parallel_loop3A_95 to %parallel_loop3A_96 step %parallel_loop3A_97  : i32 {
        %parallel_loop3A_99 = arith.index_cast %parallel_loop3A_98 : i32 to index
        %parallel_loop3A_100 = tpu.vector_load %arg13[%parallel_loop3A_99] {strides = array<i32>} : memref<6400xi32, #tpu.memory_space<vmem>>, vector<16xi32>,
        %parallel_loop3A_101 = arith.index_cast %parallel_loop3A_98 : i32 to index
        %parallel_loop3A_102 = tpu.vector_load %arg15[%parallel_loop3A_101] {strides = array<i32>} : memref<6400xf32, #tpu.memory_space<vmem>>, vector<16xf32>,
        %parallel_loop3A_103 = arith.constant 16383 : i32
        %parallel_loop3A_104 = vector.broadcast %parallel_loop3A_103 : i32 to vector<16xi32>
        %parallel_loop3A_105 = arith.andi %parallel_loop3A_100, %parallel_loop3A_104 : vector<16xi32>
        %parallel_loop3A_106 = arith.constant 14 : i32
        %parallel_loop3A_107 = vector.broadcast %parallel_loop3A_106 : i32 to vector<16xi32>
        %parallel_loop3A_108 = arith.shrsi %parallel_loop3A_100, %parallel_loop3A_107 : vector<16xi32>
        %parallel_loop3A_109 = tpu.vector_load_idx %arg6[%parallel_loop3A_105] : memref<10240xi32, #tpu.memory_space<vmem>>[vector<16xi32>], vector<16xi32>,
        %parallel_loop3A_110 = vector.bitcast %parallel_loop3A_109 : vector<16xi32> to vector<32xbf16>
        %parallel_loop3A_111 = tpu.unpack_subelements %parallel_loop3A_110, 0 {pack_format = #tpu.pack_format<interleaved>} : vector<32xbf16> -> vector<16xf32>
        %parallel_loop3A_112 = tpu.unpack_subelements %parallel_loop3A_110, 1 {pack_format = #tpu.pack_format<interleaved>} : vector<32xbf16> -> vector<16xf32>
        %parallel_loop3A_113 = arith.mulf %parallel_loop3A_111, %parallel_loop3A_102 : vector<16xf32>
        tpu.vector_store_idx %arg8[%parallel_loop3A_108], %parallel_loop3A_113 {add = true} : memref<10240xf32, #tpu.memory_space<vmem>>[vector<16xi32>], vector<16xf32>,
        %parallel_loop3A_114 = arith.mulf %parallel_loop3A_112, %parallel_loop3A_102 : vector<16xf32>
        tpu.vector_store_idx %arg10[%parallel_loop3A_108], %parallel_loop3A_114 {add = true} : memref<10240xf32, #tpu.memory_space<vmem>>[vector<16xi32>], vector<16xf32>,
        %parallel_loop3A_115 = tpu.vector_load_idx %arg7[%parallel_loop3A_105] : memref<10240xi32, #tpu.memory_space<vmem>>[vector<16xi32>], vector<16xi32>,
        %parallel_loop3A_116 = vector.bitcast %parallel_loop3A_115 : vector<16xi32> to vector<32xbf16>
        %parallel_loop3A_117 = tpu.unpack_subelements %parallel_loop3A_116, 0 {pack_format = #tpu.pack_format<interleaved>} : vector<32xbf16> -> vector<16xf32>
        %parallel_loop3A_118 = tpu.unpack_subelements %parallel_loop3A_116, 1 {pack_format = #tpu.pack_format<interleaved>} : vector<32xbf16> -> vector<16xf32>
        %parallel_loop3A_119 = arith.mulf %parallel_loop3A_117, %parallel_loop3A_102 : vector<16xf32>
        tpu.vector_store_idx %arg9[%parallel_loop3A_108], %parallel_loop3A_119 {add = true} : memref<10240xf32, #tpu.memory_space<vmem>>[vector<16xi32>], vector<16xf32>,
        %parallel_loop3A_120 = arith.mulf %parallel_loop3A_118, %parallel_loop3A_102 : vector<16xf32>
        tpu.vector_store_idx %arg11[%parallel_loop3A_108], %parallel_loop3A_120 {add = true} : memref<10240xf32, #tpu.memory_space<vmem>>[vector<16xi32>], vector<16xf32>,
      } {sc.loop_unroll_factor = 8 : i64, sc.parallel_access}
    }
    %scan3A_26 = arith.constant 25 : i32
    %mul3A_27 = arith.constant 2 : i32
    %mul3A_28 = arith.muli %add3A, %mul3A_27 : i32
    %add3A_29 = arith.constant 0 : i32
    %add3A_30 = arith.addi %mul3A_28, %add3A_29 : i32
    %mul3A_31 = arith.constant 10240 : i32
    %mul3A_32 = arith.muli %add3A_30, %mul3A_31 : i32
    %multiple_of3A_33 = tpu.assume_multiple %mul3A_32, 10240 : i32
    %mul3A_34 = arith.constant 2 : i32
    %mul3A_35 = arith.muli %add3A, %mul3A_34 : i32
    %add3A_36 = arith.constant 64 : i32
    %add3A_37 = arith.addi %mul3A_35, %add3A_36 : i32
    %add3A_38 = arith.constant 0 : i32
    %add3A_39 = arith.addi %add3A_37, %add3A_38 : i32
    %mul3A_40 = arith.constant 10240 : i32
    %mul3A_41 = arith.muli %add3A_39, %mul3A_40 : i32
    %multiple_of3A_42 = tpu.assume_multiple %mul3A_41, 10240 : i32
    "tpu.region"() ({
      %run_scoped3A = tpu.sem_alloc : memref<!tpu.dma_semaphore, #tpu.memory_space<semaphore_mem>>
      %dma_start3A_59 = tpu.memref_slice %arg5[%multiple_of3A_33] : memref<1310720xf32, #tpu.memory_space<hbm>> -> memref<10240xf32, #tpu.memory_space<hbm>>
      %dma_start3A_60 = tpu.memref_slice %arg5[%multiple_of3A_33] : memref<1310720xf32, #tpu.memory_space<hbm>> -> memref<10240xf32, #tpu.memory_space<hbm>>
      tpu.enqueue_dma source(%arg8 : memref<10240xf32, #tpu.memory_space<vmem>>) target(%dma_start3A_60 : memref<10240xf32, #tpu.memory_space<hbm>>) target_semaphore(%run_scoped3A : memref<!tpu.dma_semaphore, #tpu.memory_space<semaphore_mem>>)
      %dma_wait3A = tpu.memref_slice %arg5[%multiple_of3A_33] : memref<1310720xf32, #tpu.memory_space<hbm>> -> memref<10240xf32, #tpu.memory_space<hbm>>
      %dma_wait3A_61 = tpu.memref_slice %arg5[%multiple_of3A_33] : memref<1310720xf32, #tpu.memory_space<hbm>> -> memref<10240xf32, #tpu.memory_space<hbm>>
      tpu.wait_dma2 semaphore(%run_scoped3A : memref<!tpu.dma_semaphore, #tpu.memory_space<semaphore_mem>>) src(%arg8 : memref<10240xf32, #tpu.memory_space<vmem>>) dst(%dma_wait3A_61 : memref<10240xf32, #tpu.memory_space<hbm>>)
      tpu.yield
    }) : () -> ()
    "tpu.region"() ({
      %run_scoped3A = tpu.sem_alloc : memref<!tpu.dma_semaphore, #tpu.memory_space<semaphore_mem>>
      %dma_start3A_59 = tpu.memref_slice %arg5[%multiple_of3A_42] : memref<1310720xf32, #tpu.memory_space<hbm>> -> memref<10240xf32, #tpu.memory_space<hbm>>
      %dma_start3A_60 = tpu.memref_slice %arg5[%multiple_of3A_42] : memref<1310720xf32, #tpu.memory_space<hbm>> -> memref<10240xf32, #tpu.memory_space<hbm>>
      tpu.enqueue_dma source(%arg10 : memref<10240xf32, #tpu.memory_space<vmem>>) target(%dma_start3A_60 : memref<10240xf32, #tpu.memory_space<hbm>>) target_semaphore(%run_scoped3A : memref<!tpu.dma_semaphore, #tpu.memory_space<semaphore_mem>>)
      %dma_wait3A = tpu.memref_slice %arg5[%multiple_of3A_42] : memref<1310720xf32, #tpu.memory_space<hbm>> -> memref<10240xf32, #tpu.memory_space<hbm>>
      %dma_wait3A_61 = tpu.memref_slice %arg5[%multiple_of3A_42] : memref<1310720xf32, #tpu.memory_space<hbm>> -> memref<10240xf32, #tpu.memory_space<hbm>>
      tpu.wait_dma2 semaphore(%run_scoped3A : memref<!tpu.dma_semaphore, #tpu.memory_space<semaphore_mem>>) src(%arg10 : memref<10240xf32, #tpu.memory_space<vmem>>) dst(%dma_wait3A_61 : memref<10240xf32, #tpu.memory_space<hbm>>)
      tpu.yield
    }) : () -> ()
    %mul3A_43 = arith.constant 2 : i32
    %mul3A_44 = arith.muli %add3A, %mul3A_43 : i32
    %add3A_45 = arith.constant 1 : i32
    %add3A_46 = arith.addi %mul3A_44, %add3A_45 : i32
    %mul3A_47 = arith.constant 10240 : i32
    %mul3A_48 = arith.muli %add3A_46, %mul3A_47 : i32
    %multiple_of3A_49 = tpu.assume_multiple %mul3A_48, 10240 : i32
    %mul3A_50 = arith.constant 2 : i32
    %mul3A_51 = arith.muli %add3A, %mul3A_50 : i32
    %add3A_52 = arith.constant 64 : i32
    %add3A_53 = arith.addi %mul3A_51, %add3A_52 : i32
    %add3A_54 = arith.constant 1 : i32
    %add3A_55 = arith.addi %add3A_53, %add3A_54 : i32
    %mul3A_56 = arith.constant 10240 : i32
    %mul3A_57 = arith.muli %add3A_55, %mul3A_56 : i32
    %multiple_of3A_58 = tpu.assume_multiple %mul3A_57, 10240 : i32
    "tpu.region"() ({
      %run_scoped3A = tpu.sem_alloc : memref<!tpu.dma_semaphore, #tpu.memory_space<semaphore_mem>>
      %dma_start3A_59 = tpu.memref_slice %arg5[%multiple_of3A_49] : memref<1310720xf32, #tpu.memory_space<hbm>> -> memref<10240xf32, #tpu.memory_space<hbm>>
      %dma_start3A_60 = tpu.memref_slice %arg5[%multiple_of3A_49] : memref<1310720xf32, #tpu.memory_space<hbm>> -> memref<10240xf32, #tpu.memory_space<hbm>>
      tpu.enqueue_dma source(%arg9 : memref<10240xf32, #tpu.memory_space<vmem>>) target(%dma_start3A_60 : memref<10240xf32, #tpu.memory_space<hbm>>) target_semaphore(%run_scoped3A : memref<!tpu.dma_semaphore, #tpu.memory_space<semaphore_mem>>)
      %dma_wait3A = tpu.memref_slice %arg5[%multiple_of3A_49] : memref<1310720xf32, #tpu.memory_space<hbm>> -> memref<10240xf32, #tpu.memory_space<hbm>>
      %dma_wait3A_61 = tpu.memref_slice %arg5[%multiple_of3A_49] : memref<1310720xf32, #tpu.memory_space<hbm>> -> memref<10240xf32, #tpu.memory_space<hbm>>
      tpu.wait_dma2 semaphore(%run_scoped3A : memref<!tpu.dma_semaphore, #tpu.memory_space<semaphore_mem>>) src(%arg9 : memref<10240xf32, #tpu.memory_space<vmem>>) dst(%dma_wait3A_61 : memref<10240xf32, #tpu.memory_space<hbm>>)
      tpu.yield
    }) : () -> ()
    "tpu.region"() ({
      %run_scoped3A = tpu.sem_alloc : memref<!tpu.dma_semaphore, #tpu.memory_space<semaphore_mem>>
      %dma_start3A_59 = tpu.memref_slice %arg5[%multiple_of3A_58] : memref<1310720xf32, #tpu.memory_space<hbm>> -> memref<10240xf32, #tpu.memory_space<hbm>>
      %dma_start3A_60 = tpu.memref_slice %arg5[%multiple_of3A_58] : memref<1310720xf32, #tpu.memory_space<hbm>> -> memref<10240xf32, #tpu.memory_space<hbm>>
      tpu.enqueue_dma source(%arg11 : memref<10240xf32, #tpu.memory_space<vmem>>) target(%dma_start3A_60 : memref<10240xf32, #tpu.memory_space<hbm>>) target_semaphore(%run_scoped3A : memref<!tpu.dma_semaphore, #tpu.memory_space<semaphore_mem>>)
      %dma_wait3A = tpu.memref_slice %arg5[%multiple_of3A_58] : memref<1310720xf32, #tpu.memory_space<hbm>> -> memref<10240xf32, #tpu.memory_space<hbm>>
      %dma_wait3A_61 = tpu.memref_slice %arg5[%multiple_of3A_58] : memref<1310720xf32, #tpu.memory_space<hbm>> -> memref<10240xf32, #tpu.memory_space<hbm>>
      tpu.wait_dma2 semaphore(%run_scoped3A : memref<!tpu.dma_semaphore, #tpu.memory_space<semaphore_mem>>) src(%arg11 : memref<10240xf32, #tpu.memory_space<vmem>>) dst(%dma_wait3A_61 : memref<10240xf32, #tpu.memory_space<hbm>>)
      tpu.yield
    }) : () -> ()
    return
  }
}

module attributes {stable_mosaic.version = 14 : i64} {
  func.func @_tc0_body(%arg0: i32, %arg1: memref<3xf32, #tpu.memory_space<smem>>, %arg2: memref<512x128xf32, #tpu.memory_space<vmem>>, %arg3: memref<512x128xf32, #tpu.memory_space<vmem>>, %arg4: memref<128x512xf32, #tpu.memory_space<vmem>>, %arg5: memref<64x512xi32, #tpu.memory_space<vmem>>, %arg6: memref<128x512xf32, #tpu.memory_space<vmem>>) attributes {dimension_semantics = [#tpu.dimension_semantics<arbitrary>], iteration_bounds = array<i64: 20>, scalar_prefetch = 0 : i64, scratch_operands = 0 : i64, tpu.core_type = #tpu.core_type<tc>, window_params = [{transform_indices = @transform_0, window_bounds = array<i64: 3>}, {transform_indices = @transform_1, window_bounds = array<i64: 512, 128>}, {transform_indices = @transform_2, window_bounds = array<i64: 512, 128>}, {transform_indices = @transform_3, window_bounds = array<i64: 128, 512>}, {transform_indices = @transform_4, window_bounds = array<i64: 64, 512>}, {transform_indices = @transform_5, window_bounds = array<i64: 128, 512>}]} {
    %get3A = arith.constant 0 : index
    %get3A_0 = arith.constant 0 : index
    %get3A_1 = vector.load %arg2[%get3A, %get3A_0] : memref<512x128xf32, #tpu.memory_space<vmem>>, vector<512x128xf32>
    %transpose3A = tpu.transpose %get3A_1, [1, 0] : vector<512x128xf32> -> vector<128x512xf32>
    %get3A_2 = arith.constant 0 : index
    %get3A_3 = arith.constant 0 : index
    %get3A_4 = vector.load %arg3[%get3A_2, %get3A_3] : memref<512x128xf32, #tpu.memory_space<vmem>>, vector<512x128xf32>
    %transpose3A_5 = tpu.transpose %get3A_4, [1, 0] : vector<512x128xf32> -> vector<128x512xf32>
    %swap3A = arith.constant 0 : index
    %swap3A_6 = arith.constant 0 : index
    %swap3A_7 = vector.load %arg6[%swap3A, %swap3A_6] : memref<128x512xf32, #tpu.memory_space<vmem>>, vector<128x512xf32>
    tpu.vector_store %arg6[%swap3A, %swap3A_6], %transpose3A_5 {strides = array<i32>} : memref<128x512xf32, #tpu.memory_space<vmem>>, vector<128x512xf32>,
    %add3A = arith.addf %transpose3A, %transpose3A_5 : vector<128x512xf32>
    %swap3A_8 = arith.constant 0 : index
    %swap3A_9 = arith.constant 0 : index
    %swap3A_10 = vector.load %arg4[%swap3A_8, %swap3A_9] : memref<128x512xf32, #tpu.memory_space<vmem>>, vector<128x512xf32>
    tpu.vector_store %arg4[%swap3A_8, %swap3A_9], %add3A {strides = array<i32>} : memref<128x512xf32, #tpu.memory_space<vmem>>, vector<128x512xf32>,
    %get3A_11 = arith.constant 0 : index
    %get3A_12 = memref.load %arg1[%get3A_11] : memref<3xf32, #tpu.memory_space<smem>>
    %mul3A = vector.broadcast %get3A_12 : f32 to vector<128x512xf32>
    %mul3A_13 = arith.mulf %mul3A, %transpose3A_5 : vector<128x512xf32>
    %add3A_14 = arith.addf %transpose3A, %mul3A_13 : vector<128x512xf32>
    %slice3A = vector.extract_strided_slice %add3A_14 {offsets = [0, 0], sizes = [64, 512], strides = [1, 1]} : vector<128x512xf32> to vector<64x512xf32>
    %convert_element_type3A = arith.truncf %slice3A : vector<64x512xf32> to vector<64x512xbf16>
    %bitcast_convert_type3A = tpu.bitcast %convert_element_type3A : vector<64x512xbf16> -> vector<64x512xi16>
    %convert_element_type3A_15 = arith.extui %bitcast_convert_type3A : vector<64x512xi16> to vector<64x512xi32>
    %slice3A_16 = vector.extract_strided_slice %add3A_14 {offsets = [64, 0], sizes = [64, 512], strides = [1, 1]} : vector<128x512xf32> to vector<64x512xf32>
    %convert_element_type3A_17 = arith.truncf %slice3A_16 : vector<64x512xf32> to vector<64x512xbf16>
    %bitcast_convert_type3A_18 = tpu.bitcast %convert_element_type3A_17 : vector<64x512xbf16> -> vector<64x512xi16>
    %convert_element_type3A_19 = arith.extui %bitcast_convert_type3A_18 : vector<64x512xi16> to vector<64x512xi32>
    %shift_left3A = arith.constant 16 : i32
    %shift_left3A_20 = vector.broadcast %shift_left3A : i32 to vector<64x512xi32>
    %shift_left3A_21 = arith.shli %convert_element_type3A_19, %shift_left3A_20 : vector<64x512xi32>
    %or3A = arith.ori %shift_left3A_21, %convert_element_type3A_15 : vector<64x512xi32>
    %bitcast_convert_type3A_22 = tpu.bitcast %or3A : vector<64x512xi32> -> vector<64x512xi32>
    %swap3A_23 = arith.constant 0 : index
    %swap3A_24 = arith.constant 0 : index
    %swap3A_25 = vector.load %arg5[%swap3A_23, %swap3A_24] : memref<64x512xi32, #tpu.memory_space<vmem>>, vector<64x512xi32>
    tpu.vector_store %arg5[%swap3A_23, %swap3A_24], %bitcast_convert_type3A_22 {strides = array<i32>} : memref<64x512xi32, #tpu.memory_space<vmem>>, vector<64x512xi32>,
    return
  }
  func.func @transform_0(%arg0: i32) -> i32 {
    %c0_i32 = arith.constant 0 : i32
    %c0_i32_0 = arith.constant 0 : i32
    return %c0_i32 : i32
  }
  func.func @transform_1(%arg0: i32) -> (i32, i32) {
    %c0_i32 = arith.constant 0 : i32
    %c0_i32_0 = arith.constant 0 : i32
    return %arg0, %c0_i32 : i32, i32
  }
  func.func @transform_2(%arg0: i32) -> (i32, i32) {
    %c0_i32 = arith.constant 0 : i32
    %c0_i32_0 = arith.constant 0 : i32
    return %arg0, %c0_i32 : i32, i32
  }
  func.func @transform_3(%arg0: i32) -> (i32, i32) {
    %c0_i32 = arith.constant 0 : i32
    %c0_i32_0 = arith.constant 0 : i32
    return %c0_i32, %arg0 : i32, i32
  }
  func.func @transform_4(%arg0: i32) -> (i32, i32) {
    %c0_i32 = arith.constant 0 : i32
    %c0_i32_0 = arith.constant 0 : i32
    return %c0_i32, %arg0 : i32, i32
  }
  func.func @transform_5(%arg0: i32) -> (i32, i32) {
    %c0_i32 = arith.constant 0 : i32
    %c0_i32_0 = arith.constant 0 : i32
    return %c0_i32, %arg0 : i32, i32
  }
}

module attributes {stable_mosaic.version = 14 : i64} {
  func.func @_tc1_body(%arg0: i32, %arg1: memref<1xf32, #tpu.memory_space<smem>>, %arg2: memref<128x512xf32, #tpu.memory_space<vmem>>, %arg3: memref<128x512xf32, #tpu.memory_space<vmem>>, %arg4: memref<128x128xf32, #tpu.memory_space<vmem>>, %arg5: memref<128x1xf32, #tpu.memory_space<vmem>>, %arg6: memref<128x128xf32, #tpu.memory_space<vmem>>, %arg7: memref<128x1xf32, #tpu.memory_space<vmem>>, %arg8: memref<128x1xf32, #tpu.memory_space<vmem>>, %arg9: memref<128x1xf32, #tpu.memory_space<vmem>>, %arg10: memref<128x512xf32, #tpu.memory_space<vmem>>, %arg11: memref<64x512xi32, #tpu.memory_space<vmem>>) attributes {dimension_semantics = [#tpu.dimension_semantics<arbitrary>], iteration_bounds = array<i64: 20>, scalar_prefetch = 0 : i64, scratch_operands = 0 : i64, tpu.core_type = #tpu.core_type<tc>, window_params = [{transform_indices = @transform_0, window_bounds = array<i64: 1>}, {transform_indices = @transform_1, window_bounds = array<i64: 128, 512>}, {transform_indices = @transform_2, window_bounds = array<i64: 128, 512>}, {pipeline_mode = #tpu.pipeline_mode<synchronous>, transform_indices = @transform_3, window_bounds = array<i64: 128, 128>}, {pipeline_mode = #tpu.pipeline_mode<synchronous>, transform_indices = @transform_4, window_bounds = array<i64: 128, 1>}, {pipeline_mode = #tpu.pipeline_mode<synchronous>, transform_indices = @transform_5, window_bounds = array<i64: 128, 128>}, {pipeline_mode = #tpu.pipeline_mode<synchronous>, transform_indices = @transform_6, window_bounds = array<i64: 128, 1>}, {pipeline_mode = #tpu.pipeline_mode<synchronous>, transform_indices = @transform_7, window_bounds = array<i64: 128, 1>}, {pipeline_mode = #tpu.pipeline_mode<synchronous>, transform_indices = @transform_8, window_bounds = array<i64: 128, 1>}, {transform_indices = @transform_9, window_bounds = array<i64: 128, 512>}, {transform_indices = @transform_10, window_bounds = array<i64: 64, 512>}]} {
    %get3A = arith.constant 0 : index
    %get3A_0 = arith.constant 0 : index
    %get3A_1 = vector.load %arg2[%get3A, %get3A_0] : memref<128x512xf32, #tpu.memory_space<vmem>>, vector<128x512xf32>
    %get3A_2 = arith.constant 0 : index
    %get3A_3 = arith.constant 0 : index
    %get3A_4 = vector.load %arg4[%get3A_2, %get3A_3] : memref<128x128xf32, #tpu.memory_space<vmem>>, vector<128x128xf32>
    %dot_general3A = arith.constant dense<0.000000e+00> : vector<128x512xf32>
    %dot_general3A_5 = tpu.matmul %get3A_4, %get3A_1, %dot_general3A {dimension_numbers = #tpu.dot_dimension_numbers<[1], [0], [0], [1], [0, 0, 1, 1], [], []>, transpose_lhs_hint = false} : vector<128x128xf32>, vector<128x512xf32>, vector<128x512xf32> -> vector<128x512xf32>
    %get3A_6 = arith.constant 0 : index
    %get3A_7 = arith.constant 0 : index
    %get3A_8 = vector.load %arg5[%get3A_6, %get3A_7] : memref<128x1xf32, #tpu.memory_space<vmem>>, vector<128x1xf32>
    %add3A = vector.broadcast %get3A_8 : vector<128x1xf32> to vector<128x512xf32>
    %add3A_9 = arith.addf %dot_general3A_5, %add3A : vector<128x512xf32>
    %max3A = arith.constant 0.000000e+00 : f32
    %max3A_10 = vector.broadcast %max3A : f32 to vector<128x512xf32>
    %max3A_11 = arith.maximumf %add3A_9, %max3A_10 : vector<128x512xf32>
    %get3A_12 = arith.constant 0 : index
    %get3A_13 = arith.constant 0 : index
    %get3A_14 = vector.load %arg6[%get3A_12, %get3A_13] : memref<128x128xf32, #tpu.memory_space<vmem>>, vector<128x128xf32>
    %dot_general3A_15 = arith.constant dense<0.000000e+00> : vector<128x512xf32>
    %dot_general3A_16 = tpu.matmul %get3A_14, %max3A_11, %dot_general3A_15 {dimension_numbers = #tpu.dot_dimension_numbers<[1], [0], [0], [1], [0, 0, 1, 1], [], []>, transpose_lhs_hint = false} : vector<128x128xf32>, vector<128x512xf32>, vector<128x512xf32> -> vector<128x512xf32>
    %get3A_17 = arith.constant 0 : index
    %get3A_18 = arith.constant 0 : index
    %get3A_19 = vector.load %arg7[%get3A_17, %get3A_18] : memref<128x1xf32, #tpu.memory_space<vmem>>, vector<128x1xf32>
    %add3A_20 = vector.broadcast %get3A_19 : vector<128x1xf32> to vector<128x512xf32>
    %add3A_21 = arith.addf %dot_general3A_16, %add3A_20 : vector<128x512xf32>
    %get3A_22 = arith.constant 0 : index
    %get3A_23 = arith.constant 0 : index
    %get3A_24 = vector.load %arg8[%get3A_22, %get3A_23] : memref<128x1xf32, #tpu.memory_space<vmem>>, vector<128x1xf32>
    %mul3A = vector.broadcast %get3A_24 : vector<128x1xf32> to vector<128x512xf32>
    %mul3A_25 = arith.mulf %add3A_21, %mul3A : vector<128x512xf32>
    %get3A_26 = arith.constant 0 : index
    %get3A_27 = arith.constant 0 : index
    %get3A_28 = vector.load %arg9[%get3A_26, %get3A_27] : memref<128x1xf32, #tpu.memory_space<vmem>>, vector<128x1xf32>
    %add3A_29 = vector.broadcast %get3A_28 : vector<128x1xf32> to vector<128x512xf32>
    %add3A_30 = arith.addf %mul3A_25, %add3A_29 : vector<128x512xf32>
    %ge3A = arith.constant 0.000000e+00 : f32
    %ge3A_31 = vector.broadcast %ge3A : f32 to vector<128x512xf32>
    %ge3A_32 = arith.cmpf oge, %add3A_30, %ge3A_31 : vector<128x512xf32>
    %mul3A_33 = arith.constant 0.00999999977 : f32
    %mul3A_34 = vector.broadcast %mul3A_33 : f32 to vector<128x512xf32>
    %mul3A_35 = arith.mulf %mul3A_34, %add3A_30 : vector<128x512xf32>
    %select_n3A = arith.select %ge3A_32, %add3A_30, %mul3A_35 : vector<128x512xi1>, vector<128x512xf32>
    %swap3A = arith.constant 0 : index
    %swap3A_36 = arith.constant 0 : index
    %swap3A_37 = vector.load %arg10[%swap3A, %swap3A_36] : memref<128x512xf32, #tpu.memory_space<vmem>>, vector<128x512xf32>
    tpu.vector_store %arg10[%swap3A, %swap3A_36], %select_n3A {strides = array<i32>} : memref<128x512xf32, #tpu.memory_space<vmem>>, vector<128x512xf32>,
    %get3A_38 = arith.constant 0 : index
    %get3A_39 = memref.load %arg1[%get3A_38] : memref<1xf32, #tpu.memory_space<smem>>
    %get3A_40 = arith.constant 0 : index
    %get3A_41 = arith.constant 0 : index
    %get3A_42 = vector.load %arg3[%get3A_40, %get3A_41] : memref<128x512xf32, #tpu.memory_space<vmem>>, vector<128x512xf32>
    %mul3A_43 = vector.broadcast %get3A_39 : f32 to vector<128x512xf32>
    %mul3A_44 = arith.mulf %mul3A_43, %get3A_42 : vector<128x512xf32>
    %add3A_45 = arith.addf %select_n3A, %mul3A_44 : vector<128x512xf32>
    %slice3A = vector.extract_strided_slice %add3A_45 {offsets = [0, 0], sizes = [64, 512], strides = [1, 1]} : vector<128x512xf32> to vector<64x512xf32>
    %convert_element_type3A = arith.truncf %slice3A : vector<64x512xf32> to vector<64x512xbf16>
    %bitcast_convert_type3A = tpu.bitcast %convert_element_type3A : vector<64x512xbf16> -> vector<64x512xi16>
    %convert_element_type3A_46 = arith.extui %bitcast_convert_type3A : vector<64x512xi16> to vector<64x512xi32>
    %slice3A_47 = vector.extract_strided_slice %add3A_45 {offsets = [64, 0], sizes = [64, 512], strides = [1, 1]} : vector<128x512xf32> to vector<64x512xf32>
    %convert_element_type3A_48 = arith.truncf %slice3A_47 : vector<64x512xf32> to vector<64x512xbf16>
    %bitcast_convert_type3A_49 = tpu.bitcast %convert_element_type3A_48 : vector<64x512xbf16> -> vector<64x512xi16>
    %convert_element_type3A_50 = arith.extui %bitcast_convert_type3A_49 : vector<64x512xi16> to vector<64x512xi32>
    %shift_left3A = arith.constant 16 : i32
    %shift_left3A_51 = vector.broadcast %shift_left3A : i32 to vector<64x512xi32>
    %shift_left3A_52 = arith.shli %convert_element_type3A_50, %shift_left3A_51 : vector<64x512xi32>
    %or3A = arith.ori %shift_left3A_52, %convert_element_type3A_46 : vector<64x512xi32>
    %bitcast_convert_type3A_53 = tpu.bitcast %or3A : vector<64x512xi32> -> vector<64x512xi32>
    %swap3A_54 = arith.constant 0 : index
    %swap3A_55 = arith.constant 0 : index
    %swap3A_56 = vector.load %arg11[%swap3A_54, %swap3A_55] : memref<64x512xi32, #tpu.memory_space<vmem>>, vector<64x512xi32>
    tpu.vector_store %arg11[%swap3A_54, %swap3A_55], %bitcast_convert_type3A_53 {strides = array<i32>} : memref<64x512xi32, #tpu.memory_space<vmem>>, vector<64x512xi32>,
    return
  }
  func.func @transform_0(%arg0: i32) -> i32 {
    %c0_i32 = arith.constant 0 : i32
    %c0_i32_0 = arith.constant 0 : i32
    return %c0_i32 : i32
  }
  func.func @transform_1(%arg0: i32) -> (i32, i32) {
    %c0_i32 = arith.constant 0 : i32
    %c0_i32_0 = arith.constant 0 : i32
    return %c0_i32, %arg0 : i32, i32
  }
  func.func @transform_2(%arg0: i32) -> (i32, i32) {
    %c0_i32 = arith.constant 0 : i32
    %c0_i32_0 = arith.constant 0 : i32
    return %c0_i32, %arg0 : i32, i32
  }
  func.func @transform_3(%arg0: i32) -> (i32, i32) {
    %c0_i32 = arith.constant 0 : i32
    %c0_i32_0 = arith.constant 0 : i32
    %c0_i32_1 = arith.constant 0 : i32
    return %c0_i32, %c0_i32_0 : i32, i32
  }
  func.func @transform_4(%arg0: i32) -> (i32, i32) {
    %c0_i32 = arith.constant 0 : i32
    %c0_i32_0 = arith.constant 0 : i32
    %c0_i32_1 = arith.constant 0 : i32
    return %c0_i32, %c0_i32_0 : i32, i32
  }
  func.func @transform_5(%arg0: i32) -> (i32, i32) {
    %c0_i32 = arith.constant 0 : i32
    %c0_i32_0 = arith.constant 0 : i32
    %c0_i32_1 = arith.constant 0 : i32
    return %c0_i32, %c0_i32_0 : i32, i32
  }
  func.func @transform_6(%arg0: i32) -> (i32, i32) {
    %c0_i32 = arith.constant 0 : i32
    %c0_i32_0 = arith.constant 0 : i32
    %c0_i32_1 = arith.constant 0 : i32
    return %c0_i32, %c0_i32_0 : i32, i32
  }
  func.func @transform_7(%arg0: i32) -> (i32, i32) {
    %c0_i32 = arith.constant 0 : i32
    %c0_i32_0 = arith.constant 0 : i32
    %c0_i32_1 = arith.constant 0 : i32
    return %c0_i32, %c0_i32_0 : i32, i32
  }
  func.func @transform_8(%arg0: i32) -> (i32, i32) {
    %c0_i32 = arith.constant 0 : i32
    %c0_i32_0 = arith.constant 0 : i32
    %c0_i32_1 = arith.constant 0 : i32
    return %c0_i32, %c0_i32_0 : i32, i32
  }
  func.func @transform_9(%arg0: i32) -> (i32, i32) {
    %c0_i32 = arith.constant 0 : i32
    %c0_i32_0 = arith.constant 0 : i32
    return %c0_i32, %arg0 : i32, i32
  }
  func.func @transform_10(%arg0: i32) -> (i32, i32) {
    %c0_i32 = arith.constant 0 : i32
    %c0_i32_0 = arith.constant 0 : i32
    return %c0_i32, %arg0 : i32, i32
  }
}

module attributes {stable_mosaic.version = 14 : i64} {
  func.func @_tc2_body(%arg0: i32, %arg1: memref<3xf32, #tpu.memory_space<smem>>, %arg2: memref<3xf32, #tpu.memory_space<smem>>, %arg3: memref<128x512xf32, #tpu.memory_space<vmem>>, %arg4: memref<128x512xf32, #tpu.memory_space<vmem>>, %arg5: memref<128x512xf32, #tpu.memory_space<vmem>>, %arg6: memref<512x1xi32, #tpu.memory_space<vmem>>, %arg7: memref<128x128xf32, #tpu.memory_space<vmem>>, %arg8: memref<128x1xf32, #tpu.memory_space<vmem>>, %arg9: memref<128x128xf32, #tpu.memory_space<vmem>>, %arg10: memref<128x1xf32, #tpu.memory_space<vmem>>, %arg11: memref<128x1xf32, #tpu.memory_space<vmem>>, %arg12: memref<128x1xf32, #tpu.memory_space<vmem>>, %arg13: memref<128x3xf32, #tpu.memory_space<vmem>>, %arg14: memref<128x64xf32, #tpu.memory_space<vmem>>, %arg15: memref<128x64xf32, #tpu.memory_space<vmem>>, %arg16: memref<128x64xf32, #tpu.memory_space<vmem>>, %arg17: memref<1x64xf32, #tpu.memory_space<vmem>>, %arg18: memref<1x64xf32, #tpu.memory_space<vmem>>, %arg19: memref<1x64xf32, #tpu.memory_space<vmem>>) attributes {dimension_semantics = [#tpu.dimension_semantics<arbitrary>], iteration_bounds = array<i64: 20>, scalar_prefetch = 0 : i64, scratch_operands = 0 : i64, tpu.core_type = #tpu.core_type<tc>, window_params = [{transform_indices = @transform_0, window_bounds = array<i64: 3>}, {transform_indices = @transform_1, window_bounds = array<i64: 3>}, {transform_indices = @transform_2, window_bounds = array<i64: 128, 512>}, {transform_indices = @transform_3, window_bounds = array<i64: 128, 512>}, {transform_indices = @transform_4, window_bounds = array<i64: 128, 512>}, {transform_indices = @transform_5, window_bounds = array<i64: 512, 1>}, {pipeline_mode = #tpu.pipeline_mode<synchronous>, transform_indices = @transform_6, window_bounds = array<i64: 128, 128>}, {pipeline_mode = #tpu.pipeline_mode<synchronous>, transform_indices = @transform_7, window_bounds = array<i64: 128, 1>}, {pipeline_mode = #tpu.pipeline_mode<synchronous>, transform_indices = @transform_8, window_bounds = array<i64: 128, 128>}, {pipeline_mode = #tpu.pipeline_mode<synchronous>, transform_indices = @transform_9, window_bounds = array<i64: 128, 1>}, {pipeline_mode = #tpu.pipeline_mode<synchronous>, transform_indices = @transform_10, window_bounds = array<i64: 128, 1>}, {pipeline_mode = #tpu.pipeline_mode<synchronous>, transform_indices = @transform_11, window_bounds = array<i64: 128, 1>}, {pipeline_mode = #tpu.pipeline_mode<synchronous>, transform_indices = @transform_12, window_bounds = array<i64: 128, 3>}, {pipeline_mode = #tpu.pipeline_mode<synchronous>, transform_indices = @transform_13, window_bounds = array<i64: 128, 64>}, {pipeline_mode = #tpu.pipeline_mode<synchronous>, transform_indices = @transform_14, window_bounds = array<i64: 128, 64>}, {pipeline_mode = #tpu.pipeline_mode<synchronous>, transform_indices = @transform_15, window_bounds = array<i64: 128, 64>}, {pipeline_mode = #tpu.pipeline_mode<synchronous>, transform_indices = @transform_16, window_bounds = array<i64: 1, 64>}, {pipeline_mode = #tpu.pipeline_mode<synchronous>, transform_indices = @transform_17, window_bounds = array<i64: 1, 64>}, {pipeline_mode = #tpu.pipeline_mode<synchronous>, transform_indices = @transform_18, window_bounds = array<i64: 1, 64>}]} {
    %eq3A = arith.constant 0 : i32
    %eq3A_0 = arith.cmpi eq, %arg0, %eq3A : i32
    %convert_element_type3A = arith.extui %eq3A_0 : i1 to i32
    %cond3A = arith.constant 0 : i32
    %cond3A_1 = arith.cmpi ne, %convert_element_type3A, %cond3A : i32
    scf.if %cond3A_1 {
      %broadcast_in_dim3A_203 = arith.constant 0.000000e+00 : f32
      %broadcast_in_dim3A_204 = vector.broadcast %broadcast_in_dim3A_203 : f32 to vector<128x64xf32>
      %swap3A_205 = arith.constant 0 : index
      %swap3A_206 = arith.constant 0 : index
      %swap3A_207 = vector.load %arg14[%swap3A_205, %swap3A_206] : memref<128x64xf32, #tpu.memory_space<vmem>>, vector<128x64xf32>
      tpu.vector_store %arg14[%swap3A_205, %swap3A_206], %broadcast_in_dim3A_204 {strides = array<i32>} : memref<128x64xf32, #tpu.memory_space<vmem>>, vector<128x64xf32>,
      %broadcast_in_dim3A_208 = arith.constant 0.000000e+00 : f32
      %broadcast_in_dim3A_209 = vector.broadcast %broadcast_in_dim3A_208 : f32 to vector<1x64xf32>
      %swap3A_210 = arith.constant 0 : index
      %swap3A_211 = arith.constant 0 : index
      %swap3A_212 = vector.load %arg17[%swap3A_210, %swap3A_211] : memref<1x64xf32, #tpu.memory_space<vmem>>, vector<1x64xf32>
      tpu.vector_store %arg17[%swap3A_210, %swap3A_211], %broadcast_in_dim3A_209 {strides = array<i32>} : memref<1x64xf32, #tpu.memory_space<vmem>>, vector<1x64xf32>,
      %broadcast_in_dim3A_213 = arith.constant 0.000000e+00 : f32
      %broadcast_in_dim3A_214 = vector.broadcast %broadcast_in_dim3A_213 : f32 to vector<128x64xf32>
      %swap3A_215 = arith.constant 0 : index
      %swap3A_216 = arith.constant 0 : index
      %swap3A_217 = vector.load %arg15[%swap3A_215, %swap3A_216] : memref<128x64xf32, #tpu.memory_space<vmem>>, vector<128x64xf32>
      tpu.vector_store %arg15[%swap3A_215, %swap3A_216], %broadcast_in_dim3A_214 {strides = array<i32>} : memref<128x64xf32, #tpu.memory_space<vmem>>, vector<128x64xf32>,
      %broadcast_in_dim3A_218 = arith.constant 0.000000e+00 : f32
      %broadcast_in_dim3A_219 = vector.broadcast %broadcast_in_dim3A_218 : f32 to vector<1x64xf32>
      %swap3A_220 = arith.constant 0 : index
      %swap3A_221 = arith.constant 0 : index
      %swap3A_222 = vector.load %arg18[%swap3A_220, %swap3A_221] : memref<1x64xf32, #tpu.memory_space<vmem>>, vector<1x64xf32>
      tpu.vector_store %arg18[%swap3A_220, %swap3A_221], %broadcast_in_dim3A_219 {strides = array<i32>} : memref<1x64xf32, #tpu.memory_space<vmem>>, vector<1x64xf32>,
      %broadcast_in_dim3A_223 = arith.constant 0.000000e+00 : f32
      %broadcast_in_dim3A_224 = vector.broadcast %broadcast_in_dim3A_223 : f32 to vector<128x64xf32>
      %swap3A_225 = arith.constant 0 : index
      %swap3A_226 = arith.constant 0 : index
      %swap3A_227 = vector.load %arg16[%swap3A_225, %swap3A_226] : memref<128x64xf32, #tpu.memory_space<vmem>>, vector<128x64xf32>
      tpu.vector_store %arg16[%swap3A_225, %swap3A_226], %broadcast_in_dim3A_224 {strides = array<i32>} : memref<128x64xf32, #tpu.memory_space<vmem>>, vector<128x64xf32>,
      %broadcast_in_dim3A_228 = arith.constant 0.000000e+00 : f32
      %broadcast_in_dim3A_229 = vector.broadcast %broadcast_in_dim3A_228 : f32 to vector<1x64xf32>
      %swap3A_230 = arith.constant 0 : index
      %swap3A_231 = arith.constant 0 : index
      %swap3A_232 = vector.load %arg19[%swap3A_230, %swap3A_231] : memref<1x64xf32, #tpu.memory_space<vmem>>, vector<1x64xf32>
      tpu.vector_store %arg19[%swap3A_230, %swap3A_231], %broadcast_in_dim3A_229 {strides = array<i32>} : memref<1x64xf32, #tpu.memory_space<vmem>>, vector<1x64xf32>,
    } else {
    }
    %get3A = arith.constant 0 : index
    %get3A_2 = arith.constant 0 : index
    %get3A_3 = vector.load %arg3[%get3A, %get3A_2] : memref<128x512xf32, #tpu.memory_space<vmem>>, vector<128x512xf32>
    %get3A_4 = arith.constant 0 : index
    %get3A_5 = arith.constant 0 : index
    %get3A_6 = vector.load %arg7[%get3A_4, %get3A_5] : memref<128x128xf32, #tpu.memory_space<vmem>>, vector<128x128xf32>
    %dot_general3A = arith.constant dense<0.000000e+00> : vector<128x512xf32>
    %dot_general3A_7 = tpu.matmul %get3A_6, %get3A_3, %dot_general3A {dimension_numbers = #tpu.dot_dimension_numbers<[1], [0], [0], [1], [0, 0, 1, 1], [], []>, transpose_lhs_hint = false} : vector<128x128xf32>, vector<128x512xf32>, vector<128x512xf32> -> vector<128x512xf32>
    %get3A_8 = arith.constant 0 : index
    %get3A_9 = arith.constant 0 : index
    %get3A_10 = vector.load %arg8[%get3A_8, %get3A_9] : memref<128x1xf32, #tpu.memory_space<vmem>>, vector<128x1xf32>
    %add3A = vector.broadcast %get3A_10 : vector<128x1xf32> to vector<128x512xf32>
    %add3A_11 = arith.addf %dot_general3A_7, %add3A : vector<128x512xf32>
    %max3A = arith.constant 0.000000e+00 : f32
    %max3A_12 = vector.broadcast %max3A : f32 to vector<128x512xf32>
    %max3A_13 = arith.maximumf %add3A_11, %max3A_12 : vector<128x512xf32>
    %get3A_14 = arith.constant 0 : index
    %get3A_15 = arith.constant 0 : index
    %get3A_16 = vector.load %arg9[%get3A_14, %get3A_15] : memref<128x128xf32, #tpu.memory_space<vmem>>, vector<128x128xf32>
    %dot_general3A_17 = arith.constant dense<0.000000e+00> : vector<128x512xf32>
    %dot_general3A_18 = tpu.matmul %get3A_16, %max3A_13, %dot_general3A_17 {dimension_numbers = #tpu.dot_dimension_numbers<[1], [0], [0], [1], [0, 0, 1, 1], [], []>, transpose_lhs_hint = false} : vector<128x128xf32>, vector<128x512xf32>, vector<128x512xf32> -> vector<128x512xf32>
    %get3A_19 = arith.constant 0 : index
    %get3A_20 = arith.constant 0 : index
    %get3A_21 = vector.load %arg10[%get3A_19, %get3A_20] : memref<128x1xf32, #tpu.memory_space<vmem>>, vector<128x1xf32>
    %add3A_22 = vector.broadcast %get3A_21 : vector<128x1xf32> to vector<128x512xf32>
    %add3A_23 = arith.addf %dot_general3A_18, %add3A_22 : vector<128x512xf32>
    %get3A_24 = arith.constant 0 : index
    %get3A_25 = arith.constant 0 : index
    %get3A_26 = vector.load %arg11[%get3A_24, %get3A_25] : memref<128x1xf32, #tpu.memory_space<vmem>>, vector<128x1xf32>
    %mul3A = vector.broadcast %get3A_26 : vector<128x1xf32> to vector<128x512xf32>
    %mul3A_27 = arith.mulf %add3A_23, %mul3A : vector<128x512xf32>
    %get3A_28 = arith.constant 0 : index
    %get3A_29 = arith.constant 0 : index
    %get3A_30 = vector.load %arg12[%get3A_28, %get3A_29] : memref<128x1xf32, #tpu.memory_space<vmem>>, vector<128x1xf32>
    %add3A_31 = vector.broadcast %get3A_30 : vector<128x1xf32> to vector<128x512xf32>
    %add3A_32 = arith.addf %mul3A_27, %add3A_31 : vector<128x512xf32>
    %ge3A = arith.constant 0.000000e+00 : f32
    %ge3A_33 = vector.broadcast %ge3A : f32 to vector<128x512xf32>
    %ge3A_34 = arith.cmpf oge, %add3A_32, %ge3A_33 : vector<128x512xf32>
    %mul3A_35 = arith.constant 0.00999999977 : f32
    %mul3A_36 = vector.broadcast %mul3A_35 : f32 to vector<128x512xf32>
    %mul3A_37 = arith.mulf %mul3A_36, %add3A_32 : vector<128x512xf32>
    %select_n3A = arith.select %ge3A_34, %add3A_32, %mul3A_37 : vector<128x512xi1>, vector<128x512xf32>
    %get3A_38 = arith.constant 0 : index
    %get3A_39 = arith.constant 0 : index
    %get3A_40 = vector.load %arg4[%get3A_38, %get3A_39] : memref<128x512xf32, #tpu.memory_space<vmem>>, vector<128x512xf32>
    %get3A_41 = arith.constant 0 : index
    %get3A_42 = arith.constant 0 : index
    %get3A_43 = vector.load %arg5[%get3A_41, %get3A_42] : memref<128x512xf32, #tpu.memory_space<vmem>>, vector<128x512xf32>
    %get3A_44 = arith.constant 0 : index
    %get3A_45 = arith.constant 0 : index
    %get3A_46 = vector.load %arg6[%get3A_44, %get3A_45] : memref<512x1xi32, #tpu.memory_space<vmem>>, vector<512x1xi32>
    %iota3A = tpu.iota {dimensions = array<i32: 1>} : vector<512x64xi32>
    %iota3A_47 = tpu.iota {dimensions = array<i32: 0>} : vector<512x1xi32>
    %mul3A_48 = arith.constant 512 : i32
    %mul3A_49 = arith.muli %arg0, %mul3A_48 : i32
    %add3A_50 = vector.broadcast %mul3A_49 : i32 to vector<512x1xi32>
    %add3A_51 = arith.addi %iota3A_47, %add3A_50 : vector<512x1xi32>
    %eq3A_52 = vector.broadcast %get3A_46 : vector<512x1xi32> to vector<512x64xi32>
    %eq3A_53 = arith.cmpi eq, %eq3A_52, %iota3A : vector<512x64xi32>
    %lt3A = arith.constant 10000 : i32
    %lt3A_54 = vector.broadcast %lt3A : i32 to vector<512x1xi32>
    %lt3A_55 = arith.cmpi slt, %add3A_51, %lt3A_54 : vector<512x1xi32>
    %and3A = vector.broadcast %lt3A_55 : vector<512x1xi1> to vector<512x64xi1>
    %and3A_56 = arith.andi %eq3A_53, %and3A : vector<512x64xi1>
    %jit3A = arith.constant 1.000000e+00 : f32
    %jit3A_57 = arith.constant 0.000000e+00 : f32
    %broadcast_in_dim3A = vector.broadcast %jit3A : f32 to vector<512x64xf32>
    %broadcast_in_dim3A_58 = vector.broadcast %jit3A_57 : f32 to vector<512x64xf32>
    %select_n3A_59 = arith.select %and3A_56, %broadcast_in_dim3A, %broadcast_in_dim3A_58 : vector<512x64xi1>, vector<512x64xf32>
    %broadcast_in_dim3A_60 = arith.constant 1.000000e+00 : f32
    %broadcast_in_dim3A_61 = vector.broadcast %broadcast_in_dim3A_60 : f32 to vector<1x512xf32>
    %get3A_62 = arith.constant 0 : index
    %get3A_63 = arith.constant 0 : index
    %get3A_64 = vector.load %arg13[%get3A_62, %get3A_63] : memref<128x3xf32, #tpu.memory_space<vmem>>, vector<128x1xf32>
    %mul3A_65 = vector.broadcast %get3A_64 : vector<128x1xf32> to vector<128x512xf32>
    %mul3A_66 = arith.mulf %get3A_40, %mul3A_65 : vector<128x512xf32>
    %reduce_sum3A = arith.constant dense<0.000000e+00> : vector<512xf32>
    %reduce_sum3A_67 = vector.multi_reduction <add>, %mul3A_66, %reduce_sum3A [0] : vector<128x512xf32> to vector<512xf32>
    %broadcast_in_dim3A_68 = vector.shape_cast %reduce_sum3A_67 : vector<512xf32> to vector<1x512xf32>
    %get3A_69 = arith.constant 0 : index
    %get3A_70 = memref.load %arg1[%get3A_69] : memref<3xf32, #tpu.memory_space<smem>>
    %mul3A_71 = vector.broadcast %get3A_70 : f32 to vector<1x512xf32>
    %mul3A_72 = arith.mulf %broadcast_in_dim3A_61, %mul3A_71 : vector<1x512xf32>
    %add3A_73 = arith.addf %broadcast_in_dim3A_68, %mul3A_72 : vector<1x512xf32>
    %get3A_74 = arith.constant 0 : index
    %get3A_75 = memref.load %arg2[%get3A_74] : memref<3xf32, #tpu.memory_space<smem>>
    %add3A_76 = vector.broadcast %get3A_75 : f32 to vector<1x512xf32>
    %add3A_77 = arith.addf %add3A_73, %add3A_76 : vector<1x512xf32>
    %ge3A_78 = arith.constant 0.000000e+00 : f32
    %ge3A_79 = vector.broadcast %ge3A_78 : f32 to vector<1x512xf32>
    %ge3A_80 = arith.cmpf oge, %add3A_77, %ge3A_79 : vector<1x512xf32>
    %mul3A_81 = arith.constant 0.00999999977 : f32
    %mul3A_82 = vector.broadcast %mul3A_81 : f32 to vector<1x512xf32>
    %mul3A_83 = arith.mulf %mul3A_82, %add3A_77 : vector<1x512xf32>
    %select_n3A_84 = arith.select %ge3A_80, %add3A_77, %mul3A_83 : vector<1x512xi1>, vector<1x512xf32>
    %mul3A_85 = arith.constant -5.000000e-02 : f32
    %mul3A_86 = vector.broadcast %mul3A_85 : f32 to vector<1x512xf32>
    %mul3A_87 = arith.mulf %select_n3A_84, %mul3A_86 : vector<1x512xf32>
    %exp3A = math.exp %mul3A_87 : vector<1x512xf32>
    %get3A_88 = arith.constant 0 : index
    %get3A_89 = arith.constant 0 : index
    %get3A_90 = vector.load %arg14[%get3A_88, %get3A_89] : memref<128x64xf32, #tpu.memory_space<vmem>>, vector<128x64xf32>
    %mul3A_91 = vector.broadcast %exp3A : vector<1x512xf32> to vector<128x512xf32>
    %mul3A_92 = arith.mulf %get3A_40, %mul3A_91 : vector<128x512xf32>
    %dot_general3A_93 = arith.constant dense<0.000000e+00> : vector<128x64xf32>
    %dot_general3A_94 = tpu.matmul %mul3A_92, %select_n3A_59, %dot_general3A_93 {dimension_numbers = #tpu.dot_dimension_numbers<[1], [0], [0], [1], [0, 0, 1, 1], [], []>, transpose_lhs_hint = false} : vector<128x512xf32>, vector<512x64xf32>, vector<128x64xf32> -> vector<128x64xf32>
    %add3A_95 = arith.addf %get3A_90, %dot_general3A_94 : vector<128x64xf32>
    %swap3A = arith.constant 0 : index
    %swap3A_96 = arith.constant 0 : index
    %swap3A_97 = vector.load %arg14[%swap3A, %swap3A_96] : memref<128x64xf32, #tpu.memory_space<vmem>>, vector<128x64xf32>
    tpu.vector_store %arg14[%swap3A, %swap3A_96], %add3A_95 {strides = array<i32>} : memref<128x64xf32, #tpu.memory_space<vmem>>, vector<128x64xf32>,
    %get3A_98 = arith.constant 0 : index
    %get3A_99 = arith.constant 0 : index
    %get3A_100 = vector.load %arg17[%get3A_98, %get3A_99] : memref<1x64xf32, #tpu.memory_space<vmem>>, vector<1x64xf32>
    %dot_general3A_101 = arith.constant dense<0.000000e+00> : vector<1x64xf32>
    %dot_general3A_102 = tpu.matmul %exp3A, %select_n3A_59, %dot_general3A_101 {dimension_numbers = #tpu.dot_dimension_numbers<[1], [0], [0], [1], [0, 0, 1, 1], [], []>, transpose_lhs_hint = false} : vector<1x512xf32>, vector<512x64xf32>, vector<1x64xf32> -> vector<1x64xf32>
    %add3A_103 = arith.addf %get3A_100, %dot_general3A_102 : vector<1x64xf32>
    %swap3A_104 = arith.constant 0 : index
    %swap3A_105 = arith.constant 0 : index
    %swap3A_106 = vector.load %arg17[%swap3A_104, %swap3A_105] : memref<1x64xf32, #tpu.memory_space<vmem>>, vector<1x64xf32>
    tpu.vector_store %arg17[%swap3A_104, %swap3A_105], %add3A_103 {strides = array<i32>} : memref<1x64xf32, #tpu.memory_space<vmem>>, vector<1x64xf32>,
    %get3A_107 = arith.constant 0 : index
    %get3A_108 = arith.constant 1 : index
    %get3A_109 = vector.load %arg13[%get3A_107, %get3A_108] : memref<128x3xf32, #tpu.memory_space<vmem>>, vector<128x1xf32>
    %mul3A_110 = vector.broadcast %get3A_109 : vector<128x1xf32> to vector<128x512xf32>
    %mul3A_111 = arith.mulf %get3A_43, %mul3A_110 : vector<128x512xf32>
    %reduce_sum3A_112 = arith.constant dense<0.000000e+00> : vector<512xf32>
    %reduce_sum3A_113 = vector.multi_reduction <add>, %mul3A_111, %reduce_sum3A_112 [0] : vector<128x512xf32> to vector<512xf32>
    %broadcast_in_dim3A_114 = vector.shape_cast %reduce_sum3A_113 : vector<512xf32> to vector<1x512xf32>
    %get3A_115 = arith.constant 1 : index
    %get3A_116 = memref.load %arg1[%get3A_115] : memref<3xf32, #tpu.memory_space<smem>>
    %mul3A_117 = vector.broadcast %get3A_116 : f32 to vector<1x512xf32>
    %mul3A_118 = arith.mulf %exp3A, %mul3A_117 : vector<1x512xf32>
    %add3A_119 = arith.addf %broadcast_in_dim3A_114, %mul3A_118 : vector<1x512xf32>
    %get3A_120 = arith.constant 1 : index
    %get3A_121 = memref.load %arg2[%get3A_120] : memref<3xf32, #tpu.memory_space<smem>>
    %add3A_122 = vector.broadcast %get3A_121 : f32 to vector<1x512xf32>
    %add3A_123 = arith.addf %add3A_119, %add3A_122 : vector<1x512xf32>
    %ge3A_124 = arith.constant 0.000000e+00 : f32
    %ge3A_125 = vector.broadcast %ge3A_124 : f32 to vector<1x512xf32>
    %ge3A_126 = arith.cmpf oge, %add3A_123, %ge3A_125 : vector<1x512xf32>
    %mul3A_127 = arith.constant 0.00999999977 : f32
    %mul3A_128 = vector.broadcast %mul3A_127 : f32 to vector<1x512xf32>
    %mul3A_129 = arith.mulf %mul3A_128, %add3A_123 : vector<1x512xf32>
    %select_n3A_130 = arith.select %ge3A_126, %add3A_123, %mul3A_129 : vector<1x512xi1>, vector<1x512xf32>
    %mul3A_131 = arith.constant -5.000000e-02 : f32
    %mul3A_132 = vector.broadcast %mul3A_131 : f32 to vector<1x512xf32>
    %mul3A_133 = arith.mulf %select_n3A_130, %mul3A_132 : vector<1x512xf32>
    %exp3A_134 = math.exp %mul3A_133 : vector<1x512xf32>
    %get3A_135 = arith.constant 0 : index
    %get3A_136 = arith.constant 0 : index
    %get3A_137 = vector.load %arg15[%get3A_135, %get3A_136] : memref<128x64xf32, #tpu.memory_space<vmem>>, vector<128x64xf32>
    %mul3A_138 = vector.broadcast %exp3A_134 : vector<1x512xf32> to vector<128x512xf32>
    %mul3A_139 = arith.mulf %get3A_43, %mul3A_138 : vector<128x512xf32>
    %dot_general3A_140 = arith.constant dense<0.000000e+00> : vector<128x64xf32>
    %dot_general3A_141 = tpu.matmul %mul3A_139, %select_n3A_59, %dot_general3A_140 {dimension_numbers = #tpu.dot_dimension_numbers<[1], [0], [0], [1], [0, 0, 1, 1], [], []>, transpose_lhs_hint = false} : vector<128x512xf32>, vector<512x64xf32>, vector<128x64xf32> -> vector<128x64xf32>
    %add3A_142 = arith.addf %get3A_137, %dot_general3A_141 : vector<128x64xf32>
    %swap3A_143 = arith.constant 0 : index
    %swap3A_144 = arith.constant 0 : index
    %swap3A_145 = vector.load %arg15[%swap3A_143, %swap3A_144] : memref<128x64xf32, #tpu.memory_space<vmem>>, vector<128x64xf32>
    tpu.vector_store %arg15[%swap3A_143, %swap3A_144], %add3A_142 {strides = array<i32>} : memref<128x64xf32, #tpu.memory_space<vmem>>, vector<128x64xf32>,
    %get3A_146 = arith.constant 0 : index
    %get3A_147 = arith.constant 0 : index
    %get3A_148 = vector.load %arg18[%get3A_146, %get3A_147] : memref<1x64xf32, #tpu.memory_space<vmem>>, vector<1x64xf32>
    %dot_general3A_149 = arith.constant dense<0.000000e+00> : vector<1x64xf32>
    %dot_general3A_150 = tpu.matmul %exp3A_134, %select_n3A_59, %dot_general3A_149 {dimension_numbers = #tpu.dot_dimension_numbers<[1], [0], [0], [1], [0, 0, 1, 1], [], []>, transpose_lhs_hint = false} : vector<1x512xf32>, vector<512x64xf32>, vector<1x64xf32> -> vector<1x64xf32>
    %add3A_151 = arith.addf %get3A_148, %dot_general3A_150 : vector<1x64xf32>
    %swap3A_152 = arith.constant 0 : index
    %swap3A_153 = arith.constant 0 : index
    %swap3A_154 = vector.load %arg18[%swap3A_152, %swap3A_153] : memref<1x64xf32, #tpu.memory_space<vmem>>, vector<1x64xf32>
    tpu.vector_store %arg18[%swap3A_152, %swap3A_153], %add3A_151 {strides = array<i32>} : memref<1x64xf32, #tpu.memory_space<vmem>>, vector<1x64xf32>,
    %get3A_155 = arith.constant 0 : index
    %get3A_156 = arith.constant 2 : index
    %get3A_157 = vector.load %arg13[%get3A_155, %get3A_156] : memref<128x3xf32, #tpu.memory_space<vmem>>, vector<128x1xf32>
    %mul3A_158 = vector.broadcast %get3A_157 : vector<128x1xf32> to vector<128x512xf32>
    %mul3A_159 = arith.mulf %select_n3A, %mul3A_158 : vector<128x512xf32>
    %reduce_sum3A_160 = arith.constant dense<0.000000e+00> : vector<512xf32>
    %reduce_sum3A_161 = vector.multi_reduction <add>, %mul3A_159, %reduce_sum3A_160 [0] : vector<128x512xf32> to vector<512xf32>
    %broadcast_in_dim3A_162 = vector.shape_cast %reduce_sum3A_161 : vector<512xf32> to vector<1x512xf32>
    %get3A_163 = arith.constant 2 : index
    %get3A_164 = memref.load %arg1[%get3A_163] : memref<3xf32, #tpu.memory_space<smem>>
    %mul3A_165 = vector.broadcast %get3A_164 : f32 to vector<1x512xf32>
    %mul3A_166 = arith.mulf %exp3A_134, %mul3A_165 : vector<1x512xf32>
    %add3A_167 = arith.addf %broadcast_in_dim3A_162, %mul3A_166 : vector<1x512xf32>
    %get3A_168 = arith.constant 2 : index
    %get3A_169 = memref.load %arg2[%get3A_168] : memref<3xf32, #tpu.memory_space<smem>>
    %add3A_170 = vector.broadcast %get3A_169 : f32 to vector<1x512xf32>
    %add3A_171 = arith.addf %add3A_167, %add3A_170 : vector<1x512xf32>
    %ge3A_172 = arith.constant 0.000000e+00 : f32
    %ge3A_173 = vector.broadcast %ge3A_172 : f32 to vector<1x512xf32>
    %ge3A_174 = arith.cmpf oge, %add3A_171, %ge3A_173 : vector<1x512xf32>
    %mul3A_175 = arith.constant 0.00999999977 : f32
    %mul3A_176 = vector.broadcast %mul3A_175 : f32 to vector<1x512xf32>
    %mul3A_177 = arith.mulf %mul3A_176, %add3A_171 : vector<1x512xf32>
    %select_n3A_178 = arith.select %ge3A_174, %add3A_171, %mul3A_177 : vector<1x512xi1>, vector<1x512xf32>
    %mul3A_179 = arith.constant -5.000000e-02 : f32
    %mul3A_180 = vector.broadcast %mul3A_179 : f32 to vector<1x512xf32>
    %mul3A_181 = arith.mulf %select_n3A_178, %mul3A_180 : vector<1x512xf32>
    %exp3A_182 = math.exp %mul3A_181 : vector<1x512xf32>
    %get3A_183 = arith.constant 0 : index
    %get3A_184 = arith.constant 0 : index
    %get3A_185 = vector.load %arg16[%get3A_183, %get3A_184] : memref<128x64xf32, #tpu.memory_space<vmem>>, vector<128x64xf32>
    %mul3A_186 = vector.broadcast %exp3A_182 : vector<1x512xf32> to vector<128x512xf32>
    %mul3A_187 = arith.mulf %select_n3A, %mul3A_186 : vector<128x512xf32>
    %dot_general3A_188 = arith.constant dense<0.000000e+00> : vector<128x64xf32>
    %dot_general3A_189 = tpu.matmul %mul3A_187, %select_n3A_59, %dot_general3A_188 {dimension_numbers = #tpu.dot_dimension_numbers<[1], [0], [0], [1], [0, 0, 1, 1], [], []>, transpose_lhs_hint = false} : vector<128x512xf32>, vector<512x64xf32>, vector<128x64xf32> -> vector<128x64xf32>
    %add3A_190 = arith.addf %get3A_185, %dot_general3A_189 : vector<128x64xf32>
    %swap3A_191 = arith.constant 0 : index
    %swap3A_192 = arith.constant 0 : index
    %swap3A_193 = vector.load %arg16[%swap3A_191, %swap3A_192] : memref<128x64xf32, #tpu.memory_space<vmem>>, vector<128x64xf32>
    tpu.vector_store %arg16[%swap3A_191, %swap3A_192], %add3A_190 {strides = array<i32>} : memref<128x64xf32, #tpu.memory_space<vmem>>, vector<128x64xf32>,
    %get3A_194 = arith.constant 0 : index
    %get3A_195 = arith.constant 0 : index
    %get3A_196 = vector.load %arg19[%get3A_194, %get3A_195] : memref<1x64xf32, #tpu.memory_space<vmem>>, vector<1x64xf32>
    %dot_general3A_197 = arith.constant dense<0.000000e+00> : vector<1x64xf32>
    %dot_general3A_198 = tpu.matmul %exp3A_182, %select_n3A_59, %dot_general3A_197 {dimension_numbers = #tpu.dot_dimension_numbers<[1], [0], [0], [1], [0, 0, 1, 1], [], []>, transpose_lhs_hint = false} : vector<1x512xf32>, vector<512x64xf32>, vector<1x64xf32> -> vector<1x64xf32>
    %add3A_199 = arith.addf %get3A_196, %dot_general3A_198 : vector<1x64xf32>
    %swap3A_200 = arith.constant 0 : index
    %swap3A_201 = arith.constant 0 : index
    %swap3A_202 = vector.load %arg19[%swap3A_200, %swap3A_201] : memref<1x64xf32, #tpu.memory_space<vmem>>, vector<1x64xf32>
    tpu.vector_store %arg19[%swap3A_200, %swap3A_201], %add3A_199 {strides = array<i32>} : memref<1x64xf32, #tpu.memory_space<vmem>>, vector<1x64xf32>,
    return
  }
  func.func @transform_0(%arg0: i32) -> i32 {
    %c0_i32 = arith.constant 0 : i32
    %c0_i32_0 = arith.constant 0 : i32
    return %c0_i32 : i32
  }
  func.func @transform_1(%arg0: i32) -> i32 {
    %c0_i32 = arith.constant 0 : i32
    %c0_i32_0 = arith.constant 0 : i32
    return %c0_i32 : i32
  }
  func.func @transform_2(%arg0: i32) -> (i32, i32) {
    %c0_i32 = arith.constant 0 : i32
    %c0_i32_0 = arith.constant 0 : i32
    return %c0_i32, %arg0 : i32, i32
  }
  func.func @transform_3(%arg0: i32) -> (i32, i32) {
    %c0_i32 = arith.constant 0 : i32
    %c0_i32_0 = arith.constant 0 : i32
    return %c0_i32, %arg0 : i32, i32
  }
  func.func @transform_4(%arg0: i32) -> (i32, i32) {
    %c0_i32 = arith.constant 0 : i32
    %c0_i32_0 = arith.constant 0 : i32
    return %c0_i32, %arg0 : i32, i32
  }
  func.func @transform_5(%arg0: i32) -> (i32, i32) {
    %c0_i32 = arith.constant 0 : i32
    %c0_i32_0 = arith.constant 0 : i32
    return %arg0, %c0_i32 : i32, i32
  }
  func.func @transform_6(%arg0: i32) -> (i32, i32) {
    %c0_i32 = arith.constant 0 : i32
    %c0_i32_0 = arith.constant 0 : i32
    %c0_i32_1 = arith.constant 0 : i32
    return %c0_i32, %c0_i32_0 : i32, i32
  }
  func.func @transform_7(%arg0: i32) -> (i32, i32) {
    %c0_i32 = arith.constant 0 : i32
    %c0_i32_0 = arith.constant 0 : i32
    %c0_i32_1 = arith.constant 0 : i32
    return %c0_i32, %c0_i32_0 : i32, i32
  }
  func.func @transform_8(%arg0: i32) -> (i32, i32) {
    %c0_i32 = arith.constant 0 : i32
    %c0_i32_0 = arith.constant 0 : i32
    %c0_i32_1 = arith.constant 0 : i32
    return %c0_i32, %c0_i32_0 : i32, i32
  }
  func.func @transform_9(%arg0: i32) -> (i32, i32) {
    %c0_i32 = arith.constant 0 : i32
    %c0_i32_0 = arith.constant 0 : i32
    %c0_i32_1 = arith.constant 0 : i32
    return %c0_i32, %c0_i32_0 : i32, i32
  }
  func.func @transform_10(%arg0: i32) -> (i32, i32) {
    %c0_i32 = arith.constant 0 : i32
    %c0_i32_0 = arith.constant 0 : i32
    %c0_i32_1 = arith.constant 0 : i32
    return %c0_i32, %c0_i32_0 : i32, i32
  }
  func.func @transform_11(%arg0: i32) -> (i32, i32) {
    %c0_i32 = arith.constant 0 : i32
    %c0_i32_0 = arith.constant 0 : i32
    %c0_i32_1 = arith.constant 0 : i32
    return %c0_i32, %c0_i32_0 : i32, i32
  }
  func.func @transform_12(%arg0: i32) -> (i32, i32) {
    %c0_i32 = arith.constant 0 : i32
    %c0_i32_0 = arith.constant 0 : i32
    %c0_i32_1 = arith.constant 0 : i32
    return %c0_i32, %c0_i32_0 : i32, i32
  }
  func.func @transform_13(%arg0: i32) -> (i32, i32) {
    %c0_i32 = arith.constant 0 : i32
    %c0_i32_0 = arith.constant 0 : i32
    %c0_i32_1 = arith.constant 0 : i32
    return %c0_i32, %c0_i32_0 : i32, i32
  }
  func.func @transform_14(%arg0: i32) -> (i32, i32) {
    %c0_i32 = arith.constant 0 : i32
    %c0_i32_0 = arith.constant 0 : i32
    %c0_i32_1 = arith.constant 0 : i32
    return %c0_i32, %c0_i32_0 : i32, i32
  }
  func.func @transform_15(%arg0: i32) -> (i32, i32) {
    %c0_i32 = arith.constant 0 : i32
    %c0_i32_0 = arith.constant 0 : i32
    %c0_i32_1 = arith.constant 0 : i32
    return %c0_i32, %c0_i32_0 : i32, i32
  }
  func.func @transform_16(%arg0: i32) -> (i32, i32) {
    %c0_i32 = arith.constant 0 : i32
    %c0_i32_0 = arith.constant 0 : i32
    %c0_i32_1 = arith.constant 0 : i32
    return %c0_i32, %c0_i32_0 : i32, i32
  }
  func.func @transform_17(%arg0: i32) -> (i32, i32) {
    %c0_i32 = arith.constant 0 : i32
    %c0_i32_0 = arith.constant 0 : i32
    %c0_i32_1 = arith.constant 0 : i32
    return %c0_i32, %c0_i32_0 : i32, i32
  }
  func.func @transform_18(%arg0: i32) -> (i32, i32) {
    %c0_i32 = arith.constant 0 : i32
    %c0_i32_0 = arith.constant 0 : i32
    %c0_i32_1 = arith.constant 0 : i32
    return %c0_i32, %c0_i32_0 : i32, i32
  }
}

module attributes {stable_mosaic.version = 14 : i64} {
  func.func @_tcf_body(%arg0: memref<128x64xf32, #tpu.memory_space<vmem>>, %arg1: memref<128x64xf32, #tpu.memory_space<vmem>>, %arg2: memref<128x64xf32, #tpu.memory_space<vmem>>, %arg3: memref<1x64xf32, #tpu.memory_space<vmem>>, %arg4: memref<1x64xf32, #tpu.memory_space<vmem>>, %arg5: memref<1x64xf32, #tpu.memory_space<vmem>>, %arg6: memref<3x16x128xf32, #tpu.memory_space<vmem>>, %arg7: memref<16x1xf32, #tpu.memory_space<vmem>>, %arg8: memref<64x16xf32, #tpu.memory_space<vmem>>) attributes {dimension_semantics = [], scalar_prefetch = 0 : i64, scratch_operands = 0 : i64, tpu.core_type = #tpu.core_type<tc>} {
    %get3A = arith.constant 0 : index
    %get3A_0 = arith.constant 0 : index
    %get3A_1 = vector.load %arg7[%get3A, %get3A_0] : memref<16x1xf32, #tpu.memory_space<vmem>>, vector<16x1xf32>
    %broadcast_in_dim3A = vector.shape_cast %get3A_1 : vector<16x1xf32> to vector<16x1xf32>
    %broadcast_in_dim3A_2 = vector.broadcast %broadcast_in_dim3A : vector<16x1xf32> to vector<16x64xf32>
    %get3A_3 = arith.constant 0 : index
    %get3A_4 = arith.constant 0 : index
    %get3A_5 = vector.load %arg0[%get3A_3, %get3A_4] : memref<128x64xf32, #tpu.memory_space<vmem>>, vector<128x64xf32>
    %get3A_6 = arith.constant 0 : index
    %get3A_7 = arith.constant 0 : index
    %get3A_8 = vector.load %arg3[%get3A_6, %get3A_7] : memref<1x64xf32, #tpu.memory_space<vmem>>, vector<1x64xf32>
    %div3A = vector.broadcast %get3A_8 : vector<1x64xf32> to vector<128x64xf32>
    %div3A_9 = arith.divf %get3A_5, %div3A : vector<128x64xf32>
    %get3A_10 = arith.constant 0 : index
    %get3A_11 = arith.constant 0 : index
    %get3A_12 = arith.constant 0 : index
    %get3A_13 = vector.load %arg6[%get3A_10, %get3A_11, %get3A_12] : memref<3x16x128xf32, #tpu.memory_space<vmem>>, vector<1x16x128xf32>
    %get3A_14 = vector.shape_cast %get3A_13 : vector<1x16x128xf32> to vector<16x128xf32>
    %dot_general3A = arith.constant dense<0.000000e+00> : vector<16x64xf32>
    %dot_general3A_15 = tpu.matmul %get3A_14, %div3A_9, %dot_general3A {dimension_numbers = #tpu.dot_dimension_numbers<[1], [0], [0], [1], [0, 0, 1, 1], [], []>, transpose_lhs_hint = false} : vector<16x128xf32>, vector<128x64xf32>, vector<16x64xf32> -> vector<16x64xf32>
    %add3A = arith.addf %broadcast_in_dim3A_2, %dot_general3A_15 : vector<16x64xf32>
    %get3A_16 = arith.constant 0 : index
    %get3A_17 = arith.constant 0 : index
    %get3A_18 = vector.load %arg1[%get3A_16, %get3A_17] : memref<128x64xf32, #tpu.memory_space<vmem>>, vector<128x64xf32>
    %get3A_19 = arith.constant 0 : index
    %get3A_20 = arith.constant 0 : index
    %get3A_21 = vector.load %arg4[%get3A_19, %get3A_20] : memref<1x64xf32, #tpu.memory_space<vmem>>, vector<1x64xf32>
    %div3A_22 = vector.broadcast %get3A_21 : vector<1x64xf32> to vector<128x64xf32>
    %div3A_23 = arith.divf %get3A_18, %div3A_22 : vector<128x64xf32>
    %get3A_24 = arith.constant 1 : index
    %get3A_25 = arith.constant 0 : index
    %get3A_26 = arith.constant 0 : index
    %get3A_27 = vector.load %arg6[%get3A_24, %get3A_25, %get3A_26] : memref<3x16x128xf32, #tpu.memory_space<vmem>>, vector<1x16x128xf32>
    %get3A_28 = vector.shape_cast %get3A_27 : vector<1x16x128xf32> to vector<16x128xf32>
    %dot_general3A_29 = arith.constant dense<0.000000e+00> : vector<16x64xf32>
    %dot_general3A_30 = tpu.matmul %get3A_28, %div3A_23, %dot_general3A_29 {dimension_numbers = #tpu.dot_dimension_numbers<[1], [0], [0], [1], [0, 0, 1, 1], [], []>, transpose_lhs_hint = false} : vector<16x128xf32>, vector<128x64xf32>, vector<16x64xf32> -> vector<16x64xf32>
    %add3A_31 = arith.addf %add3A, %dot_general3A_30 : vector<16x64xf32>
    %get3A_32 = arith.constant 0 : index
    %get3A_33 = arith.constant 0 : index
    %get3A_34 = vector.load %arg2[%get3A_32, %get3A_33] : memref<128x64xf32, #tpu.memory_space<vmem>>, vector<128x64xf32>
    %get3A_35 = arith.constant 0 : index
    %get3A_36 = arith.constant 0 : index
    %get3A_37 = vector.load %arg5[%get3A_35, %get3A_36] : memref<1x64xf32, #tpu.memory_space<vmem>>, vector<1x64xf32>
    %div3A_38 = vector.broadcast %get3A_37 : vector<1x64xf32> to vector<128x64xf32>
    %div3A_39 = arith.divf %get3A_34, %div3A_38 : vector<128x64xf32>
    %get3A_40 = arith.constant 2 : index
    %get3A_41 = arith.constant 0 : index
    %get3A_42 = arith.constant 0 : index
    %get3A_43 = vector.load %arg6[%get3A_40, %get3A_41, %get3A_42] : memref<3x16x128xf32, #tpu.memory_space<vmem>>, vector<1x16x128xf32>
    %get3A_44 = vector.shape_cast %get3A_43 : vector<1x16x128xf32> to vector<16x128xf32>
    %dot_general3A_45 = arith.constant dense<0.000000e+00> : vector<16x64xf32>
    %dot_general3A_46 = tpu.matmul %get3A_44, %div3A_39, %dot_general3A_45 {dimension_numbers = #tpu.dot_dimension_numbers<[1], [0], [0], [1], [0, 0, 1, 1], [], []>, transpose_lhs_hint = false} : vector<16x128xf32>, vector<128x64xf32>, vector<16x64xf32> -> vector<16x64xf32>
    %add3A_47 = arith.addf %add3A_31, %dot_general3A_46 : vector<16x64xf32>
    %transpose3A = tpu.transpose %add3A_47, [1, 0] : vector<16x64xf32> -> vector<64x16xf32>
    %swap3A = arith.constant 0 : index
    %swap3A_48 = arith.constant 0 : index
    %swap3A_49 = vector.load %arg8[%swap3A, %swap3A_48] : memref<64x16xf32, #tpu.memory_space<vmem>>, vector<64x16xf32>
    tpu.vector_store %arg8[%swap3A, %swap3A_48], %transpose3A {strides = array<i32>} : memref<64x16xf32, #tpu.memory_space<vmem>>, vector<64x16xf32>,
    return
  }
}

</mosaic_0001>

<sc_bundles>
// kernel: kernel.12.cloned.1.call-start
scs
__scs_entry_jumppad:
0x0: {  	(pc) =	sbr.rel $0x88, $3  }
0x1: {  	(tag) =	ssettag $0x0;
	lr =	simm.s32 $0x1  }
0x2: {  	[smem:$0x3F91] =	sst lr;
	_ =	strace $0xD0000000  }
0x3: {  	_ = 	snop  }
0x4: {  	_ = 	snop  }
0x5: {  	_ = 	snop  }
0x6: {  	_ = 	snop  }
0x7: {  	_ = 	snop  }
__scs_overlays_trampoline_lowered:
0x8: {  	[smem:$0x3FA0] =	sst s0  }
0x9: {  	[smem:$0x3FA1] =	sst s1  }
0xa: {  	[smem:$0x3FA2] =	sst s2  }
0xb: {  	[smem:$0x3FA3] =	sst s3  }
0xc: {  	[smem:$0x3FA4] =	sst s4  }
0xd: {  	[smem:$0x3FA5] =	sst s5  }
0xe: {  	[smem:$0x3FA6] =	sst s6  }
0xf: {  	[smem:$0x3FA7] =	sst s7  }
0x10: {  	[smem:$0x3FA8] =	sst s8  }
0x11: {  	[smem:$0x3FA9] =	sst s9;
	s0 =	simm.s32 @!p0 $0x0  }
0x12: {  	s1 =	sld [smem:$0x3F8F];
	s0 =	simm.s32 @p0 $0x1  }
0x13: {  	[smem:$0x3FAA] =	sst s0;
	s0 =	simm.s32 @!p1 $0x0  }
0x14: {  	s2 =	sld [smem:$0x3F8E];
	s0 =	simm.s32 @p1 $0x1  }
0x15: {  	[smem:$0x3FAB] =	sst s0;
	s0 =	simm.s32 @!p2 $0x0  }
0x16: {  	s3 =	sld [smem:$0x3FDB];
	s0 =	simm.s32 @p2 $0x1  }
0x17: {  	s4 =	simm.s32 $0x1BF5;
	[smem:$0x3FAD] =	sst s0  }
0x18: {  	s0 =	sld [smem:$0x3F90];
	_ =	swait.ge [sflag:s4], $0x0  }
0x19: {  	s7 =	sld [smem:$0x3F91]  }
0x1a: {  	s8 =	sadd.s32 $0xFFFFE003, lr  }
0x1b: {  	s9 =	sadd.s32 $0xFFFFFEF7, lr;
	s5 =	simm.s32 $0xFFFFFFFF;
	p2 =	slt.u32 s8, $0xFFFFF086  }
0x1c: {  	p1 =	slt.u32 s9, $0xF7A;
	s5 =	simm.s32 @!p2 $0x0  }
0x1d: {  	s5 =	simm.s32 @p1 $0x1;
	p0 =	seq.s32 s7, s2  }
0x1e: {  	s7 =	smul.u32 @!p0 $0xF7A, s2;
	p2 =	seq.s32 @!p0 s5, $0x0  }
0x1f: {  	s9 =	smul.u32 $0xF7A, s1;
	s8 =	simm.s32 @!p0 $0x1BF5;
	p2 =	por !p2, p0  }
0x20: {  	[sflag:s8] =	ssyncset.s32 @!p0 $0xFFFFF086;
	s6 =	sadd.s32 @!p0 s3, s7;
	s7 =	simm.s32 @!p0 $0x108  }
0x21: {  	s3 =	sadd.s32 s3, s9;
	s6 =	sadd.s32 @!p0 $0x88, s6;
	s7 =	simm.s32 @p2 $0x1082  }
0x22: {  	[simem:s7], [sflag:s8] =	dma.local @!p0 [hbm:s6], $0xF7A  }
0x23: {  	s9 =	sor.u32 $0xD0000000, s2;
	s6 =	simm.s32 $0x108;
	_ =	swait.ge @!p0 [sflag:s8], $0x0  }
0x24: {  	s3 =	sadd.s32 $0x88, s3;
	s6 =	simm.s32 @!p1 $0x1082;
	[sflag:s4] =	ssyncset.s32 $0xFFFFF086  }
0x25: {  	[simem:s6], [sflag:s4] =	dma.local [hbm:s3], $0xF7A  }
0x26: {  	[smem:$0x3F91] =	sst s1;
	(tag) =	ssettag s2;
	_ =	strace s9  }
0x27: {  	s1 =	sld [smem:$0x3FA1]  }
0x28: {  	s2 =	sld [smem:$0x3FA2]  }
0x29: {  	s4 =	sld [smem:$0x3FA4]  }
0x2a: {  	p0 =	seq.s32 s5, $0x0;
	s5 =	sld [smem:$0x3FA5]  }
0x2b: {  	s6 =	sld [smem:$0x3FA6]  }
0x2c: {  	s7 =	sld [smem:$0x3FA7]  }
0x2d: {  	s3 =	simm.s32 $0x108;
	s8 =	sld [smem:$0x3FA8]  }
0x2e: {  	s3 =	simm.s32 @!p0 $0x1082;
	s9 =	sld [smem:$0x3FA9]  }
0x2f: {  	lr =	sadd.s32 s0, s3;
	s0 =	sld [smem:$0x3FA0]  }
0x30: {  	s3 =	sld [smem:$0x3FA3]  }
0x31: {  	[smem:$0x3FAC] =	sst s10  }
0x32: {  	s10 =	sld [smem:$0x3FAA];
	_ =	sdelay $0x3  }
0x33: {  	p0 =	seq.s32 s10, $0x1;
	s10 =	sld [smem:$0x3FAC];
	_ =	sdelay $0x3  }
0x34: {  	[smem:$0x3FAC] =	sst s10  }
0x35: {  	s10 =	sld [smem:$0x3FAB];
	_ =	sdelay $0x3  }
0x36: {  	p1 =	seq.s32 s10, $0x1;
	s10 =	sld [smem:$0x3FAC];
	_ =	sdelay $0x3  }
0x37: {  	[smem:$0x3FAC] =	sst s10  }
0x38: {  	s10 =	sld [smem:$0x3FAD]  }
0x39: {  	_ = 	snop;
	(pc) =	sbr.ind lr, $3  }
0x3a: {  	_ = 	snop  }
0x3b: {  	_ = 	snop  }
0x3c: {  	p2 =	seq.s32 s10, $0x1;
	s10 =	sld [smem:$0x3FAC]  }
0x3d: {  	_ =	shalt  }
0x3e: {  	_ =	shalt  }
0x3f: {  	_ =	shalt  }
0x40: {  	_ =	shalt  }
0x41: {  	_ =	shalt  }
0x42: {  	_ =	shalt  }
0x43: {  	_ =	shalt  }
0x44: {  	_ =	shalt  }
0x45: {  	_ =	shalt  }
0x46: {  	_ =	shalt  }
0x47: {  	_ =	shalt  }
0x48: {  	_ =	shalt  }
0x49: {  	_ =	shalt  }
0x4a: {  	_ =	shalt  }
0x4b: {  	_ =	shalt  }
0x4c: {  	_ =	shalt  }
0x4d: {  	_ =	shalt  }
0x4e: {  	_ =	shalt  }
0x4f: {  	_ =	shalt  }
0x50: {  	_ =	shalt  }
0x51: {  	_ =	shalt  }
0x52: {  	_ =	shalt  }
0x53: {  	_ =	shalt  }
0x54: {  	_ =	shalt  }
0x55: {  	_ =	shalt  }
0x56: {  	_ =	shalt  }
0x57: {  	_ =	shalt  }
0x58: {  	_ =	shalt  }
0x59: {  	_ =	shalt  }
0x5a: {  	_ =	shalt  }
0x5b: {  	_ =	shalt  }
0x5c: {  	_ =	shalt  }
0x5d: {  	_ =	shalt  }
0x5e: {  	_ =	shalt  }
0x5f: {  	_ =	shalt  }
0x60: {  	_ =	shalt  }
0x61: {  	_ =	shalt  }
0x62: {  	_ =	shalt  }
0x63: {  	_ =	shalt  }
0x64: {  	_ =	shalt  }
0x65: {  	_ =	shalt  }
0x66: {  	_ =	shalt  }
0x67: {  	_ =	shalt  }
0x68: {  	_ =	shalt  }
0x69: {  	_ =	shalt  }
0x6a: {  	_ =	shalt  }
0x6b: {  	_ =	shalt  }
0x6c: {  	_ =	shalt  }
0x6d: {  	_ =	shalt  }
0x6e: {  	_ =	shalt  }
0x6f: {  	_ =	shalt  }
0x70: {  	_ =	shalt  }
0x71: {  	_ =	shalt  }
0x72: {  	_ =	shalt  }
0x73: {  	_ =	shalt  }
0x74: {  	_ =	shalt  }
0x75: {  	_ =	shalt  }
0x76: {  	_ =	shalt  }
0x77: {  	_ =	shalt  }
0x78: {  	_ =	shalt  }
0x79: {  	_ =	shalt  }
0x7a: {  	_ =	shalt  }
0x7b: {  	_ =	shalt  }
0x7c: {  	_ =	shalt  }
0x7d: {  	_ =	shalt  }
0x7e: {  	_ =	shalt  }
0x7f: {  	_ =	shalt  }
0x80: {  	_ =	shalt  }
0x81: {  	_ =	shalt  }
0x82: {  	_ =	shalt  }
0x83: {  	_ =	shalt  }
0x84: {  	_ =	shalt  }
0x85: {  	_ =	shalt  }
0x86: {  	_ =	shalt  }
0x87: {  	_ =	shalt  }
.Lfunc_end0:
.L_simem_size_0:
called_computation.1_lowered:
.L_overlay_start_0:
0x88: {  	s2 =	sld [smem:$0x3FD9]  }
0x89: {  	s3 =	sld [smem:$0x3FFE];
	_ =	sdelay $0x1  }
0x8a: {  	s1 =	srdreg.scid  }
0x8b: {  	s0 =	sand.u32 $0x1, s1  }
0x8c: {  	s17 =	sshll.u32 s0, $0xA;
	s2 =	sadd.s32 s3, s2  }
0x8d: {  	s2 =	sadd.s32 s2, s17  }
0x8e: {  	[smem:$0x3FB8] =	sst s2  }
0x8f: {  	_ = 	snop  }
0x90: {  	s2 =	sld [smem:$0x3FC5];
	(tm) =	ssettm $0x1  }
0x91: {  	s18 =	sld [smem:$0x3FFB];
	_ =	sdelay $0x3  }
0x92: {  	_ =	strace s18  }
0x93: {  	s3 =	sld [smem:$0x3FFC];
	_ =	sdelay $0x3  }
0x94: {  	_ =	strace s3  }
0x95: {  	s3 =	sld [smem:$0x3FFD];
	_ =	sdelay $0x3  }
0x96: {  	_ =	strace s3  }
0x97: {  	_ =	strace $0x8FFFFFFF  }
0x98: {  	s19 =	sld [smem:$0x3FDB];
	_ =	sdelay $0x1  }
0x99: {  	s4 =	simm.s32 $_scs_section_size  }
0x9a: {  	s5 =	simm.s32 $_size__tile_overlayer_lowered;
	s6 =	simm.s32 $_tile_overlayer_lowered  }
0x9b: {  	s22 =	simm.s32 $0x1BFF;
	s21 =	sshll.u32 s6, $0x1;
	s3 =	sadd.s32 s4, s19  }
0x9c: {  	s7 =	simm.s32 $0x0;
	s20 =	sshll.u32 s5, $0x1;
	s5 =	sadd.s32 s21, s3  }
0x9d: {  	[timem:s7], [sflag:s22] =	dma.local [hbm:s5], s20  }
0x9e: {  	_ =	swait.ge [sflag:s22], s20  }
0x9f: {  	s4 =	ssub.s32 $0x0, s20;
	[sflag:s22] =	ssyncset.done $0x0  }
0xa0: {  	[sflag:s22] =	ssyncadd.s32 s4;
	_ =	sdelay $0x1  }
0xa1: {  	s23 =	simm.s32 $0x1B8B  }
0xa2: {  	_ =	swait.ge [sflag:s23], $0x1  }
0xa3: {  	[sflag:s23] =	ssyncset.done $0x0  }
0xa4: {  	s25 =	simm.s32 $0x1B8E;
	s24 =	sld [smem:$0x3FFE];
	[sflag:s23] =	ssyncadd.s32 $0xFFFFFFFF  }
0xa5: {  	s26 =	simm.s32 $execute0_lowered;
	[smem:$0x3FD2] =	sst s25  }
0xa6: {  	s5 =	sshll.u32 s26, $0x1;
	_ =	strace $0x80000049;
	[dreg:$0x1] =	wrdreg $0xFFFFFFFF  }
0xa7: {  	s28 =	simm.s32 $_size_execute0_lowered;
	s3 =	sadd.s32 s3, s5;
	[dreg:$0x0] =	wrdreg $0x0  }
0xa8: {  	s5 =	sshll.u32 s28, $0x1;
	[dreg:$0x2] =	wrdreg s3  }
0xa9: {  	[dreg:$0x3] =	wrdreg s5  }
0xaa: {  	[dreg:$0x4] =	wrdreg $0xC0  }
0xab: {  	_ =	task [dreg:s7], $0x5FFFF  }
0xac: {  	[dreg:$0x1] =	wrdreg $0xFFFFFFFF  }
0xad: {  	[dreg:$0x0] =	wrdreg $0x60  }
0xae: {  	[dreg:$0x2] =	wrdreg s24  }
0xaf: {  	[dreg:$0x3] =	wrdreg s2  }
0xb0: {  	[dreg:$0x4] =	wrdreg $0x9  }
0xb1: {  	_ =	task.clear_ibuf [dreg:s7], $0x5FFFF;
	_ =	strace $0x90000049  }
0xb2: {  	s29 =	simm.s32 $0x9;
	_ =	strace $0x8000004B  }
0xb3: {  	_ =	swait.ge [sflag:s29], $0x1  }
0xb4: {  	[sflag:s29] =	ssyncadd.s32 $0xFFFFFFFF  }
0xb5: {  	_ =	strace $0x9000004B  }
0xb6: {  	_ =	sfence  }
0xb7: {  	s30 =	sld [smem:$0x0];
	_ =	sdelay $0x2  }
0xb8: {  	s31 =	sshll.u32 s1, $0xD;
	s1 =	sshrl.u32 s1, $0x2  }
0xb9: {  	s3 =	sand.u32 $0x4000, s31;
	s1 =	sadd.s32 s1, s30  }
0xba: {  	s0 =	sor.u32 s3, s0;
	s1 =	sshll.u32 s1, $0x11  }
0xbb: {  	s0 =	sor.u32 s1, s0  }
0xbc: {  	s0 =	sadd.s32 $0x8F2B, s0  }
0xbd: {  	[sflag:s0] =	ssyncadd.remote.s32 $0x1  }
0xbe: {  	_ =	sfence.sel $0xFFFF  }
0xbf: {  	[dreg:$0x0] =	wrdreg $0xFFFFFFFF;
	(pc) =	sbr.abs _section_cstart, $3  }
0xc0: {  	[dreg:$0x1] =	wrdreg $0xFFFFFFFF  }
0xc1: {  	_ =	task.clear_ibuf [dreg:s7], $0x2FFFF;
	_ =	strace $0x9FFFFFFF  }
0xc2: {  	(tm) =	ssettm $0x7FFFFFFF  }
0xc3: {  	_ =	shalt  }
tec
execute0_lowered:
.L_overlay_start_1:
0x0: {  	(tag) =	ssettag $0x1  }
0x1: {  	s0 =	rddreg [dreg:$0x0]  }
0x2: {  	s2 =	rddreg [dreg:$0x1]  }
0x3: {  	s4 =	srdreg.scid;
	s1 =	stileid.u32;
	s3 =	simm.s32 $0x0  }
0x4: {  	s13 =	simm.s32 $0x2800;
	s14 =	simm.s32 $0xF000;
	s15 =	simm.s32 $0x12200  }
0x5: {  	s16 =	simm.s32 $0x1;
	s17 =	simm.s32 $0x10900;
	s18 =	simm.s32 $0x13B00  }
0x6: {  	s19 =	simm.s32 $0x5000;
	s20 =	simm.s32 $0xA000;
	s21 =	simm.s32 $0x7800  }
0x7: {  	s22 =	simm.s32 $0xC800;
	s5 =	sand.u32 $0x1, s4;
	s30 =	sshll.u32 s1, $0x1  }
0x8: {  	s23 =	simm.s32 $0x2;
	s24 =	simm.s32 $0x0;
	s6 =	sor.u32 s5, s30  }
0x9: {  	[smem:$0x7FF] =	sst s3;
	s8 =	sadd.s32 $0x2A00, s0;
	s7 =	smul.u32 $0x5000, s6  }
0xa: {  	s4 =	sadd.s32 $0x53600, s0;
	s5 =	ssub.s32 $0x2, s5;
	s10 =	smul.u32 $0xA00, s6  }
0xb: {  	s0 =	sadd.s32 $0x16A00, s0;
	_ =	strace $0x8000004A;
	s9 =	sshrl.u32 s5, $0x1  }
0xc: {  	s11 =	ssub.s32 s5, s9;
	s7 =	sshrl.u32 s7, $0x3;
	s5 =	sadd.s32 s8, s10  }
0xd: {  	s11 =	smax.u32 s11, $0x1;
	s31 =	sadd.s32 $0x500, s7;
	s12 =	sadd.s32 s0, s7  }
0xe: {  	s7 =	sadd.s32 s0, s10;
	s6 =	sadd.s32 s8, s31;
	s8 =	sadd.s32 $0x14000, s12  }
0xf: {  	v0 =	vimm.f32 $0.0e+00;
	s9 =	sadd.s32 s0, s31;
	s10 =	sadd.s32 $0x14500, s12;
	s12 =	simm.s32 $0x3  }
.LBB2_1:
0x10: {  	[tilespmem:s3], [sflag:$0x3] =	stream.linear.gather [hbm4b:s5+s3], $0x2800, $0x38;
	[tilespmem:$0x15400] =	vst v63  }
0x11: {  	_ =	swait.ge [sflag:s12], $0x2800  }
0x12: {  	[sflag:s12] =	ssyncset.done $0x0  }
0x13: {  	[sflag:s12] =	ssyncadd.s32 $0xFFFFD800  }
0x14: {  	[tilespmem:s13], [sflag:$0x3] =	stream.linear.gather [hbm4b:s6+s3], $0x2800, $0x38;
	[tilespmem:$0x15400] =	vst v63  }
0x15: {  	_ =	swait.ge [sflag:s12], $0x2800  }
0x16: {  	[sflag:s12] =	ssyncset.done $0x0  }
0x17: {  	s28 =	simm.s32 $0x5040;
	[sflag:s12] =	ssyncadd.s32 $0xFFFFD800  }
0x18: {  	[tilespmem:s28+$0x30] =	vst v0  }
0x19: {  	[tilespmem:s28+$0xFFFFFFE0] =	vst v0  }
0x1a: {  	[tilespmem:s28+$0xFFFFFFF0] =	vst v0  }
0x1b: {  	[tilespmem:s28+$0x0] =	vst v0  }
0x1c: {  	[tilespmem:s28+$0xFFFFFFC0] =	vst v0  }
0x1d: {  	[tilespmem:s28+$0x10] =	vst v0  }
0x1e: {  	[tilespmem:s28+$0x20] =	vst v0  }
0x1f: {  	s26 =	simm.s32 $0x7840;
	[tilespmem:s28+$0xFFFFFFD0] =	vst v0  }
0x20: {  	[tilespmem:s26+$0x30] =	vst v0  }
0x21: {  	[tilespmem:s26+$0xFFFFFFC0] =	vst v0  }
0x22: {  	[tilespmem:s26+$0x10] =	vst v0  }
0x23: {  	[tilespmem:s26+$0xFFFFFFD0] =	vst v0  }
0x24: {  	[tilespmem:s26+$0x20] =	vst v0  }
0x25: {  	[tilespmem:s26+$0x0] =	vst v0  }
0x26: {  	s25 =	simm.s32 $0xA040;
	[tilespmem:s26+$0xFFFFFFF0] =	vst v0  }
0x27: {  	[tilespmem:s25+$0x30] =	vst v0  }
0x28: {  	[tilespmem:s25+$0xFFFFFFC0] =	vst v0  }
0x29: {  	[tilespmem:s25+$0x10] =	vst v0  }
0x2a: {  	[tilespmem:s25+$0xFFFFFFD0] =	vst v0  }
0x2b: {  	[tilespmem:s25+$0x20] =	vst v0  }
0x2c: {  	[tilespmem:s25+$0x0] =	vst v0  }
0x2d: {  	s29 =	simm.s32 $0xC840;
	[tilespmem:s25+$0xFFFFFFF0] =	vst v0  }
0x2e: {  	[tilespmem:s29+$0x30] =	vst v0  }
0x2f: {  	[tilespmem:s29+$0xFFFFFFC0] =	vst v0  }
0x30: {  	[tilespmem:s29+$0x10] =	vst v0  }
0x31: {  	[tilespmem:s29+$0xFFFFFFD0] =	vst v0  }
0x32: {  	s30 =	simm.s32 $0x0;
	s31 =	simm.s32 $0xA0C0;
	s0 =	simm.s32 $0xC8C0;
	[tilespmem:s29+$0x20] =	vst v0  }
.LBB2_2:
0x33: {  	s30 =	sadd.s32 $0x80, s30;
	[tilespmem:s26+$0xFFFFFFE0] =	vst v0;
	s28 =	sadd.s32 $0x80, s28;
	s26 =	sadd.s32 $0x80, s26  }
0x34: {  	[tilespmem:s28+$0x30] =	vst v0;
	p0 =	slt.u32 s30, $0x2780  }
0x35: {  	[tilespmem:s26+$0x30] =	vst v0  }
0x36: {  	[tilespmem:s31+$0x30] =	vst v0  }
0x37: {  	[tilespmem:s29+$0xFFFFFFF0] =	vst v0  }
0x38: {  	[tilespmem:s29+$0x0] =	vst v0  }
0x39: {  	[tilespmem:s25+$0xFFFFFFE0] =	vst v0;
	s25 =	smov.u32 s31  }
0x3a: {  	[tilespmem:s29+$0xFFFFFFE0] =	vst v0;
	s29 =	smov.u32 s0  }
0x3b: {  	[tilespmem:s0+$0x30] =	vst v0  }
0x3c: {  	[tilespmem:s28+$0xFFFFFFE0] =	vst v0  }
0x3d: {  	[tilespmem:s28+$0xFFFFFFF0] =	vst v0  }
0x3e: {  	[tilespmem:s28+$0x0] =	vst v0  }
0x3f: {  	[tilespmem:s28+$0xFFFFFFC0] =	vst v0  }
0x40: {  	[tilespmem:s26+$0xFFFFFFC0] =	vst v0  }
0x41: {  	[tilespmem:s31+$0xFFFFFFC0] =	vst v0  }
0x42: {  	[tilespmem:s0+$0xFFFFFFC0] =	vst v0  }
0x43: {  	[tilespmem:s28+$0x10] =	vst v0  }
0x44: {  	[tilespmem:s26+$0x10] =	vst v0  }
0x45: {  	[tilespmem:s31+$0x10] =	vst v0  }
0x46: {  	[tilespmem:s0+$0x10] =	vst v0  }
0x47: {  	[tilespmem:s28+$0x20] =	vst v0  }
0x48: {  	[tilespmem:s28+$0xFFFFFFD0] =	vst v0  }
0x49: {  	[tilespmem:s26+$0xFFFFFFD0] =	vst v0  }
0x4a: {  	[tilespmem:s31+$0xFFFFFFD0] =	vst v0  }
0x4b: {  	[tilespmem:s0+$0xFFFFFFD0] =	vst v0  }
0x4c: {  	[tilespmem:s26+$0x20] =	vst v0  }
0x4d: {  	[tilespmem:s31+$0x20] =	vst v0  }
.Ltmp0:
0x4e: {  	[tilespmem:s0+$0x20] =	vst v0;
	(pc) =	sbr.rel @p0 .LBB2_2-.Ltmp0, $4  }
0x4f: {  	[tilespmem:s26+$0x0] =	vst v0  }
0x50: {  	[tilespmem:s31+$0x0] =	vst v0  }
0x51: {  	[tilespmem:s26+$0xFFFFFFF0] =	vst v0  }
0x52: {  	s0 =	sadd.s32 $0x80, s0;
	s31 =	sadd.s32 $0x80, s31;
	[tilespmem:s25+$0xFFFFFFF0] =	vst v0  }
0x53: {  	[tilespmem:s26+$0xFFFFFFE0] =	vst v0  }
0x54: {  	[tilespmem:s29+$0xFFFFFFF0] =	vst v0  }
0x55: {  	[tilespmem:s29+$0x0] =	vst v0  }
0x56: {  	[tilespmem:s25+$0xFFFFFFE0] =	vst v0  }
0x57: {  	s25 =	simm.s32 $0x0;
	[tilespmem:s29+$0xFFFFFFE0] =	vst v0  }
0x58: {  	[tilespmem:s14], [sflag:$0x1] =	stream.linear.gather [hbm4b:s4+s25], $0x1900, $0x38;
	[tilespmem:$0x15400] =	vst v63  }
0x59: {  	_ = 	snop  }
0x5a: {  	[tilespmem:s15], [sflag:$0x1] =	stream.linear.gather [hbm4b:s2+s25], $0x1900, $0x38;
	[tilespmem:$0x15400] =	vst v63  }
.LBB2_4:
0x5b: {  	_ =	swait.ge [sflag:s16], $0x1900  }
0x5c: {  	s26 =	smul.u32 $0x3200, s25;
	[sflag:s16] =	ssyncset.done $0x0  }
0x5d: {  	[sflag:s16] =	ssyncadd.s32 $0xFFFFE700  }
0x5e: {  	s0 =	sshrl.u32 s26, $0x3;
	_ =	swait.ge [sflag:s16], $0x1900  }
0x5f: {  	s0 =	sadd.s32 $0x320, s0;
	[sflag:s16] =	ssyncset.done $0x0  }
0x60: {  	s28 =	sadd.s32 s4, s0;
	[sflag:s16] =	ssyncadd.s32 $0xFFFFE700  }
0x61: {  	[tilespmem:s17], [sflag:$0x2] =	stream.linear.gather [hbm4b:s28+s3], $0x1900, $0x38;
	[tilespmem:$0x15400] =	vst v63  }
0x62: {  	s31 =	simm.s32 $0xF040;
	s0 =	sadd.s32 s2, s0  }
0x63: {  	[tilespmem:s18], [sflag:$0x2] =	stream.linear.gather [hbm4b:s0+s3], $0x1900, $0x38;
	[tilespmem:$0x15400] =	vst v63  }
0x64: {  	v1 =	vld [tilespmem:s31+$0x30]  }
0x65: {  	v2 =	vld [tilespmem:s31+$0xFFFFFFD0]  }
0x66: {  	v3 =	vld [tilespmem:s31+$0xFFFFFFE0]  }
0x67: {  	v4 =	vld [tilespmem:s31+$0xFFFFFFF0]  }
0x68: {  	v5 =	vld [tilespmem:s31+$0x0]  }
0x69: {  	v7 =	vld [tilespmem:s31+$0x10]  }
0x6a: {  	v9 =	vld [tilespmem:s31+$0xFFFFFFC0]  }
0x6b: {  	s28 =	simm.s32 $0x12240;
	v10 =	vld [tilespmem:s31+$0x20];
	v6 =	vand.u32 $0x3FFF, v1  }
0x6c: {  	v18 =	vld [tilespmem:s28+$0x30]  }
0x6d: {  	v53 =	vld [tilespmem:s28+$0xFFFFFFC0]  }
0x6e: {  	v54 =	vld [tilespmem:s28+$0xFFFFFFD0]  }
0x6f: {  	v27 =	vld [tilespmem:s28+$0xFFFFFFE0]  }
0x70: {  	v8 =	vand.u32 $0x3FFF, v2;
	v14 =	vld.idx.msk [tilespmem:v6+s3+$0x0], $0xffff  }
0x71: {  	v28 =	vld [tilespmem:s28+$0xFFFFFFF0];
	v12 =	vand.u32 $0x3FFF, v4  }
0x72: {  	v30 =	vld [tilespmem:s28+$0x0];
	v17 =	vand.u32 $0x3FFF, v9  }
0x73: {  	v31 =	vld [tilespmem:s28+$0x10];
	v1 =	vshra.s32 v1, $0xE  }
0x74: {  	v34 =	vld [tilespmem:s28+$0x20]  }
0x75: {  	v16 =	vld.idx.msk [tilespmem:v8+s3+$0x0], $0xffff;
	v24 =	vunpack.i.l.bf16.f32 v14  }
0x76: {  	v11 =	vand.u32 $0x3FFF, v3;
	v21 =	vld.idx.msk [tilespmem:v12+s3+$0x0], $0xffff;
	v14 =	vunpack.i.u.bf16.f32 v14;
	v24 =	vmul.f32 v24, v18  }
0x77: {  	v13 =	vand.u32 $0x3FFF, v5;
	v25 =	vld.idx.msk [tilespmem:v17+s3+$0x0], $0xffff;
	v14 =	vmul.f32 v14, v18  }
0x78: {  	v15 =	vand.u32 $0x3FFF, v7;
	[tilespmem:v1+s19+$0x0] =	vst.idx.add.f32.msk $0xffff, v24  }
0x79: {  	v19 =	vand.u32 $0x3FFF, v10;
	[tilespmem:v1+s20+$0x0] =	vst.idx.add.f32.msk $0xffff, v14  }
0x7a: {  	v9 =	vshra.s32 v9, $0xE;
	v6 =	vld.idx.msk [tilespmem:v6+s13+$0x0], $0xffff  }
0x7b: {  	v33 =	vshra.s32 v2, $0xE;
	v20 =	vld.idx.msk [tilespmem:v11+s3+$0x0], $0xffff  }
0x7c: {  	v4 =	vshra.s32 v4, $0xE;
	v22 =	vld.idx.msk [tilespmem:v13+s3+$0x0], $0xffff;
	v29 =	vunpack.i.l.bf16.f32 v25  }
0x7d: {  	v23 =	vld.idx.msk [tilespmem:v15+s3+$0x0], $0xffff;
	v55 =	vunpack.i.l.bf16.f32 v16;
	v29 =	vmul.f32 v29, v53  }
0x7e: {  	v57 =	vshra.s32 v5, $0xE;
	v26 =	vld.idx.msk [tilespmem:v19+s3+$0x0], $0xffff;
	v5 =	vunpack.i.l.bf16.f32 v21;
	v56 =	vmul.f32 v55, v54  }
0x7f: {  	v5 =	vmul.f32 v5, v28;
	[tilespmem:v9+s19+$0x0] =	vst.idx.add.f32.msk $0xffff, v29;
	v32 =	vunpack.i.l.bf16.f32 v6  }
0x80: {  	[tilespmem:v33+s19+$0x0] =	vst.idx.add.f32.msk $0xffff, v56;
	v2 =	vunpack.i.u.bf16.f32 v6;
	v6 =	vmul.f32 v32, v18  }
0x81: {  	v3 =	vshra.s32 v3, $0xE;
	v25 =	vunpack.i.u.bf16.f32 v25;
	[tilespmem:v4+s19+$0x0] =	vst.idx.add.f32.msk $0xffff, v5;
	v2 =	vmul.f32 v2, v18  }
0x82: {  	v25 =	vmul.f32 v25, v53;
	[tilespmem:v1+s21+$0x0] =	vst.idx.add.f32.msk $0xffff, v6;
	v6 =	vunpack.i.u.bf16.f32 v16  }
0x83: {  	[tilespmem:v1+s22+$0x0] =	vst.idx.add.f32.msk $0xffff, v2;
	v1 =	vunpack.i.l.bf16.f32 v20;
	v2 =	vmul.f32 v6, v54  }
0x84: {  	[tilespmem:v9+s20+$0x0] =	vst.idx.add.f32.msk $0xffff, v25;
	v6 =	vunpack.i.u.bf16.f32 v20;
	v1 =	vmul.f32 v1, v27  }
0x85: {  	v6 =	vmul.f32 v6, v27;
	[tilespmem:v33+s20+$0x0] =	vst.idx.add.f32.msk $0xffff, v2;
	v2 =	vunpack.i.u.bf16.f32 v21  }
0x86: {  	[tilespmem:v3+s19+$0x0] =	vst.idx.add.f32.msk $0xffff, v1;
	v1 =	vshra.s32 v7, $0xE;
	v7 =	vunpack.i.l.bf16.f32 v22;
	v58 =	vmul.f32 v2, v28  }
0x87: {  	[tilespmem:v3+s20+$0x0] =	vst.idx.add.f32.msk $0xffff, v6;
	v6 =	vunpack.i.u.bf16.f32 v22;
	v7 =	vmul.f32 v7, v30  }
0x88: {  	v2 =	vshra.s32 v10, $0xE;
	v6 =	vmul.f32 v6, v30;
	[tilespmem:v4+s20+$0x0] =	vst.idx.add.f32.msk $0xffff, v58  }
0x89: {  	v5 =	vunpack.i.l.bf16.f32 v23;
	[tilespmem:v57+s19+$0x0] =	vst.idx.add.f32.msk $0xffff, v7  }
0x8a: {  	v5 =	vmul.f32 v5, v31;
	v7 =	vunpack.i.l.bf16.f32 v26;
	[tilespmem:v57+s20+$0x0] =	vst.idx.add.f32.msk $0xffff, v6  }
0x8b: {  	v6 =	vmul.f32 v7, v34;
	v7 =	vld.idx.msk [tilespmem:v11+s13+$0x0], $0xffff  }
0x8c: {  	[tilespmem:v1+s19+$0x0] =	vst.idx.add.f32.msk $0xffff, v5;
	v5 =	vunpack.i.u.bf16.f32 v26  }
0x8d: {  	v5 =	vmul.f32 v5, v34;
	[tilespmem:v2+s19+$0x0] =	vst.idx.add.f32.msk $0xffff, v6  }
0x8e: {  	v10 =	vunpack.i.u.bf16.f32 v23;
	v6 =	vld.idx.msk [tilespmem:v17+s13+$0x0], $0xffff  }
0x8f: {  	v10 =	vmul.f32 v10, v31;
	[tilespmem:v2+s20+$0x0] =	vst.idx.add.f32.msk $0xffff, v5  }
0x90: {  	v5 =	vld.idx.msk [tilespmem:v8+s13+$0x0], $0xffff  }
0x91: {  	[tilespmem:v1+s20+$0x0] =	vst.idx.add.f32.msk $0xffff, v10  }
0x92: {  	v10 =	vld.idx.msk [tilespmem:v13+s13+$0x0], $0xffff  }
0x93: {  	v59 =	vld.idx.msk [tilespmem:v15+s13+$0x0], $0xffff;
	v11 =	vunpack.i.l.bf16.f32 v6  }
0x94: {  	v8 =	vld.idx.msk [tilespmem:v12+s13+$0x0], $0xffff;
	v6 =	vunpack.i.u.bf16.f32 v6;
	v11 =	vmul.f32 v11, v53  }
0x95: {  	v60 =	vld.idx.msk [tilespmem:v19+s13+$0x0], $0xffff;
	v6 =	vmul.f32 v6, v53;
	v61 =	vunpack.i.l.bf16.f32 v5  }
0x96: {  	v5 =	vunpack.i.u.bf16.f32 v5;
	[tilespmem:v9+s21+$0x0] =	vst.idx.add.f32.msk $0xffff, v11;
	v11 =	vmul.f32 v61, v54  }
0x97: {  	v62 =	vunpack.i.l.bf16.f32 v7;
	v5 =	vmul.f32 v5, v54;
	[tilespmem:v9+s22+$0x0] =	vst.idx.add.f32.msk $0xffff, v6  }
0x98: {  	v6 =	vunpack.i.u.bf16.f32 v7;
	v7 =	vmul.f32 v62, v27;
	[tilespmem:v33+s21+$0x0] =	vst.idx.add.f32.msk $0xffff, v11  }
0x99: {  	v9 =	vunpack.i.l.bf16.f32 v8;
	[tilespmem:v33+s22+$0x0] =	vst.idx.add.f32.msk $0xffff, v5;
	v5 =	vmul.f32 v6, v27  }
0x9a: {  	v6 =	vunpack.i.u.bf16.f32 v8;
	[tilespmem:v3+s21+$0x0] =	vst.idx.add.f32.msk $0xffff, v7;
	v7 =	vmul.f32 v9, v28  }
0x9b: {  	v8 =	vunpack.i.l.bf16.f32 v10;
	v6 =	vmul.f32 v6, v28;
	[tilespmem:v3+s22+$0x0] =	vst.idx.add.f32.msk $0xffff, v5  }
0x9c: {  	v11 =	vunpack.i.u.bf16.f32 v60;
	v8 =	vmul.f32 v8, v30;
	v3 =	vunpack.i.u.bf16.f32 v10;
	[tilespmem:v4+s21+$0x0] =	vst.idx.add.f32.msk $0xffff, v7  }
0x9d: {  	v5 =	vunpack.i.u.bf16.f32 v59;
	v7 =	vunpack.i.l.bf16.f32 v59;
	v63 =	vmul.f32 v3, v30;
	[tilespmem:v4+s22+$0x0] =	vst.idx.add.f32.msk $0xffff, v6  }
0x9e: {  	v3 =	vunpack.i.l.bf16.f32 v60;
	v10 =	vmul.f32 v7, v31;
	v9 =	vmul.f32 v5, v31;
	[tilespmem:v57+s21+$0x0] =	vst.idx.add.f32.msk $0xffff, v8  }
0x9f: {  	s29 =	simm.s32 $0x0;
	s30 =	simm.s32 $0xF0C0;
	v5 =	vmul.f32 v3, v34;
	v3 =	vmul.f32 v11, v34;
	[tilespmem:v57+s22+$0x0] =	vst.idx.add.f32.msk $0xffff, v63  }
.LBB2_5:
0xa0: {  	v12 =	vld [tilespmem:s30+$0x30]  }
0xa1: {  	v4 =	vld [tilespmem:s30+$0xFFFFFFD0]  }
0xa2: {  	s29 =	sadd.s32 $0x80, s29;
	v6 =	vld [tilespmem:s30+$0xFFFFFFE0]  }
0xa3: {  	p0 =	slt.u32 s29, $0x1880;
	v13 =	vld [tilespmem:s30+$0xFFFFFFF0]  }
0xa4: {  	v14 =	vld [tilespmem:s30+$0x0]  }
0xa5: {  	v15 =	vld [tilespmem:s30+$0x10];
	v16 =	vand.u32 $0x3FFF, v12  }
0xa6: {  	v8 =	vshra.s32 v4, $0xE;
	v11 =	vand.u32 $0x3FFF, v4;
	v17 =	vld [tilespmem:s30+$0x20]  }
0xa7: {  	v18 =	vld [tilespmem:s30+$0xFFFFFFC0];
	v7 =	vshra.s32 v6, $0xE;
	v19 =	vand.u32 $0x3FFF, v6  }
0xa8: {  	v6 =	vshra.s32 v13, $0xE;
	v13 =	vand.u32 $0x3FFF, v13;
	[tilespmem:v1+s21+$0x0] =	vst.idx.add.f32.msk $0xffff, v10  }
0xa9: {  	v4 =	vshra.s32 v14, $0xE;
	v14 =	vand.u32 $0x3FFF, v14;
	[tilespmem:v1+s22+$0x0] =	vst.idx.add.f32.msk $0xffff, v9  }
0xaa: {  	v1 =	vshra.s32 v15, $0xE;
	v15 =	vand.u32 $0x3FFF, v15;
	v20 =	vld.idx.msk [tilespmem:v16+s3+$0x0], $0xffff  }
0xab: {  	s28 =	sadd.s32 $0x80, s28;
	v21 =	vld.idx.msk [tilespmem:v11+s3+$0x0], $0xffff;
	v10 =	vshra.s32 v17, $0xE;
	v17 =	vand.u32 $0x3FFF, v17  }
0xac: {  	v9 =	vshra.s32 v18, $0xE;
	v18 =	vand.u32 $0x3FFF, v18;
	v22 =	vld [tilespmem:s28+$0x30]  }
0xad: {  	v23 =	vld.idx.msk [tilespmem:v19+s3+$0x0], $0xffff  }
0xae: {  	v12 =	vshra.s32 v12, $0xE;
	v24 =	vld.idx.msk [tilespmem:v13+s3+$0x0], $0xffff  }
0xaf: {  	v25 =	vld.idx.msk [tilespmem:v14+s3+$0x0], $0xffff  }
0xb0: {  	v27 =	vunpack.i.l.bf16.f32 v20;
	v26 =	vld.idx.msk [tilespmem:v15+s3+$0x0], $0xffff  }
0xb1: {  	v20 =	vunpack.i.u.bf16.f32 v20;
	v29 =	vunpack.i.u.bf16.f32 v21;
	v28 =	vld.idx.msk [tilespmem:v18+s3+$0x0], $0xffff;
	v27 =	vmul.f32 v27, v22  }
0xb2: {  	v21 =	vunpack.i.l.bf16.f32 v21;
	v20 =	vmul.f32 v20, v22;
	v30 =	vld.idx.msk [tilespmem:v17+s3+$0x0], $0xffff  }
0xb3: {  	v31 =	vunpack.i.u.bf16.f32 v23;
	v23 =	vunpack.i.l.bf16.f32 v23;
	[tilespmem:v12+s19+$0x0] =	vst.idx.add.f32.msk $0xffff, v27  }
0xb4: {  	v27 =	vunpack.i.u.bf16.f32 v24;
	v24 =	vunpack.i.l.bf16.f32 v24;
	[tilespmem:v12+s20+$0x0] =	vst.idx.add.f32.msk $0xffff, v20  }
0xb5: {  	v20 =	vunpack.i.u.bf16.f32 v25;
	v25 =	vunpack.i.l.bf16.f32 v25;
	v16 =	vld.idx.msk [tilespmem:v16+s13+$0x0], $0xffff  }
0xb6: {  	v33 =	vunpack.i.u.bf16.f32 v26;
	v26 =	vunpack.i.l.bf16.f32 v26;
	v32 =	vld [tilespmem:s28+$0xFFFFFFC0]  }
0xb7: {  	v34 =	vunpack.i.u.bf16.f32 v28;
	v28 =	vunpack.i.l.bf16.f32 v28;
	v35 =	vld [tilespmem:s28+$0xFFFFFFD0]  }
0xb8: {  	v37 =	vunpack.i.u.bf16.f32 v30;
	v30 =	vunpack.i.l.bf16.f32 v30;
	v36 =	vld [tilespmem:s28+$0xFFFFFFE0]  }
0xb9: {  	v38 =	vld [tilespmem:s28+$0xFFFFFFF0]  }
0xba: {  	v39 =	vld [tilespmem:s28+$0x0]  }
0xbb: {  	v41 =	vunpack.i.l.bf16.f32 v16;
	v28 =	vmul.f32 v28, v32;
	v34 =	vmul.f32 v34, v32;
	v40 =	vld [tilespmem:s28+$0x10]  }
0xbc: {  	v16 =	vunpack.i.u.bf16.f32 v16;
	v41 =	vmul.f32 v41, v22;
	v21 =	vmul.f32 v21, v35;
	v42 =	vld [tilespmem:s28+$0x20]  }
0xbd: {  	v16 =	vmul.f32 v16, v22;
	[tilespmem:v9+s19+$0x0] =	vst.idx.add.f32.msk $0xffff, v28;
	v28 =	vmul.f32 v29, v35  }
0xbe: {  	v22 =	vmul.f32 v23, v36;
	v23 =	vmul.f32 v31, v36;
	[tilespmem:v12+s21+$0x0] =	vst.idx.add.f32.msk $0xffff, v41  }
0xbf: {  	v24 =	vmul.f32 v24, v38;
	v27 =	vmul.f32 v27, v38;
	[tilespmem:v12+s22+$0x0] =	vst.idx.add.f32.msk $0xffff, v16  }
0xc0: {  	v12 =	vmul.f32 v25, v39;
	v16 =	vmul.f32 v20, v39;
	[tilespmem:v9+s20+$0x0] =	vst.idx.add.f32.msk $0xffff, v34  }
0xc1: {  	v20 =	vmul.f32 v26, v40;
	[tilespmem:v8+s19+$0x0] =	vst.idx.add.f32.msk $0xffff, v21;
	v21 =	vmul.f32 v33, v40  }
0xc2: {  	v25 =	vmul.f32 v30, v42;
	v26 =	vmul.f32 v37, v42;
	[tilespmem:v8+s20+$0x0] =	vst.idx.add.f32.msk $0xffff, v28  }
0xc3: {  	[tilespmem:v7+s19+$0x0] =	vst.idx.add.f32.msk $0xffff, v22  }
0xc4: {  	[tilespmem:v7+s20+$0x0] =	vst.idx.add.f32.msk $0xffff, v23  }
0xc5: {  	[tilespmem:v6+s19+$0x0] =	vst.idx.add.f32.msk $0xffff, v24  }
0xc6: {  	[tilespmem:v6+s20+$0x0] =	vst.idx.add.f32.msk $0xffff, v27  }
0xc7: {  	[tilespmem:v4+s19+$0x0] =	vst.idx.add.f32.msk $0xffff, v12  }
0xc8: {  	[tilespmem:v4+s20+$0x0] =	vst.idx.add.f32.msk $0xffff, v16  }
0xc9: {  	[tilespmem:v1+s19+$0x0] =	vst.idx.add.f32.msk $0xffff, v20  }
0xca: {  	[tilespmem:v1+s20+$0x0] =	vst.idx.add.f32.msk $0xffff, v21  }
0xcb: {  	[tilespmem:v10+s19+$0x0] =	vst.idx.add.f32.msk $0xffff, v25  }
0xcc: {  	[tilespmem:v10+s20+$0x0] =	vst.idx.add.f32.msk $0xffff, v26  }
0xcd: {  	v12 =	vld.idx.msk [tilespmem:v18+s13+$0x0], $0xffff  }
0xce: {  	v11 =	vld.idx.msk [tilespmem:v11+s13+$0x0], $0xffff  }
0xcf: {  	v16 =	vld.idx.msk [tilespmem:v19+s13+$0x0], $0xffff  }
0xd0: {  	v13 =	vld.idx.msk [tilespmem:v13+s13+$0x0], $0xffff  }
0xd1: {  	v14 =	vld.idx.msk [tilespmem:v14+s13+$0x0], $0xffff  }
0xd2: {  	v15 =	vld.idx.msk [tilespmem:v15+s13+$0x0], $0xffff  }
0xd3: {  	v18 =	vunpack.i.u.bf16.f32 v12;
	v12 =	vunpack.i.l.bf16.f32 v12;
	v17 =	vld.idx.msk [tilespmem:v17+s13+$0x0], $0xffff  }
0xd4: {  	v12 =	vmul.f32 v12, v32;
	v19 =	vunpack.i.u.bf16.f32 v11;
	v11 =	vunpack.i.l.bf16.f32 v11;
	[tilespmem:v2+s21+$0x0] =	vst.idx.add.f32.msk $0xffff, v5  }
0xd5: {  	v5 =	vmul.f32 v18, v32;
	v18 =	vunpack.i.u.bf16.f32 v16;
	v16 =	vunpack.i.l.bf16.f32 v16;
	[tilespmem:v2+s22+$0x0] =	vst.idx.add.f32.msk $0xffff, v3;
	v2 =	vmovc v10  }
0xd6: {  	v3 =	vmul.f32 v11, v35;
	v10 =	vunpack.i.u.bf16.f32 v13;
	v11 =	vunpack.i.l.bf16.f32 v13;
	[tilespmem:v9+s21+$0x0] =	vst.idx.add.f32.msk $0xffff, v12  }
0xd7: {  	v12 =	vunpack.i.l.bf16.f32 v14;
	[tilespmem:v9+s22+$0x0] =	vst.idx.add.f32.msk $0xffff, v5;
	v5 =	vmul.f32 v19, v35;
	v9 =	vunpack.i.u.bf16.f32 v14  }
0xd8: {  	v13 =	vunpack.i.u.bf16.f32 v15;
	v14 =	vunpack.i.l.bf16.f32 v15;
	[tilespmem:v8+s21+$0x0] =	vst.idx.add.f32.msk $0xffff, v3;
	v3 =	vmul.f32 v16, v36  }
0xd9: {  	v15 =	vunpack.i.l.bf16.f32 v17;
	[tilespmem:v8+s22+$0x0] =	vst.idx.add.f32.msk $0xffff, v5;
	v5 =	vmul.f32 v18, v36;
	v8 =	vunpack.i.u.bf16.f32 v17  }
0xda: {  	[tilespmem:v7+s21+$0x0] =	vst.idx.add.f32.msk $0xffff, v3;
	v3 =	vmul.f32 v11, v38;
	v11 =	vmul.f32 v10, v38  }
.Ltmp1:
0xdb: {  	[tilespmem:v7+s22+$0x0] =	vst.idx.add.f32.msk $0xffff, v5;
	v7 =	vmul.f32 v12, v39;
	v12 =	vmul.f32 v9, v39;
	(pc) =	sbr.rel @p0 .LBB2_5-.Ltmp1, $4  }
0xdc: {  	v10 =	vmul.f32 v14, v40;
	v9 =	vmul.f32 v13, v40;
	[tilespmem:v6+s21+$0x0] =	vst.idx.add.f32.msk $0xffff, v3  }
0xdd: {  	v5 =	vmul.f32 v15, v42;
	v3 =	vmul.f32 v8, v42;
	[tilespmem:v6+s22+$0x0] =	vst.idx.add.f32.msk $0xffff, v11  }
0xde: {  	[tilespmem:v4+s21+$0x0] =	vst.idx.add.f32.msk $0xffff, v7  }
0xdf: {  	s30 =	sadd.s32 $0x80, s30;
	[tilespmem:v4+s22+$0x0] =	vst.idx.add.f32.msk $0xffff, v12  }
0xe0: {  	_ =	sdelay $0x3  }
0xe1: {  	[tilespmem:v1+s21+$0x0] =	vst.idx.add.f32.msk $0xffff, v10  }
0xe2: {  	[tilespmem:v2+s21+$0x0] =	vst.idx.add.f32.msk $0xffff, v5  }
0xe3: {  	[tilespmem:v1+s22+$0x0] =	vst.idx.add.f32.msk $0xffff, v9  }
0xe4: {  	[tilespmem:v2+s22+$0x0] =	vst.idx.add.f32.msk $0xffff, v3  }
0xe5: {  	_ =	swait.ge [sflag:s23], $0x1900  }
0xe6: {  	[sflag:s23] =	ssyncset.done $0x0  }
0xe7: {  	p0 =	seq.s32 s25, $0x18;
	[sflag:s23] =	ssyncadd.s32 $0xFFFFE700  }
0xe8: {  	s0 =	sshrl.u32 @!p0 s26, $0x3;
	_ =	swait.ge [sflag:s23], $0x1900  }
0xe9: {  	s28 =	simm.s32 @!p0 $0x0;
	s0 =	sadd.s32 @!p0 $0x640, s0;
	[sflag:s23] =	ssyncset.done $0x0  }
0xea: {  	s29 =	simm.s32 @!p0 $0xF000;
	s26 =	sadd.s32 @!p0 s4, s0;
	[sflag:s23] =	ssyncadd.s32 $0xFFFFE700  }
0xeb: {  	[tilespmem:s29], [sflag:$0x1] =	stream.linear.gather @!p0 [hbm4b:s26+s28], $0x1900, $0x38;
	[tilespmem:$0x15400] =	vst v63  }
0xec: {  	s31 =	simm.s32 $0x10940;
	s0 =	sadd.s32 @!p0 s2, s0;
	s26 =	simm.s32 @!p0 $0x12200  }
0xed: {  	[tilespmem:s26], [sflag:$0x1] =	stream.linear.gather @!p0 [hbm4b:s0+s28], $0x1900, $0x38;
	[tilespmem:$0x15400] =	vst v63  }
0xee: {  	v1 =	vld [tilespmem:s31+$0x30]  }
0xef: {  	v2 =	vld [tilespmem:s31+$0xFFFFFFD0]  }
0xf0: {  	v3 =	vld [tilespmem:s31+$0xFFFFFFE0]  }
0xf1: {  	v4 =	vld [tilespmem:s31+$0xFFFFFFF0]  }
0xf2: {  	v5 =	vld [tilespmem:s31+$0x0]  }
0xf3: {  	v7 =	vld [tilespmem:s31+$0x10]  }
0xf4: {  	v9 =	vld [tilespmem:s31+$0xFFFFFFC0]  }
0xf5: {  	s26 =	simm.s32 $0x13B40;
	v10 =	vld [tilespmem:s31+$0x20];
	v6 =	vand.u32 $0x3FFF, v1  }
0xf6: {  	v18 =	vld [tilespmem:s26+$0x30]  }
0xf7: {  	v53 =	vld [tilespmem:s26+$0xFFFFFFC0]  }
0xf8: {  	v54 =	vld [tilespmem:s26+$0xFFFFFFD0]  }
0xf9: {  	v27 =	vld [tilespmem:s26+$0xFFFFFFE0]  }
0xfa: {  	v8 =	vand.u32 $0x3FFF, v2;
	v14 =	vld.idx.msk [tilespmem:v6+s3+$0x0], $0xffff  }
0xfb: {  	v28 =	vld [tilespmem:s26+$0xFFFFFFF0];
	v12 =	vand.u32 $0x3FFF, v4  }
0xfc: {  	v30 =	vld [tilespmem:s26+$0x0];
	v17 =	vand.u32 $0x3FFF, v9  }
0xfd: {  	v31 =	vld [tilespmem:s26+$0x10];
	v1 =	vshra.s32 v1, $0xE  }
0xfe: {  	v34 =	vld [tilespmem:s26+$0x20]  }
0xff: {  	v16 =	vld.idx.msk [tilespmem:v8+s3+$0x0], $0xffff;
	v24 =	vunpack.i.l.bf16.f32 v14  }
0x100: {  	v11 =	vand.u32 $0x3FFF, v3;
	v21 =	vld.idx.msk [tilespmem:v12+s3+$0x0], $0xffff;
	v14 =	vunpack.i.u.bf16.f32 v14;
	v24 =	vmul.f32 v24, v18  }
0x101: {  	v13 =	vand.u32 $0x3FFF, v5;
	v25 =	vld.idx.msk [tilespmem:v17+s3+$0x0], $0xffff;
	v14 =	vmul.f32 v14, v18  }
0x102: {  	v15 =	vand.u32 $0x3FFF, v7;
	[tilespmem:v1+s19+$0x0] =	vst.idx.add.f32.msk $0xffff, v24  }
0x103: {  	v19 =	vand.u32 $0x3FFF, v10;
	[tilespmem:v1+s20+$0x0] =	vst.idx.add.f32.msk $0xffff, v14  }
0x104: {  	v9 =	vshra.s32 v9, $0xE;
	v6 =	vld.idx.msk [tilespmem:v6+s13+$0x0], $0xffff  }
0x105: {  	v33 =	vshra.s32 v2, $0xE;
	v20 =	vld.idx.msk [tilespmem:v11+s3+$0x0], $0xffff  }
0x106: {  	v4 =	vshra.s32 v4, $0xE;
	v22 =	vld.idx.msk [tilespmem:v13+s3+$0x0], $0xffff;
	v29 =	vunpack.i.l.bf16.f32 v25  }
0x107: {  	v23 =	vld.idx.msk [tilespmem:v15+s3+$0x0], $0xffff;
	v55 =	vunpack.i.l.bf16.f32 v16;
	v29 =	vmul.f32 v29, v53  }
0x108: {  	v57 =	vshra.s32 v5, $0xE;
	v26 =	vld.idx.msk [tilespmem:v19+s3+$0x0], $0xffff;
	v5 =	vunpack.i.l.bf16.f32 v21;
	v56 =	vmul.f32 v55, v54  }
0x109: {  	v5 =	vmul.f32 v5, v28;
	[tilespmem:v9+s19+$0x0] =	vst.idx.add.f32.msk $0xffff, v29;
	v32 =	vunpack.i.l.bf16.f32 v6  }
0x10a: {  	[tilespmem:v33+s19+$0x0] =	vst.idx.add.f32.msk $0xffff, v56;
	v2 =	vunpack.i.u.bf16.f32 v6;
	v6 =	vmul.f32 v32, v18  }
0x10b: {  	v3 =	vshra.s32 v3, $0xE;
	v25 =	vunpack.i.u.bf16.f32 v25;
	[tilespmem:v4+s19+$0x0] =	vst.idx.add.f32.msk $0xffff, v5;
	v2 =	vmul.f32 v2, v18  }
0x10c: {  	v25 =	vmul.f32 v25, v53;
	[tilespmem:v1+s21+$0x0] =	vst.idx.add.f32.msk $0xffff, v6;
	v6 =	vunpack.i.u.bf16.f32 v16  }
0x10d: {  	[tilespmem:v1+s22+$0x0] =	vst.idx.add.f32.msk $0xffff, v2;
	v1 =	vunpack.i.l.bf16.f32 v20;
	v2 =	vmul.f32 v6, v54  }
0x10e: {  	[tilespmem:v9+s20+$0x0] =	vst.idx.add.f32.msk $0xffff, v25;
	v6 =	vunpack.i.u.bf16.f32 v20;
	v1 =	vmul.f32 v1, v27  }
0x10f: {  	v6 =	vmul.f32 v6, v27;
	[tilespmem:v33+s20+$0x0] =	vst.idx.add.f32.msk $0xffff, v2;
	v2 =	vunpack.i.u.bf16.f32 v21  }
0x110: {  	[tilespmem:v3+s19+$0x0] =	vst.idx.add.f32.msk $0xffff, v1;
	v1 =	vshra.s32 v7, $0xE;
	v7 =	vunpack.i.l.bf16.f32 v22;
	v58 =	vmul.f32 v2, v28  }
0x111: {  	[tilespmem:v3+s20+$0x0] =	vst.idx.add.f32.msk $0xffff, v6;
	v6 =	vunpack.i.u.bf16.f32 v22;
	v7 =	vmul.f32 v7, v30  }
0x112: {  	v2 =	vshra.s32 v10, $0xE;
	v6 =	vmul.f32 v6, v30;
	[tilespmem:v4+s20+$0x0] =	vst.idx.add.f32.msk $0xffff, v58  }
0x113: {  	v5 =	vunpack.i.l.bf16.f32 v23;
	[tilespmem:v57+s19+$0x0] =	vst.idx.add.f32.msk $0xffff, v7  }
0x114: {  	v5 =	vmul.f32 v5, v31;
	v7 =	vunpack.i.l.bf16.f32 v26;
	[tilespmem:v57+s20+$0x0] =	vst.idx.add.f32.msk $0xffff, v6  }
0x115: {  	v6 =	vmul.f32 v7, v34;
	v7 =	vld.idx.msk [tilespmem:v11+s13+$0x0], $0xffff  }
0x116: {  	[tilespmem:v1+s19+$0x0] =	vst.idx.add.f32.msk $0xffff, v5;
	v5 =	vunpack.i.u.bf16.f32 v26  }
0x117: {  	v5 =	vmul.f32 v5, v34;
	[tilespmem:v2+s19+$0x0] =	vst.idx.add.f32.msk $0xffff, v6  }
0x118: {  	v10 =	vunpack.i.u.bf16.f32 v23;
	v6 =	vld.idx.msk [tilespmem:v17+s13+$0x0], $0xffff  }
0x119: {  	v10 =	vmul.f32 v10, v31;
	[tilespmem:v2+s20+$0x0] =	vst.idx.add.f32.msk $0xffff, v5  }
0x11a: {  	v5 =	vld.idx.msk [tilespmem:v8+s13+$0x0], $0xffff  }
0x11b: {  	[tilespmem:v1+s20+$0x0] =	vst.idx.add.f32.msk $0xffff, v10  }
0x11c: {  	v10 =	vld.idx.msk [tilespmem:v13+s13+$0x0], $0xffff  }
0x11d: {  	v59 =	vld.idx.msk [tilespmem:v15+s13+$0x0], $0xffff;
	v11 =	vunpack.i.l.bf16.f32 v6  }
0x11e: {  	v8 =	vld.idx.msk [tilespmem:v12+s13+$0x0], $0xffff;
	v6 =	vunpack.i.u.bf16.f32 v6;
	v11 =	vmul.f32 v11, v53  }
0x11f: {  	v60 =	vld.idx.msk [tilespmem:v19+s13+$0x0], $0xffff;
	v6 =	vmul.f32 v6, v53;
	v61 =	vunpack.i.l.bf16.f32 v5  }
0x120: {  	v5 =	vunpack.i.u.bf16.f32 v5;
	[tilespmem:v9+s21+$0x0] =	vst.idx.add.f32.msk $0xffff, v11;
	v11 =	vmul.f32 v61, v54  }
0x121: {  	v62 =	vunpack.i.l.bf16.f32 v7;
	v5 =	vmul.f32 v5, v54;
	[tilespmem:v9+s22+$0x0] =	vst.idx.add.f32.msk $0xffff, v6  }
0x122: {  	v6 =	vunpack.i.u.bf16.f32 v7;
	v7 =	vmul.f32 v62, v27;
	[tilespmem:v33+s21+$0x0] =	vst.idx.add.f32.msk $0xffff, v11  }
0x123: {  	v9 =	vunpack.i.l.bf16.f32 v8;
	[tilespmem:v33+s22+$0x0] =	vst.idx.add.f32.msk $0xffff, v5;
	v5 =	vmul.f32 v6, v27  }
0x124: {  	v6 =	vunpack.i.u.bf16.f32 v8;
	[tilespmem:v3+s21+$0x0] =	vst.idx.add.f32.msk $0xffff, v7;
	v7 =	vmul.f32 v9, v28  }
0x125: {  	v8 =	vunpack.i.l.bf16.f32 v10;
	v6 =	vmul.f32 v6, v28;
	[tilespmem:v3+s22+$0x0] =	vst.idx.add.f32.msk $0xffff, v5  }
0x126: {  	v11 =	vunpack.i.u.bf16.f32 v60;
	v8 =	vmul.f32 v8, v30;
	v3 =	vunpack.i.u.bf16.f32 v10;
	[tilespmem:v4+s21+$0x0] =	vst.idx.add.f32.msk $0xffff, v7  }
0x127: {  	v5 =	vunpack.i.u.bf16.f32 v59;
	v7 =	vunpack.i.l.bf16.f32 v59;
	v63 =	vmul.f32 v3, v30;
	[tilespmem:v4+s22+$0x0] =	vst.idx.add.f32.msk $0xffff, v6  }
0x128: {  	v3 =	vunpack.i.l.bf16.f32 v60;
	v10 =	vmul.f32 v7, v31;
	v9 =	vmul.f32 v5, v31;
	[tilespmem:v57+s21+$0x0] =	vst.idx.add.f32.msk $0xffff, v8  }
0x129: {  	s29 =	simm.s32 $0x109C0;
	s28 =	simm.s32 $0x0;
	v5 =	vmul.f32 v3, v34;
	v3 =	vmul.f32 v11, v34;
	[tilespmem:v57+s22+$0x0] =	vst.idx.add.f32.msk $0xffff, v63  }
.LBB2_7:
0x12a: {  	v12 =	vld [tilespmem:s29+$0x30]  }
0x12b: {  	v4 =	vld [tilespmem:s29+$0xFFFFFFD0]  }
0x12c: {  	s28 =	sadd.s32 $0x80, s28;
	v6 =	vld [tilespmem:s29+$0xFFFFFFE0]  }
0x12d: {  	p0 =	slt.u32 s28, $0x1880;
	v13 =	vld [tilespmem:s29+$0xFFFFFFF0]  }
0x12e: {  	v14 =	vld [tilespmem:s29+$0x0]  }
0x12f: {  	v15 =	vld [tilespmem:s29+$0x10];
	v16 =	vand.u32 $0x3FFF, v12  }
0x130: {  	v8 =	vshra.s32 v4, $0xE;
	v11 =	vand.u32 $0x3FFF, v4;
	v17 =	vld [tilespmem:s29+$0x20]  }
0x131: {  	v18 =	vld [tilespmem:s29+$0xFFFFFFC0];
	v7 =	vshra.s32 v6, $0xE;
	v19 =	vand.u32 $0x3FFF, v6  }
0x132: {  	v6 =	vshra.s32 v13, $0xE;
	v13 =	vand.u32 $0x3FFF, v13;
	[tilespmem:v1+s21+$0x0] =	vst.idx.add.f32.msk $0xffff, v10  }
0x133: {  	v4 =	vshra.s32 v14, $0xE;
	v14 =	vand.u32 $0x3FFF, v14;
	[tilespmem:v1+s22+$0x0] =	vst.idx.add.f32.msk $0xffff, v9  }
0x134: {  	v1 =	vshra.s32 v15, $0xE;
	v15 =	vand.u32 $0x3FFF, v15;
	v20 =	vld.idx.msk [tilespmem:v16+s3+$0x0], $0xffff  }
0x135: {  	s26 =	sadd.s32 $0x80, s26;
	v21 =	vld.idx.msk [tilespmem:v11+s3+$0x0], $0xffff;
	v10 =	vshra.s32 v17, $0xE;
	v17 =	vand.u32 $0x3FFF, v17  }
0x136: {  	v9 =	vshra.s32 v18, $0xE;
	v18 =	vand.u32 $0x3FFF, v18;
	v22 =	vld [tilespmem:s26+$0x30]  }
0x137: {  	v23 =	vld.idx.msk [tilespmem:v19+s3+$0x0], $0xffff  }
0x138: {  	v12 =	vshra.s32 v12, $0xE;
	v24 =	vld.idx.msk [tilespmem:v13+s3+$0x0], $0xffff  }
0x139: {  	v25 =	vld.idx.msk [tilespmem:v14+s3+$0x0], $0xffff  }
0x13a: {  	v27 =	vunpack.i.l.bf16.f32 v20;
	v26 =	vld.idx.msk [tilespmem:v15+s3+$0x0], $0xffff  }
0x13b: {  	v20 =	vunpack.i.u.bf16.f32 v20;
	v29 =	vunpack.i.u.bf16.f32 v21;
	v28 =	vld.idx.msk [tilespmem:v18+s3+$0x0], $0xffff;
	v27 =	vmul.f32 v27, v22  }
0x13c: {  	v21 =	vunpack.i.l.bf16.f32 v21;
	v20 =	vmul.f32 v20, v22;
	v30 =	vld.idx.msk [tilespmem:v17+s3+$0x0], $0xffff  }
0x13d: {  	v31 =	vunpack.i.u.bf16.f32 v23;
	v23 =	vunpack.i.l.bf16.f32 v23;
	[tilespmem:v12+s19+$0x0] =	vst.idx.add.f32.msk $0xffff, v27  }
0x13e: {  	v27 =	vunpack.i.u.bf16.f32 v24;
	v24 =	vunpack.i.l.bf16.f32 v24;
	[tilespmem:v12+s20+$0x0] =	vst.idx.add.f32.msk $0xffff, v20  }
0x13f: {  	v20 =	vunpack.i.u.bf16.f32 v25;
	v25 =	vunpack.i.l.bf16.f32 v25;
	v16 =	vld.idx.msk [tilespmem:v16+s13+$0x0], $0xffff  }
0x140: {  	v33 =	vunpack.i.u.bf16.f32 v26;
	v26 =	vunpack.i.l.bf16.f32 v26;
	v32 =	vld [tilespmem:s26+$0xFFFFFFC0]  }
0x141: {  	v34 =	vunpack.i.u.bf16.f32 v28;
	v28 =	vunpack.i.l.bf16.f32 v28;
	v35 =	vld [tilespmem:s26+$0xFFFFFFD0]  }
0x142: {  	v37 =	vunpack.i.u.bf16.f32 v30;
	v30 =	vunpack.i.l.bf16.f32 v30;
	v36 =	vld [tilespmem:s26+$0xFFFFFFE0]  }
0x143: {  	v38 =	vld [tilespmem:s26+$0xFFFFFFF0]  }
0x144: {  	v39 =	vld [tilespmem:s26+$0x0]  }
0x145: {  	v41 =	vunpack.i.l.bf16.f32 v16;
	v28 =	vmul.f32 v28, v32;
	v34 =	vmul.f32 v34, v32;
	v40 =	vld [tilespmem:s26+$0x10]  }
0x146: {  	v16 =	vunpack.i.u.bf16.f32 v16;
	v41 =	vmul.f32 v41, v22;
	v21 =	vmul.f32 v21, v35;
	v42 =	vld [tilespmem:s26+$0x20]  }
0x147: {  	v16 =	vmul.f32 v16, v22;
	[tilespmem:v9+s19+$0x0] =	vst.idx.add.f32.msk $0xffff, v28;
	v28 =	vmul.f32 v29, v35  }
0x148: {  	v22 =	vmul.f32 v23, v36;
	v23 =	vmul.f32 v31, v36;
	[tilespmem:v12+s21+$0x0] =	vst.idx.add.f32.msk $0xffff, v41  }
0x149: {  	v24 =	vmul.f32 v24, v38;
	v27 =	vmul.f32 v27, v38;
	[tilespmem:v12+s22+$0x0] =	vst.idx.add.f32.msk $0xffff, v16  }
0x14a: {  	v12 =	vmul.f32 v25, v39;
	v16 =	vmul.f32 v20, v39;
	[tilespmem:v9+s20+$0x0] =	vst.idx.add.f32.msk $0xffff, v34  }
0x14b: {  	v20 =	vmul.f32 v26, v40;
	[tilespmem:v8+s19+$0x0] =	vst.idx.add.f32.msk $0xffff, v21;
	v21 =	vmul.f32 v33, v40  }
0x14c: {  	v25 =	vmul.f32 v30, v42;
	v26 =	vmul.f32 v37, v42;
	[tilespmem:v8+s20+$0x0] =	vst.idx.add.f32.msk $0xffff, v28  }
0x14d: {  	[tilespmem:v7+s19+$0x0] =	vst.idx.add.f32.msk $0xffff, v22  }
0x14e: {  	[tilespmem:v7+s20+$0x0] =	vst.idx.add.f32.msk $0xffff, v23  }
0x14f: {  	[tilespmem:v6+s19+$0x0] =	vst.idx.add.f32.msk $0xffff, v24  }
0x150: {  	[tilespmem:v6+s20+$0x0] =	vst.idx.add.f32.msk $0xffff, v27  }
0x151: {  	[tilespmem:v4+s19+$0x0] =	vst.idx.add.f32.msk $0xffff, v12  }
0x152: {  	[tilespmem:v4+s20+$0x0] =	vst.idx.add.f32.msk $0xffff, v16  }
0x153: {  	[tilespmem:v1+s19+$0x0] =	vst.idx.add.f32.msk $0xffff, v20  }
0x154: {  	[tilespmem:v1+s20+$0x0] =	vst.idx.add.f32.msk $0xffff, v21  }
0x155: {  	[tilespmem:v10+s19+$0x0] =	vst.idx.add.f32.msk $0xffff, v25  }
0x156: {  	[tilespmem:v10+s20+$0x0] =	vst.idx.add.f32.msk $0xffff, v26  }
0x157: {  	v12 =	vld.idx.msk [tilespmem:v18+s13+$0x0], $0xffff  }
0x158: {  	v11 =	vld.idx.msk [tilespmem:v11+s13+$0x0], $0xffff  }
0x159: {  	v16 =	vld.idx.msk [tilespmem:v19+s13+$0x0], $0xffff  }
0x15a: {  	v13 =	vld.idx.msk [tilespmem:v13+s13+$0x0], $0xffff  }
0x15b: {  	v14 =	vld.idx.msk [tilespmem:v14+s13+$0x0], $0xffff  }
0x15c: {  	v15 =	vld.idx.msk [tilespmem:v15+s13+$0x0], $0xffff  }
0x15d: {  	v18 =	vunpack.i.u.bf16.f32 v12;
	v12 =	vunpack.i.l.bf16.f32 v12;
	v17 =	vld.idx.msk [tilespmem:v17+s13+$0x0], $0xffff  }
0x15e: {  	v12 =	vmul.f32 v12, v32;
	v19 =	vunpack.i.u.bf16.f32 v11;
	v11 =	vunpack.i.l.bf16.f32 v11;
	[tilespmem:v2+s21+$0x0] =	vst.idx.add.f32.msk $0xffff, v5  }
0x15f: {  	v5 =	vmul.f32 v18, v32;
	v18 =	vunpack.i.u.bf16.f32 v16;
	v16 =	vunpack.i.l.bf16.f32 v16;
	[tilespmem:v2+s22+$0x0] =	vst.idx.add.f32.msk $0xffff, v3;
	v2 =	vmovc v10  }
0x160: {  	v3 =	vmul.f32 v11, v35;
	v10 =	vunpack.i.u.bf16.f32 v13;
	v11 =	vunpack.i.l.bf16.f32 v13;
	[tilespmem:v9+s21+$0x0] =	vst.idx.add.f32.msk $0xffff, v12  }
0x161: {  	v12 =	vunpack.i.l.bf16.f32 v14;
	[tilespmem:v9+s22+$0x0] =	vst.idx.add.f32.msk $0xffff, v5;
	v5 =	vmul.f32 v19, v35;
	v9 =	vunpack.i.u.bf16.f32 v14  }
0x162: {  	v13 =	vunpack.i.u.bf16.f32 v15;
	v14 =	vunpack.i.l.bf16.f32 v15;
	[tilespmem:v8+s21+$0x0] =	vst.idx.add.f32.msk $0xffff, v3;
	v3 =	vmul.f32 v16, v36  }
0x163: {  	v15 =	vunpack.i.l.bf16.f32 v17;
	[tilespmem:v8+s22+$0x0] =	vst.idx.add.f32.msk $0xffff, v5;
	v5 =	vmul.f32 v18, v36;
	v8 =	vunpack.i.u.bf16.f32 v17  }
0x164: {  	[tilespmem:v7+s21+$0x0] =	vst.idx.add.f32.msk $0xffff, v3;
	v3 =	vmul.f32 v11, v38;
	v11 =	vmul.f32 v10, v38  }
.Ltmp2:
0x165: {  	[tilespmem:v7+s22+$0x0] =	vst.idx.add.f32.msk $0xffff, v5;
	v7 =	vmul.f32 v12, v39;
	v12 =	vmul.f32 v9, v39;
	(pc) =	sbr.rel @p0 .LBB2_7-.Ltmp2, $4  }
0x166: {  	v10 =	vmul.f32 v14, v40;
	v9 =	vmul.f32 v13, v40;
	[tilespmem:v6+s21+$0x0] =	vst.idx.add.f32.msk $0xffff, v3  }
0x167: {  	v5 =	vmul.f32 v15, v42;
	v3 =	vmul.f32 v8, v42;
	[tilespmem:v6+s22+$0x0] =	vst.idx.add.f32.msk $0xffff, v11  }
0x168: {  	[tilespmem:v4+s21+$0x0] =	vst.idx.add.f32.msk $0xffff, v7  }
0x169: {  	s29 =	sadd.s32 $0x80, s29;
	[tilespmem:v4+s22+$0x0] =	vst.idx.add.f32.msk $0xffff, v12  }
0x16a: {  	_ = 	snop  }
0x16b: {  	s25 =	sadd.s32 $0x1, s25  }
0x16c: {  	p0 =	sne.s32 s25, $0x19  }
.Ltmp3:
0x16d: {  	_ = 	snop;
	(pc) =	sbr.rel @p0 .LBB2_4-.Ltmp3, $4  }
0x16e: {  	[tilespmem:v1+s21+$0x0] =	vst.idx.add.f32.msk $0xffff, v10  }
0x16f: {  	[tilespmem:v2+s21+$0x0] =	vst.idx.add.f32.msk $0xffff, v5  }
0x170: {  	[tilespmem:v1+s22+$0x0] =	vst.idx.add.f32.msk $0xffff, v9  }
0x171: {  	[tilespmem:v2+s22+$0x0] =	vst.idx.add.f32.msk $0xffff, v3  }
0x172: {  	[hbm4b:s7+s3] =	stream.linear.scatter [tilespmem:s19], [sflag:$0x3], $0x2800, $0x38;
	[tilespmem:$0x15400] =	vst v63  }
0x173: {  	_ =	swait.ge [sflag:s12], $0x2800  }
0x174: {  	[sflag:s12] =	ssyncset.done $0x0  }
0x175: {  	[sflag:s12] =	ssyncadd.s32 $0xFFFFD800  }
0x176: {  	[hbm4b:s8+s3] =	stream.linear.scatter [tilespmem:s20], [sflag:$0x3], $0x2800, $0x38;
	[tilespmem:$0x15400] =	vst v63  }
0x177: {  	_ =	swait.ge [sflag:s12], $0x2800  }
0x178: {  	[sflag:s12] =	ssyncset.done $0x0  }
0x179: {  	[sflag:s12] =	ssyncadd.s32 $0xFFFFD800  }
0x17a: {  	[hbm4b:s9+s3] =	stream.linear.scatter [tilespmem:s21], [sflag:$0x3], $0x2800, $0x38;
	[tilespmem:$0x15400] =	vst v63  }
0x17b: {  	s24 =	sadd.s32 $0x1, s24;
	_ =	swait.ge [sflag:s12], $0x2800  }
0x17c: {  	p0 =	sne.s32 s24, s11;
	[sflag:s12] =	ssyncset.done $0x0  }
.Ltmp4:
0x17d: {  	[sflag:s12] =	ssyncadd.s32 $0xFFFFD800;
	(pc) =	sbr.rel @p0 .LBB2_1-.Ltmp4, $4  }
0x17e: {  	[hbm4b:s10+s3] =	stream.linear.scatter [tilespmem:s22], [sflag:$0x3], $0x2800, $0x38;
	[tilespmem:$0x15400] =	vst v63  }
0x17f: {  	_ =	swait.ge [sflag:s12], $0x2800  }
0x180: {  	[sflag:s12] =	ssyncset.done $0x0  }
0x181: {  	[sflag:s12] =	ssyncadd.s32 $0xFFFFD800  }
0x182: {  	_ =	sfence.sel $0x180000  }
0x183: {  	[bflag:$0x0] =	sbarrier.arrive $0xFFFF  }
0x184: {  	_ =	strace $0x9000004A  }
0x185: {  	[bflag:$0x2] =	sbarrier.arrive $0xFFFF  }
0x186: {  	p0 =	sne.s32 s1, $0x0;
	s0 =	rddreg [dreg:$0x2]  }
0x187: {  	s0 =	sadd.s32 @!p0 $0x100000, s0  }
0x188: {  	[sflag:s0] =	ssyncadd.tile.s32 @!p0 $0x1;
	_ =	shalt  }
.Lfunc_end2:
_tile_overlayer_lowered:
.L_overlay_start_2:
0x189: {  	(tag) =	ssettag $0x2  }
0x18a: {  	s0 =	rddreg [dreg:$0x0];
	s2 =	stileid.u32  }
0x18b: {  	s1 =	rddreg [dreg:$0x1];
	p0 =	sne.s32 s2, $0x0  }
0x18c: {  	s3 =	rddreg [dreg:$0x2];
	[bflag:$0x3] =	sbarrier.arrive $0xFFFF;
	s2 =	simm.s32 @!p0 $0x1C03  }
0x18d: {  	[timem:s3], [sflag:s2] =	dma.local @!p0 [hbm:s0], s1  }
0x18e: {  	s0 =	simm.s32 @!p0 $0x3  }
0x18f: {  	_ =	swait.ge @!p0 [sflag:s0], s1  }
0x190: {  	s1 =	ssub.s32 @!p0 $0x0, s1;
	[sflag:s0] =	ssyncset.done @!p0 $0x0  }
0x191: {  	[sflag:s0] =	ssyncadd.s32 @!p0 s1  }
0x192: {  	[bflag:$0x3] =	sbarrier.arrive $0xFFFF  }
0x193: {  	_ =	shalt  }

// kernel: kernel.15.cloned.1.call-start
scs
__scs_entry_jumppad:
0x0: {  	(pc) =	sbr.rel $0x88, $3  }
0x1: {  	(tag) =	ssettag $0x0;
	lr =	simm.s32 $0x1  }
0x2: {  	[smem:$0x3F91] =	sst lr;
	_ =	strace $0xD0000000  }
0x3: {  	_ = 	snop  }
0x4: {  	_ = 	snop  }
0x5: {  	_ = 	snop  }
0x6: {  	_ = 	snop  }
0x7: {  	_ = 	snop  }
__scs_overlays_trampoline_lowered:
0x8: {  	[smem:$0x3FA0] =	sst s0  }
0x9: {  	[smem:$0x3FA1] =	sst s1  }
0xa: {  	[smem:$0x3FA2] =	sst s2  }
0xb: {  	[smem:$0x3FA3] =	sst s3  }
0xc: {  	[smem:$0x3FA4] =	sst s4  }
0xd: {  	[smem:$0x3FA5] =	sst s5  }
0xe: {  	[smem:$0x3FA6] =	sst s6  }
0xf: {  	[smem:$0x3FA7] =	sst s7  }
0x10: {  	[smem:$0x3FA8] =	sst s8  }
0x11: {  	[smem:$0x3FA9] =	sst s9;
	s0 =	simm.s32 @!p0 $0x0  }
0x12: {  	s1 =	sld [smem:$0x3F8F];
	s0 =	simm.s32 @p0 $0x1  }
0x13: {  	[smem:$0x3FAA] =	sst s0;
	s0 =	simm.s32 @!p1 $0x0  }
0x14: {  	s2 =	sld [smem:$0x3F8E];
	s0 =	simm.s32 @p1 $0x1  }
0x15: {  	[smem:$0x3FAB] =	sst s0;
	s0 =	simm.s32 @!p2 $0x0  }
0x16: {  	s3 =	sld [smem:$0x3FDB];
	s0 =	simm.s32 @p2 $0x1  }
0x17: {  	s4 =	simm.s32 $0x1BF5;
	[smem:$0x3FAD] =	sst s0  }
0x18: {  	s0 =	sld [smem:$0x3F90];
	_ =	swait.ge [sflag:s4], $0x0  }
0x19: {  	s7 =	sld [smem:$0x3F91]  }
0x1a: {  	s8 =	sadd.s32 $0xFFFFE003, lr  }
0x1b: {  	s9 =	sadd.s32 $0xFFFFFEF7, lr;
	s5 =	simm.s32 $0xFFFFFFFF;
	p2 =	slt.u32 s8, $0xFFFFF086  }
0x1c: {  	p1 =	slt.u32 s9, $0xF7A;
	s5 =	simm.s32 @!p2 $0x0  }
0x1d: {  	s5 =	simm.s32 @p1 $0x1;
	p0 =	seq.s32 s7, s2  }
0x1e: {  	s7 =	smul.u32 @!p0 $0xF7A, s2;
	p2 =	seq.s32 @!p0 s5, $0x0  }
0x1f: {  	s9 =	smul.u32 $0xF7A, s1;
	s8 =	simm.s32 @!p0 $0x1BF5;
	p2 =	por !p2, p0  }
0x20: {  	[sflag:s8] =	ssyncset.s32 @!p0 $0xFFFFF086;
	s6 =	sadd.s32 @!p0 s3, s7;
	s7 =	simm.s32 @!p0 $0x108  }
0x21: {  	s3 =	sadd.s32 s3, s9;
	s6 =	sadd.s32 @!p0 $0x88, s6;
	s7 =	simm.s32 @p2 $0x1082  }
0x22: {  	[simem:s7], [sflag:s8] =	dma.local @!p0 [hbm:s6], $0xF7A  }
0x23: {  	s9 =	sor.u32 $0xD0000000, s2;
	s6 =	simm.s32 $0x108;
	_ =	swait.ge @!p0 [sflag:s8], $0x0  }
0x24: {  	s3 =	sadd.s32 $0x88, s3;
	s6 =	simm.s32 @!p1 $0x1082;
	[sflag:s4] =	ssyncset.s32 $0xFFFFF086  }
0x25: {  	[simem:s6], [sflag:s4] =	dma.local [hbm:s3], $0xF7A  }
0x26: {  	[smem:$0x3F91] =	sst s1;
	(tag) =	ssettag s2;
	_ =	strace s9  }
0x27: {  	s1 =	sld [smem:$0x3FA1]  }
0x28: {  	s2 =	sld [smem:$0x3FA2]  }
0x29: {  	s4 =	sld [smem:$0x3FA4]  }
0x2a: {  	p0 =	seq.s32 s5, $0x0;
	s5 =	sld [smem:$0x3FA5]  }
0x2b: {  	s6 =	sld [smem:$0x3FA6]  }
0x2c: {  	s7 =	sld [smem:$0x3FA7]  }
0x2d: {  	s3 =	simm.s32 $0x108;
	s8 =	sld [smem:$0x3FA8]  }
0x2e: {  	s3 =	simm.s32 @!p0 $0x1082;
	s9 =	sld [smem:$0x3FA9]  }
0x2f: {  	lr =	sadd.s32 s0, s3;
	s0 =	sld [smem:$0x3FA0]  }
0x30: {  	s3 =	sld [smem:$0x3FA3]  }
0x31: {  	[smem:$0x3FAC] =	sst s10  }
0x32: {  	s10 =	sld [smem:$0x3FAA];
	_ =	sdelay $0x3  }
0x33: {  	p0 =	seq.s32 s10, $0x1;
	s10 =	sld [smem:$0x3FAC];
	_ =	sdelay $0x3  }
0x34: {  	[smem:$0x3FAC] =	sst s10  }
0x35: {  	s10 =	sld [smem:$0x3FAB];
	_ =	sdelay $0x3  }
0x36: {  	p1 =	seq.s32 s10, $0x1;
	s10 =	sld [smem:$0x3FAC];
	_ =	sdelay $0x3  }
0x37: {  	[smem:$0x3FAC] =	sst s10  }
0x38: {  	s10 =	sld [smem:$0x3FAD]  }
0x39: {  	_ = 	snop;
	(pc) =	sbr.ind lr, $3  }
0x3a: {  	_ = 	snop  }
0x3b: {  	_ = 	snop  }
0x3c: {  	p2 =	seq.s32 s10, $0x1;
	s10 =	sld [smem:$0x3FAC]  }
0x3d: {  	_ =	shalt  }
0x3e: {  	_ =	shalt  }
0x3f: {  	_ =	shalt  }
0x40: {  	_ =	shalt  }
0x41: {  	_ =	shalt  }
0x42: {  	_ =	shalt  }
0x43: {  	_ =	shalt  }
0x44: {  	_ =	shalt  }
0x45: {  	_ =	shalt  }
0x46: {  	_ =	shalt  }
0x47: {  	_ =	shalt  }
0x48: {  	_ =	shalt  }
0x49: {  	_ =	shalt  }
0x4a: {  	_ =	shalt  }
0x4b: {  	_ =	shalt  }
0x4c: {  	_ =	shalt  }
0x4d: {  	_ =	shalt  }
0x4e: {  	_ =	shalt  }
0x4f: {  	_ =	shalt  }
0x50: {  	_ =	shalt  }
0x51: {  	_ =	shalt  }
0x52: {  	_ =	shalt  }
0x53: {  	_ =	shalt  }
0x54: {  	_ =	shalt  }
0x55: {  	_ =	shalt  }
0x56: {  	_ =	shalt  }
0x57: {  	_ =	shalt  }
0x58: {  	_ =	shalt  }
0x59: {  	_ =	shalt  }
0x5a: {  	_ =	shalt  }
0x5b: {  	_ =	shalt  }
0x5c: {  	_ =	shalt  }
0x5d: {  	_ =	shalt  }
0x5e: {  	_ =	shalt  }
0x5f: {  	_ =	shalt  }
0x60: {  	_ =	shalt  }
0x61: {  	_ =	shalt  }
0x62: {  	_ =	shalt  }
0x63: {  	_ =	shalt  }
0x64: {  	_ =	shalt  }
0x65: {  	_ =	shalt  }
0x66: {  	_ =	shalt  }
0x67: {  	_ =	shalt  }
0x68: {  	_ =	shalt  }
0x69: {  	_ =	shalt  }
0x6a: {  	_ =	shalt  }
0x6b: {  	_ =	shalt  }
0x6c: {  	_ =	shalt  }
0x6d: {  	_ =	shalt  }
0x6e: {  	_ =	shalt  }
0x6f: {  	_ =	shalt  }
0x70: {  	_ =	shalt  }
0x71: {  	_ =	shalt  }
0x72: {  	_ =	shalt  }
0x73: {  	_ =	shalt  }
0x74: {  	_ =	shalt  }
0x75: {  	_ =	shalt  }
0x76: {  	_ =	shalt  }
0x77: {  	_ =	shalt  }
0x78: {  	_ =	shalt  }
0x79: {  	_ =	shalt  }
0x7a: {  	_ =	shalt  }
0x7b: {  	_ =	shalt  }
0x7c: {  	_ =	shalt  }
0x7d: {  	_ =	shalt  }
0x7e: {  	_ =	shalt  }
0x7f: {  	_ =	shalt  }
0x80: {  	_ =	shalt  }
0x81: {  	_ =	shalt  }
0x82: {  	_ =	shalt  }
0x83: {  	_ =	shalt  }
0x84: {  	_ =	shalt  }
0x85: {  	_ =	shalt  }
0x86: {  	_ =	shalt  }
0x87: {  	_ =	shalt  }
.Lfunc_end0:
.L_simem_size_0:
called_computation.2_lowered:
.L_overlay_start_0:
0x88: {  	s2 =	sld [smem:$0x3FD9]  }
0x89: {  	s3 =	sld [smem:$0x3FFE];
	_ =	sdelay $0x1  }
0x8a: {  	s1 =	srdreg.scid  }
0x8b: {  	s0 =	sand.u32 $0x1, s1  }
0x8c: {  	s17 =	sshll.u32 s0, $0xA;
	s2 =	sadd.s32 s3, s2  }
0x8d: {  	s2 =	sadd.s32 s2, s17  }
0x8e: {  	[smem:$0x3FB8] =	sst s2  }
0x8f: {  	_ = 	snop  }
0x90: {  	s2 =	sld [smem:$0x3FC5];
	(tm) =	ssettm $0x1  }
0x91: {  	s18 =	sld [smem:$0x3FFB];
	_ =	sdelay $0x3  }
0x92: {  	_ =	strace s18  }
0x93: {  	s3 =	sld [smem:$0x3FFC];
	_ =	sdelay $0x3  }
0x94: {  	_ =	strace s3  }
0x95: {  	s3 =	sld [smem:$0x3FFD];
	_ =	sdelay $0x3  }
0x96: {  	_ =	strace s3  }
0x97: {  	_ =	strace $0x8FFFFFFF  }
0x98: {  	s19 =	sld [smem:$0x3FDB];
	_ =	sdelay $0x1  }
0x99: {  	s4 =	simm.s32 $_scs_section_size  }
0x9a: {  	s5 =	simm.s32 $_size__tile_overlayer_lowered;
	s6 =	simm.s32 $_tile_overlayer_lowered  }
0x9b: {  	s22 =	simm.s32 $0x1BFF;
	s21 =	sshll.u32 s6, $0x1;
	s3 =	sadd.s32 s4, s19  }
0x9c: {  	s7 =	simm.s32 $0x0;
	s20 =	sshll.u32 s5, $0x1;
	s5 =	sadd.s32 s21, s3  }
0x9d: {  	[timem:s7], [sflag:s22] =	dma.local [hbm:s5], s20  }
0x9e: {  	_ =	swait.ge [sflag:s22], s20  }
0x9f: {  	s4 =	ssub.s32 $0x0, s20;
	[sflag:s22] =	ssyncset.done $0x0  }
0xa0: {  	[sflag:s22] =	ssyncadd.s32 s4;
	_ =	sdelay $0x1  }
0xa1: {  	s23 =	simm.s32 $0x1B8B  }
0xa2: {  	_ =	swait.ge [sflag:s23], $0x1  }
0xa3: {  	[sflag:s23] =	ssyncset.done $0x0  }
0xa4: {  	s25 =	simm.s32 $0x1B8E;
	s24 =	sld [smem:$0x3FFE];
	[sflag:s23] =	ssyncadd.s32 $0xFFFFFFFF  }
0xa5: {  	s26 =	simm.s32 $execute0_lowered;
	[smem:$0x3FD2] =	sst s25  }
0xa6: {  	s5 =	sshll.u32 s26, $0x1;
	_ =	strace $0x8000004C;
	[dreg:$0x1] =	wrdreg $0xFFFFFFFF  }
0xa7: {  	s28 =	simm.s32 $_size_execute0_lowered;
	s3 =	sadd.s32 s3, s5;
	[dreg:$0x0] =	wrdreg $0x0  }
0xa8: {  	s5 =	sshll.u32 s28, $0x1;
	[dreg:$0x2] =	wrdreg s3  }
0xa9: {  	[dreg:$0x3] =	wrdreg s5  }
0xaa: {  	[dreg:$0x4] =	wrdreg $0xC0  }
0xab: {  	_ =	task [dreg:s7], $0x5FFFF  }
0xac: {  	[dreg:$0x1] =	wrdreg $0xFFFFFFFF  }
0xad: {  	[dreg:$0x0] =	wrdreg $0x60  }
0xae: {  	[dreg:$0x2] =	wrdreg s24  }
0xaf: {  	[dreg:$0x3] =	wrdreg s2  }
0xb0: {  	[dreg:$0x4] =	wrdreg $0x9  }
0xb1: {  	_ =	task.clear_ibuf [dreg:s7], $0x5FFFF;
	_ =	strace $0x9000004C  }
0xb2: {  	s29 =	simm.s32 $0x9;
	_ =	strace $0x8000004E  }
0xb3: {  	_ =	swait.ge [sflag:s29], $0x1  }
0xb4: {  	[sflag:s29] =	ssyncadd.s32 $0xFFFFFFFF  }
0xb5: {  	_ =	strace $0x9000004E  }
0xb6: {  	_ =	sfence  }
0xb7: {  	s30 =	sld [smem:$0x0];
	_ =	sdelay $0x2  }
0xb8: {  	s31 =	sshll.u32 s1, $0xD;
	s1 =	sshrl.u32 s1, $0x2  }
0xb9: {  	s3 =	sand.u32 $0x4000, s31;
	s1 =	sadd.s32 s1, s30  }
0xba: {  	s0 =	sor.u32 s3, s0;
	s1 =	sshll.u32 s1, $0x11  }
0xbb: {  	s0 =	sor.u32 s1, s0  }
0xbc: {  	s0 =	sadd.s32 $0x8F2B, s0  }
0xbd: {  	[sflag:s0] =	ssyncadd.remote.s32 $0x1  }
0xbe: {  	_ =	sfence.sel $0xFFFF  }
0xbf: {  	[dreg:$0x0] =	wrdreg $0xFFFFFFFF;
	(pc) =	sbr.abs _section_cstart, $3  }
0xc0: {  	[dreg:$0x1] =	wrdreg $0xFFFFFFFF  }
0xc1: {  	_ =	task.clear_ibuf [dreg:s7], $0x2FFFF;
	_ =	strace $0x9FFFFFFF  }
0xc2: {  	(tm) =	ssettm $0x7FFFFFFF  }
0xc3: {  	_ =	shalt  }
tec
execute0_lowered:
.L_overlay_start_1:
0x0: {  	(tag) =	ssettag $0x1  }
0x1: {  	s0 =	rddreg [dreg:$0x0]  }
0x2: {  	s2 =	rddreg [dreg:$0x1]  }
0x3: {  	s4 =	srdreg.scid;
	s1 =	stileid.u32;
	s3 =	simm.s32 $0x0  }
0x4: {  	s13 =	simm.s32 $0x2800;
	s14 =	simm.s32 $0xF000;
	s15 =	simm.s32 $0x12200  }
0x5: {  	s16 =	simm.s32 $0x1;
	s17 =	simm.s32 $0x10900;
	s18 =	simm.s32 $0x13B00  }
0x6: {  	s19 =	simm.s32 $0x5000;
	s20 =	simm.s32 $0xA000;
	s21 =	simm.s32 $0x7800  }
0x7: {  	s22 =	simm.s32 $0xC800;
	s5 =	sand.u32 $0x1, s4;
	s30 =	sshll.u32 s1, $0x1  }
0x8: {  	s23 =	simm.s32 $0x2;
	s24 =	simm.s32 $0x0;
	s6 =	sor.u32 s5, s30  }
0x9: {  	[smem:$0x7FF] =	sst s3;
	s8 =	sadd.s32 $0x2A00, s0;
	s7 =	smul.u32 $0x5000, s6  }
0xa: {  	s4 =	sadd.s32 $0x53600, s0;
	s5 =	ssub.s32 $0x2, s5;
	s10 =	smul.u32 $0xA00, s6  }
0xb: {  	s0 =	sadd.s32 $0x16A00, s0;
	_ =	strace $0x8000004D;
	s9 =	sshrl.u32 s5, $0x1  }
0xc: {  	s11 =	ssub.s32 s5, s9;
	s7 =	sshrl.u32 s7, $0x3;
	s5 =	sadd.s32 s8, s10  }
0xd: {  	s11 =	smax.u32 s11, $0x1;
	s31 =	sadd.s32 $0x500, s7;
	s12 =	sadd.s32 s0, s7  }
0xe: {  	s7 =	sadd.s32 s0, s10;
	s6 =	sadd.s32 s8, s31;
	s8 =	sadd.s32 $0x14000, s12  }
0xf: {  	v0 =	vimm.f32 $0.0e+00;
	s9 =	sadd.s32 s0, s31;
	s10 =	sadd.s32 $0x14500, s12;
	s12 =	simm.s32 $0x3  }
.LBB2_1:
0x10: {  	[tilespmem:s3], [sflag:$0x3] =	stream.linear.gather [hbm4b:s5+s3], $0x2800, $0x38;
	[tilespmem:$0x15400] =	vst v63  }
0x11: {  	_ =	swait.ge [sflag:s12], $0x2800  }
0x12: {  	[sflag:s12] =	ssyncset.done $0x0  }
0x13: {  	[sflag:s12] =	ssyncadd.s32 $0xFFFFD800  }
0x14: {  	[tilespmem:s13], [sflag:$0x3] =	stream.linear.gather [hbm4b:s6+s3], $0x2800, $0x38;
	[tilespmem:$0x15400] =	vst v63  }
0x15: {  	_ =	swait.ge [sflag:s12], $0x2800  }
0x16: {  	[sflag:s12] =	ssyncset.done $0x0  }
0x17: {  	s28 =	simm.s32 $0x5040;
	[sflag:s12] =	ssyncadd.s32 $0xFFFFD800  }
0x18: {  	[tilespmem:s28+$0x30] =	vst v0  }
0x19: {  	[tilespmem:s28+$0xFFFFFFE0] =	vst v0  }
0x1a: {  	[tilespmem:s28+$0xFFFFFFF0] =	vst v0  }
0x1b: {  	[tilespmem:s28+$0x0] =	vst v0  }
0x1c: {  	[tilespmem:s28+$0xFFFFFFC0] =	vst v0  }
0x1d: {  	[tilespmem:s28+$0x10] =	vst v0  }
0x1e: {  	[tilespmem:s28+$0x20] =	vst v0  }
0x1f: {  	s26 =	simm.s32 $0x7840;
	[tilespmem:s28+$0xFFFFFFD0] =	vst v0  }
0x20: {  	[tilespmem:s26+$0x30] =	vst v0  }
0x21: {  	[tilespmem:s26+$0xFFFFFFC0] =	vst v0  }
0x22: {  	[tilespmem:s26+$0x10] =	vst v0  }
0x23: {  	[tilespmem:s26+$0xFFFFFFD0] =	vst v0  }
0x24: {  	[tilespmem:s26+$0x20] =	vst v0  }
0x25: {  	[tilespmem:s26+$0x0] =	vst v0  }
0x26: {  	s25 =	simm.s32 $0xA040;
	[tilespmem:s26+$0xFFFFFFF0] =	vst v0  }
0x27: {  	[tilespmem:s25+$0x30] =	vst v0  }
0x28: {  	[tilespmem:s25+$0xFFFFFFC0] =	vst v0  }
0x29: {  	[tilespmem:s25+$0x10] =	vst v0  }
0x2a: {  	[tilespmem:s25+$0xFFFFFFD0] =	vst v0  }
0x2b: {  	[tilespmem:s25+$0x20] =	vst v0  }
0x2c: {  	[tilespmem:s25+$0x0] =	vst v0  }
0x2d: {  	s29 =	simm.s32 $0xC840;
	[tilespmem:s25+$0xFFFFFFF0] =	vst v0  }
0x2e: {  	[tilespmem:s29+$0x30] =	vst v0  }
0x2f: {  	[tilespmem:s29+$0xFFFFFFC0] =	vst v0  }
0x30: {  	[tilespmem:s29+$0x10] =	vst v0  }
0x31: {  	[tilespmem:s29+$0xFFFFFFD0] =	vst v0  }
0x32: {  	s30 =	simm.s32 $0x0;
	s31 =	simm.s32 $0xA0C0;
	s0 =	simm.s32 $0xC8C0;
	[tilespmem:s29+$0x20] =	vst v0  }
.LBB2_2:
0x33: {  	s30 =	sadd.s32 $0x80, s30;
	[tilespmem:s26+$0xFFFFFFE0] =	vst v0;
	s28 =	sadd.s32 $0x80, s28;
	s26 =	sadd.s32 $0x80, s26  }
0x34: {  	[tilespmem:s28+$0x30] =	vst v0;
	p0 =	slt.u32 s30, $0x2780  }
0x35: {  	[tilespmem:s26+$0x30] =	vst v0  }
0x36: {  	[tilespmem:s31+$0x30] =	vst v0  }
0x37: {  	[tilespmem:s29+$0xFFFFFFF0] =	vst v0  }
0x38: {  	[tilespmem:s29+$0x0] =	vst v0  }
0x39: {  	[tilespmem:s25+$0xFFFFFFE0] =	vst v0;
	s25 =	smov.u32 s31  }
0x3a: {  	[tilespmem:s29+$0xFFFFFFE0] =	vst v0;
	s29 =	smov.u32 s0  }
0x3b: {  	[tilespmem:s0+$0x30] =	vst v0  }
0x3c: {  	[tilespmem:s28+$0xFFFFFFE0] =	vst v0  }
0x3d: {  	[tilespmem:s28+$0xFFFFFFF0] =	vst v0  }
0x3e: {  	[tilespmem:s28+$0x0] =	vst v0  }
0x3f: {  	[tilespmem:s28+$0xFFFFFFC0] =	vst v0  }
0x40: {  	[tilespmem:s26+$0xFFFFFFC0] =	vst v0  }
0x41: {  	[tilespmem:s31+$0xFFFFFFC0] =	vst v0  }
0x42: {  	[tilespmem:s0+$0xFFFFFFC0] =	vst v0  }
0x43: {  	[tilespmem:s28+$0x10] =	vst v0  }
0x44: {  	[tilespmem:s26+$0x10] =	vst v0  }
0x45: {  	[tilespmem:s31+$0x10] =	vst v0  }
0x46: {  	[tilespmem:s0+$0x10] =	vst v0  }
0x47: {  	[tilespmem:s28+$0x20] =	vst v0  }
0x48: {  	[tilespmem:s28+$0xFFFFFFD0] =	vst v0  }
0x49: {  	[tilespmem:s26+$0xFFFFFFD0] =	vst v0  }
0x4a: {  	[tilespmem:s31+$0xFFFFFFD0] =	vst v0  }
0x4b: {  	[tilespmem:s0+$0xFFFFFFD0] =	vst v0  }
0x4c: {  	[tilespmem:s26+$0x20] =	vst v0  }
0x4d: {  	[tilespmem:s31+$0x20] =	vst v0  }
.Ltmp0:
0x4e: {  	[tilespmem:s0+$0x20] =	vst v0;
	(pc) =	sbr.rel @p0 .LBB2_2-.Ltmp0, $4  }
0x4f: {  	[tilespmem:s26+$0x0] =	vst v0  }
0x50: {  	[tilespmem:s31+$0x0] =	vst v0  }
0x51: {  	[tilespmem:s26+$0xFFFFFFF0] =	vst v0  }
0x52: {  	s0 =	sadd.s32 $0x80, s0;
	s31 =	sadd.s32 $0x80, s31;
	[tilespmem:s25+$0xFFFFFFF0] =	vst v0  }
0x53: {  	[tilespmem:s26+$0xFFFFFFE0] =	vst v0  }
0x54: {  	[tilespmem:s29+$0xFFFFFFF0] =	vst v0  }
0x55: {  	[tilespmem:s29+$0x0] =	vst v0  }
0x56: {  	[tilespmem:s25+$0xFFFFFFE0] =	vst v0  }
0x57: {  	s25 =	simm.s32 $0x0;
	[tilespmem:s29+$0xFFFFFFE0] =	vst v0  }
0x58: {  	[tilespmem:s14], [sflag:$0x1] =	stream.linear.gather [hbm4b:s4+s25], $0x1900, $0x38;
	[tilespmem:$0x15400] =	vst v63  }
0x59: {  	_ = 	snop  }
0x5a: {  	[tilespmem:s15], [sflag:$0x1] =	stream.linear.gather [hbm4b:s2+s25], $0x1900, $0x38;
	[tilespmem:$0x15400] =	vst v63  }
.LBB2_4:
0x5b: {  	_ =	swait.ge [sflag:s16], $0x1900  }
0x5c: {  	s26 =	smul.u32 $0x3200, s25;
	[sflag:s16] =	ssyncset.done $0x0  }
0x5d: {  	[sflag:s16] =	ssyncadd.s32 $0xFFFFE700  }
0x5e: {  	s0 =	sshrl.u32 s26, $0x3;
	_ =	swait.ge [sflag:s16], $0x1900  }
0x5f: {  	s0 =	sadd.s32 $0x320, s0;
	[sflag:s16] =	ssyncset.done $0x0  }
0x60: {  	s28 =	sadd.s32 s4, s0;
	[sflag:s16] =	ssyncadd.s32 $0xFFFFE700  }
0x61: {  	[tilespmem:s17], [sflag:$0x2] =	stream.linear.gather [hbm4b:s28+s3], $0x1900, $0x38;
	[tilespmem:$0x15400] =	vst v63  }
0x62: {  	s31 =	simm.s32 $0xF040;
	s0 =	sadd.s32 s2, s0  }
0x63: {  	[tilespmem:s18], [sflag:$0x2] =	stream.linear.gather [hbm4b:s0+s3], $0x1900, $0x38;
	[tilespmem:$0x15400] =	vst v63  }
0x64: {  	v1 =	vld [tilespmem:s31+$0x30]  }
0x65: {  	v2 =	vld [tilespmem:s31+$0xFFFFFFD0]  }
0x66: {  	v3 =	vld [tilespmem:s31+$0xFFFFFFE0]  }
0x67: {  	v4 =	vld [tilespmem:s31+$0xFFFFFFF0]  }
0x68: {  	v5 =	vld [tilespmem:s31+$0x0]  }
0x69: {  	v7 =	vld [tilespmem:s31+$0x10]  }
0x6a: {  	v9 =	vld [tilespmem:s31+$0xFFFFFFC0]  }
0x6b: {  	s28 =	simm.s32 $0x12240;
	v10 =	vld [tilespmem:s31+$0x20];
	v6 =	vand.u32 $0x3FFF, v1  }
0x6c: {  	v18 =	vld [tilespmem:s28+$0x30]  }
0x6d: {  	v53 =	vld [tilespmem:s28+$0xFFFFFFC0]  }
0x6e: {  	v54 =	vld [tilespmem:s28+$0xFFFFFFD0]  }
0x6f: {  	v27 =	vld [tilespmem:s28+$0xFFFFFFE0]  }
0x70: {  	v8 =	vand.u32 $0x3FFF, v2;
	v14 =	vld.idx.msk [tilespmem:v6+s3+$0x0], $0xffff  }
0x71: {  	v28 =	vld [tilespmem:s28+$0xFFFFFFF0];
	v12 =	vand.u32 $0x3FFF, v4  }
0x72: {  	v30 =	vld [tilespmem:s28+$0x0];
	v17 =	vand.u32 $0x3FFF, v9  }
0x73: {  	v31 =	vld [tilespmem:s28+$0x10];
	v1 =	vshra.s32 v1, $0xE  }
0x74: {  	v34 =	vld [tilespmem:s28+$0x20]  }
0x75: {  	v16 =	vld.idx.msk [tilespmem:v8+s3+$0x0], $0xffff;
	v24 =	vunpack.i.l.bf16.f32 v14  }
0x76: {  	v11 =	vand.u32 $0x3FFF, v3;
	v21 =	vld.idx.msk [tilespmem:v12+s3+$0x0], $0xffff;
	v14 =	vunpack.i.u.bf16.f32 v14;
	v24 =	vmul.f32 v24, v18  }
0x77: {  	v13 =	vand.u32 $0x3FFF, v5;
	v25 =	vld.idx.msk [tilespmem:v17+s3+$0x0], $0xffff;
	v14 =	vmul.f32 v14, v18  }
0x78: {  	v15 =	vand.u32 $0x3FFF, v7;
	[tilespmem:v1+s19+$0x0] =	vst.idx.add.f32.msk $0xffff, v24  }
0x79: {  	v19 =	vand.u32 $0x3FFF, v10;
	[tilespmem:v1+s20+$0x0] =	vst.idx.add.f32.msk $0xffff, v14  }
0x7a: {  	v9 =	vshra.s32 v9, $0xE;
	v6 =	vld.idx.msk [tilespmem:v6+s13+$0x0], $0xffff  }
0x7b: {  	v33 =	vshra.s32 v2, $0xE;
	v20 =	vld.idx.msk [tilespmem:v11+s3+$0x0], $0xffff  }
0x7c: {  	v4 =	vshra.s32 v4, $0xE;
	v22 =	vld.idx.msk [tilespmem:v13+s3+$0x0], $0xffff;
	v29 =	vunpack.i.l.bf16.f32 v25  }
0x7d: {  	v23 =	vld.idx.msk [tilespmem:v15+s3+$0x0], $0xffff;
	v55 =	vunpack.i.l.bf16.f32 v16;
	v29 =	vmul.f32 v29, v53  }
0x7e: {  	v57 =	vshra.s32 v5, $0xE;
	v26 =	vld.idx.msk [tilespmem:v19+s3+$0x0], $0xffff;
	v5 =	vunpack.i.l.bf16.f32 v21;
	v56 =	vmul.f32 v55, v54  }
0x7f: {  	v5 =	vmul.f32 v5, v28;
	[tilespmem:v9+s19+$0x0] =	vst.idx.add.f32.msk $0xffff, v29;
	v32 =	vunpack.i.l.bf16.f32 v6  }
0x80: {  	[tilespmem:v33+s19+$0x0] =	vst.idx.add.f32.msk $0xffff, v56;
	v2 =	vunpack.i.u.bf16.f32 v6;
	v6 =	vmul.f32 v32, v18  }
0x81: {  	v3 =	vshra.s32 v3, $0xE;
	v25 =	vunpack.i.u.bf16.f32 v25;
	[tilespmem:v4+s19+$0x0] =	vst.idx.add.f32.msk $0xffff, v5;
	v2 =	vmul.f32 v2, v18  }
0x82: {  	v25 =	vmul.f32 v25, v53;
	[tilespmem:v1+s21+$0x0] =	vst.idx.add.f32.msk $0xffff, v6;
	v6 =	vunpack.i.u.bf16.f32 v16  }
0x83: {  	[tilespmem:v1+s22+$0x0] =	vst.idx.add.f32.msk $0xffff, v2;
	v1 =	vunpack.i.l.bf16.f32 v20;
	v2 =	vmul.f32 v6, v54  }
0x84: {  	[tilespmem:v9+s20+$0x0] =	vst.idx.add.f32.msk $0xffff, v25;
	v6 =	vunpack.i.u.bf16.f32 v20;
	v1 =	vmul.f32 v1, v27  }
0x85: {  	v6 =	vmul.f32 v6, v27;
	[tilespmem:v33+s20+$0x0] =	vst.idx.add.f32.msk $0xffff, v2;
	v2 =	vunpack.i.u.bf16.f32 v21  }
0x86: {  	[tilespmem:v3+s19+$0x0] =	vst.idx.add.f32.msk $0xffff, v1;
	v1 =	vshra.s32 v7, $0xE;
	v7 =	vunpack.i.l.bf16.f32 v22;
	v58 =	vmul.f32 v2, v28  }
0x87: {  	[tilespmem:v3+s20+$0x0] =	vst.idx.add.f32.msk $0xffff, v6;
	v6 =	vunpack.i.u.bf16.f32 v22;
	v7 =	vmul.f32 v7, v30  }
0x88: {  	v2 =	vshra.s32 v10, $0xE;
	v6 =	vmul.f32 v6, v30;
	[tilespmem:v4+s20+$0x0] =	vst.idx.add.f32.msk $0xffff, v58  }
0x89: {  	v5 =	vunpack.i.l.bf16.f32 v23;
	[tilespmem:v57+s19+$0x0] =	vst.idx.add.f32.msk $0xffff, v7  }
0x8a: {  	v5 =	vmul.f32 v5, v31;
	v7 =	vunpack.i.l.bf16.f32 v26;
	[tilespmem:v57+s20+$0x0] =	vst.idx.add.f32.msk $0xffff, v6  }
0x8b: {  	v6 =	vmul.f32 v7, v34;
	v7 =	vld.idx.msk [tilespmem:v11+s13+$0x0], $0xffff  }
0x8c: {  	[tilespmem:v1+s19+$0x0] =	vst.idx.add.f32.msk $0xffff, v5;
	v5 =	vunpack.i.u.bf16.f32 v26  }
0x8d: {  	v5 =	vmul.f32 v5, v34;
	[tilespmem:v2+s19+$0x0] =	vst.idx.add.f32.msk $0xffff, v6  }
0x8e: {  	v10 =	vunpack.i.u.bf16.f32 v23;
	v6 =	vld.idx.msk [tilespmem:v17+s13+$0x0], $0xffff  }
0x8f: {  	v10 =	vmul.f32 v10, v31;
	[tilespmem:v2+s20+$0x0] =	vst.idx.add.f32.msk $0xffff, v5  }
0x90: {  	v5 =	vld.idx.msk [tilespmem:v8+s13+$0x0], $0xffff  }
0x91: {  	[tilespmem:v1+s20+$0x0] =	vst.idx.add.f32.msk $0xffff, v10  }
0x92: {  	v10 =	vld.idx.msk [tilespmem:v13+s13+$0x0], $0xffff  }
0x93: {  	v59 =	vld.idx.msk [tilespmem:v15+s13+$0x0], $0xffff;
	v11 =	vunpack.i.l.bf16.f32 v6  }
0x94: {  	v8 =	vld.idx.msk [tilespmem:v12+s13+$0x0], $0xffff;
	v6 =	vunpack.i.u.bf16.f32 v6;
	v11 =	vmul.f32 v11, v53  }
0x95: {  	v60 =	vld.idx.msk [tilespmem:v19+s13+$0x0], $0xffff;
	v6 =	vmul.f32 v6, v53;
	v61 =	vunpack.i.l.bf16.f32 v5  }
0x96: {  	v5 =	vunpack.i.u.bf16.f32 v5;
	[tilespmem:v9+s21+$0x0] =	vst.idx.add.f32.msk $0xffff, v11;
	v11 =	vmul.f32 v61, v54  }
0x97: {  	v62 =	vunpack.i.l.bf16.f32 v7;
	v5 =	vmul.f32 v5, v54;
	[tilespmem:v9+s22+$0x0] =	vst.idx.add.f32.msk $0xffff, v6  }
0x98: {  	v6 =	vunpack.i.u.bf16.f32 v7;
	v7 =	vmul.f32 v62, v27;
	[tilespmem:v33+s21+$0x0] =	vst.idx.add.f32.msk $0xffff, v11  }
0x99: {  	v9 =	vunpack.i.l.bf16.f32 v8;
	[tilespmem:v33+s22+$0x0] =	vst.idx.add.f32.msk $0xffff, v5;
	v5 =	vmul.f32 v6, v27  }
0x9a: {  	v6 =	vunpack.i.u.bf16.f32 v8;
	[tilespmem:v3+s21+$0x0] =	vst.idx.add.f32.msk $0xffff, v7;
	v7 =	vmul.f32 v9, v28  }
0x9b: {  	v8 =	vunpack.i.l.bf16.f32 v10;
	v6 =	vmul.f32 v6, v28;
	[tilespmem:v3+s22+$0x0] =	vst.idx.add.f32.msk $0xffff, v5  }
0x9c: {  	v11 =	vunpack.i.u.bf16.f32 v60;
	v8 =	vmul.f32 v8, v30;
	v3 =	vunpack.i.u.bf16.f32 v10;
	[tilespmem:v4+s21+$0x0] =	vst.idx.add.f32.msk $0xffff, v7  }
0x9d: {  	v5 =	vunpack.i.u.bf16.f32 v59;
	v7 =	vunpack.i.l.bf16.f32 v59;
	v63 =	vmul.f32 v3, v30;
	[tilespmem:v4+s22+$0x0] =	vst.idx.add.f32.msk $0xffff, v6  }
0x9e: {  	v3 =	vunpack.i.l.bf16.f32 v60;
	v10 =	vmul.f32 v7, v31;
	v9 =	vmul.f32 v5, v31;
	[tilespmem:v57+s21+$0x0] =	vst.idx.add.f32.msk $0xffff, v8  }
0x9f: {  	s29 =	simm.s32 $0x0;
	s30 =	simm.s32 $0xF0C0;
	v5 =	vmul.f32 v3, v34;
	v3 =	vmul.f32 v11, v34;
	[tilespmem:v57+s22+$0x0] =	vst.idx.add.f32.msk $0xffff, v63  }
.LBB2_5:
0xa0: {  	v12 =	vld [tilespmem:s30+$0x30]  }
0xa1: {  	v4 =	vld [tilespmem:s30+$0xFFFFFFD0]  }
0xa2: {  	s29 =	sadd.s32 $0x80, s29;
	v6 =	vld [tilespmem:s30+$0xFFFFFFE0]  }
0xa3: {  	p0 =	slt.u32 s29, $0x1880;
	v13 =	vld [tilespmem:s30+$0xFFFFFFF0]  }
0xa4: {  	v14 =	vld [tilespmem:s30+$0x0]  }
0xa5: {  	v15 =	vld [tilespmem:s30+$0x10];
	v16 =	vand.u32 $0x3FFF, v12  }
0xa6: {  	v8 =	vshra.s32 v4, $0xE;
	v11 =	vand.u32 $0x3FFF, v4;
	v17 =	vld [tilespmem:s30+$0x20]  }
0xa7: {  	v18 =	vld [tilespmem:s30+$0xFFFFFFC0];
	v7 =	vshra.s32 v6, $0xE;
	v19 =	vand.u32 $0x3FFF, v6  }
0xa8: {  	v6 =	vshra.s32 v13, $0xE;
	v13 =	vand.u32 $0x3FFF, v13;
	[tilespmem:v1+s21+$0x0] =	vst.idx.add.f32.msk $0xffff, v10  }
0xa9: {  	v4 =	vshra.s32 v14, $0xE;
	v14 =	vand.u32 $0x3FFF, v14;
	[tilespmem:v1+s22+$0x0] =	vst.idx.add.f32.msk $0xffff, v9  }
0xaa: {  	v1 =	vshra.s32 v15, $0xE;
	v15 =	vand.u32 $0x3FFF, v15;
	v20 =	vld.idx.msk [tilespmem:v16+s3+$0x0], $0xffff  }
0xab: {  	s28 =	sadd.s32 $0x80, s28;
	v21 =	vld.idx.msk [tilespmem:v11+s3+$0x0], $0xffff;
	v10 =	vshra.s32 v17, $0xE;
	v17 =	vand.u32 $0x3FFF, v17  }
0xac: {  	v9 =	vshra.s32 v18, $0xE;
	v18 =	vand.u32 $0x3FFF, v18;
	v22 =	vld [tilespmem:s28+$0x30]  }
0xad: {  	v23 =	vld.idx.msk [tilespmem:v19+s3+$0x0], $0xffff  }
0xae: {  	v12 =	vshra.s32 v12, $0xE;
	v24 =	vld.idx.msk [tilespmem:v13+s3+$0x0], $0xffff  }
0xaf: {  	v25 =	vld.idx.msk [tilespmem:v14+s3+$0x0], $0xffff  }
0xb0: {  	v27 =	vunpack.i.l.bf16.f32 v20;
	v26 =	vld.idx.msk [tilespmem:v15+s3+$0x0], $0xffff  }
0xb1: {  	v20 =	vunpack.i.u.bf16.f32 v20;
	v29 =	vunpack.i.u.bf16.f32 v21;
	v28 =	vld.idx.msk [tilespmem:v18+s3+$0x0], $0xffff;
	v27 =	vmul.f32 v27, v22  }
0xb2: {  	v21 =	vunpack.i.l.bf16.f32 v21;
	v20 =	vmul.f32 v20, v22;
	v30 =	vld.idx.msk [tilespmem:v17+s3+$0x0], $0xffff  }
0xb3: {  	v31 =	vunpack.i.u.bf16.f32 v23;
	v23 =	vunpack.i.l.bf16.f32 v23;
	[tilespmem:v12+s19+$0x0] =	vst.idx.add.f32.msk $0xffff, v27  }
0xb4: {  	v27 =	vunpack.i.u.bf16.f32 v24;
	v24 =	vunpack.i.l.bf16.f32 v24;
	[tilespmem:v12+s20+$0x0] =	vst.idx.add.f32.msk $0xffff, v20  }
0xb5: {  	v20 =	vunpack.i.u.bf16.f32 v25;
	v25 =	vunpack.i.l.bf16.f32 v25;
	v16 =	vld.idx.msk [tilespmem:v16+s13+$0x0], $0xffff  }
0xb6: {  	v33 =	vunpack.i.u.bf16.f32 v26;
	v26 =	vunpack.i.l.bf16.f32 v26;
	v32 =	vld [tilespmem:s28+$0xFFFFFFC0]  }
0xb7: {  	v34 =	vunpack.i.u.bf16.f32 v28;
	v28 =	vunpack.i.l.bf16.f32 v28;
	v35 =	vld [tilespmem:s28+$0xFFFFFFD0]  }
0xb8: {  	v37 =	vunpack.i.u.bf16.f32 v30;
	v30 =	vunpack.i.l.bf16.f32 v30;
	v36 =	vld [tilespmem:s28+$0xFFFFFFE0]  }
0xb9: {  	v38 =	vld [tilespmem:s28+$0xFFFFFFF0]  }
0xba: {  	v39 =	vld [tilespmem:s28+$0x0]  }
0xbb: {  	v41 =	vunpack.i.l.bf16.f32 v16;
	v28 =	vmul.f32 v28, v32;
	v34 =	vmul.f32 v34, v32;
	v40 =	vld [tilespmem:s28+$0x10]  }
0xbc: {  	v16 =	vunpack.i.u.bf16.f32 v16;
	v41 =	vmul.f32 v41, v22;
	v21 =	vmul.f32 v21, v35;
	v42 =	vld [tilespmem:s28+$0x20]  }
0xbd: {  	v16 =	vmul.f32 v16, v22;
	[tilespmem:v9+s19+$0x0] =	vst.idx.add.f32.msk $0xffff, v28;
	v28 =	vmul.f32 v29, v35  }
0xbe: {  	v22 =	vmul.f32 v23, v36;
	v23 =	vmul.f32 v31, v36;
	[tilespmem:v12+s21+$0x0] =	vst.idx.add.f32.msk $0xffff, v41  }
0xbf: {  	v24 =	vmul.f32 v24, v38;
	v27 =	vmul.f32 v27, v38;
	[tilespmem:v12+s22+$0x0] =	vst.idx.add.f32.msk $0xffff, v16  }
0xc0: {  	v12 =	vmul.f32 v25, v39;
	v16 =	vmul.f32 v20, v39;
	[tilespmem:v9+s20+$0x0] =	vst.idx.add.f32.msk $0xffff, v34  }
0xc1: {  	v20 =	vmul.f32 v26, v40;
	[tilespmem:v8+s19+$0x0] =	vst.idx.add.f32.msk $0xffff, v21;
	v21 =	vmul.f32 v33, v40  }
0xc2: {  	v25 =	vmul.f32 v30, v42;
	v26 =	vmul.f32 v37, v42;
	[tilespmem:v8+s20+$0x0] =	vst.idx.add.f32.msk $0xffff, v28  }
0xc3: {  	[tilespmem:v7+s19+$0x0] =	vst.idx.add.f32.msk $0xffff, v22  }
0xc4: {  	[tilespmem:v7+s20+$0x0] =	vst.idx.add.f32.msk $0xffff, v23  }
0xc5: {  	[tilespmem:v6+s19+$0x0] =	vst.idx.add.f32.msk $0xffff, v24  }
0xc6: {  	[tilespmem:v6+s20+$0x0] =	vst.idx.add.f32.msk $0xffff, v27  }
0xc7: {  	[tilespmem:v4+s19+$0x0] =	vst.idx.add.f32.msk $0xffff, v12  }
0xc8: {  	[tilespmem:v4+s20+$0x0] =	vst.idx.add.f32.msk $0xffff, v16  }
0xc9: {  	[tilespmem:v1+s19+$0x0] =	vst.idx.add.f32.msk $0xffff, v20  }
0xca: {  	[tilespmem:v1+s20+$0x0] =	vst.idx.add.f32.msk $0xffff, v21  }
0xcb: {  	[tilespmem:v10+s19+$0x0] =	vst.idx.add.f32.msk $0xffff, v25  }
0xcc: {  	[tilespmem:v10+s20+$0x0] =	vst.idx.add.f32.msk $0xffff, v26  }
0xcd: {  	v12 =	vld.idx.msk [tilespmem:v18+s13+$0x0], $0xffff  }
0xce: {  	v11 =	vld.idx.msk [tilespmem:v11+s13+$0x0], $0xffff  }
0xcf: {  	v16 =	vld.idx.msk [tilespmem:v19+s13+$0x0], $0xffff  }
0xd0: {  	v13 =	vld.idx.msk [tilespmem:v13+s13+$0x0], $0xffff  }
0xd1: {  	v14 =	vld.idx.msk [tilespmem:v14+s13+$0x0], $0xffff  }
0xd2: {  	v15 =	vld.idx.msk [tilespmem:v15+s13+$0x0], $0xffff  }
0xd3: {  	v18 =	vunpack.i.u.bf16.f32 v12;
	v12 =	vunpack.i.l.bf16.f32 v12;
	v17 =	vld.idx.msk [tilespmem:v17+s13+$0x0], $0xffff  }
0xd4: {  	v12 =	vmul.f32 v12, v32;
	v19 =	vunpack.i.u.bf16.f32 v11;
	v11 =	vunpack.i.l.bf16.f32 v11;
	[tilespmem:v2+s21+$0x0] =	vst.idx.add.f32.msk $0xffff, v5  }
0xd5: {  	v5 =	vmul.f32 v18, v32;
	v18 =	vunpack.i.u.bf16.f32 v16;
	v16 =	vunpack.i.l.bf16.f32 v16;
	[tilespmem:v2+s22+$0x0] =	vst.idx.add.f32.msk $0xffff, v3;
	v2 =	vmovc v10  }
0xd6: {  	v3 =	vmul.f32 v11, v35;
	v10 =	vunpack.i.u.bf16.f32 v13;
	v11 =	vunpack.i.l.bf16.f32 v13;
	[tilespmem:v9+s21+$0x0] =	vst.idx.add.f32.msk $0xffff, v12  }
0xd7: {  	v12 =	vunpack.i.l.bf16.f32 v14;
	[tilespmem:v9+s22+$0x0] =	vst.idx.add.f32.msk $0xffff, v5;
	v5 =	vmul.f32 v19, v35;
	v9 =	vunpack.i.u.bf16.f32 v14  }
0xd8: {  	v13 =	vunpack.i.u.bf16.f32 v15;
	v14 =	vunpack.i.l.bf16.f32 v15;
	[tilespmem:v8+s21+$0x0] =	vst.idx.add.f32.msk $0xffff, v3;
	v3 =	vmul.f32 v16, v36  }
0xd9: {  	v15 =	vunpack.i.l.bf16.f32 v17;
	[tilespmem:v8+s22+$0x0] =	vst.idx.add.f32.msk $0xffff, v5;
	v5 =	vmul.f32 v18, v36;
	v8 =	vunpack.i.u.bf16.f32 v17  }
0xda: {  	[tilespmem:v7+s21+$0x0] =	vst.idx.add.f32.msk $0xffff, v3;
	v3 =	vmul.f32 v11, v38;
	v11 =	vmul.f32 v10, v38  }
.Ltmp1:
0xdb: {  	[tilespmem:v7+s22+$0x0] =	vst.idx.add.f32.msk $0xffff, v5;
	v7 =	vmul.f32 v12, v39;
	v12 =	vmul.f32 v9, v39;
	(pc) =	sbr.rel @p0 .LBB2_5-.Ltmp1, $4  }
0xdc: {  	v10 =	vmul.f32 v14, v40;
	v9 =	vmul.f32 v13, v40;
	[tilespmem:v6+s21+$0x0] =	vst.idx.add.f32.msk $0xffff, v3  }
0xdd: {  	v5 =	vmul.f32 v15, v42;
	v3 =	vmul.f32 v8, v42;
	[tilespmem:v6+s22+$0x0] =	vst.idx.add.f32.msk $0xffff, v11  }
0xde: {  	[tilespmem:v4+s21+$0x0] =	vst.idx.add.f32.msk $0xffff, v7  }
0xdf: {  	s30 =	sadd.s32 $0x80, s30;
	[tilespmem:v4+s22+$0x0] =	vst.idx.add.f32.msk $0xffff, v12  }
0xe0: {  	_ =	sdelay $0x3  }
0xe1: {  	[tilespmem:v1+s21+$0x0] =	vst.idx.add.f32.msk $0xffff, v10  }
0xe2: {  	[tilespmem:v2+s21+$0x0] =	vst.idx.add.f32.msk $0xffff, v5  }
0xe3: {  	[tilespmem:v1+s22+$0x0] =	vst.idx.add.f32.msk $0xffff, v9  }
0xe4: {  	[tilespmem:v2+s22+$0x0] =	vst.idx.add.f32.msk $0xffff, v3  }
0xe5: {  	_ =	swait.ge [sflag:s23], $0x1900  }
0xe6: {  	[sflag:s23] =	ssyncset.done $0x0  }
0xe7: {  	p0 =	seq.s32 s25, $0x18;
	[sflag:s23] =	ssyncadd.s32 $0xFFFFE700  }
0xe8: {  	s0 =	sshrl.u32 @!p0 s26, $0x3;
	_ =	swait.ge [sflag:s23], $0x1900  }
0xe9: {  	s28 =	simm.s32 @!p0 $0x0;
	s0 =	sadd.s32 @!p0 $0x640, s0;
	[sflag:s23] =	ssyncset.done $0x0  }
0xea: {  	s29 =	simm.s32 @!p0 $0xF000;
	s26 =	sadd.s32 @!p0 s4, s0;
	[sflag:s23] =	ssyncadd.s32 $0xFFFFE700  }
0xeb: {  	[tilespmem:s29], [sflag:$0x1] =	stream.linear.gather @!p0 [hbm4b:s26+s28], $0x1900, $0x38;
	[tilespmem:$0x15400] =	vst v63  }
0xec: {  	s31 =	simm.s32 $0x10940;
	s0 =	sadd.s32 @!p0 s2, s0;
	s26 =	simm.s32 @!p0 $0x12200  }
0xed: {  	[tilespmem:s26], [sflag:$0x1] =	stream.linear.gather @!p0 [hbm4b:s0+s28], $0x1900, $0x38;
	[tilespmem:$0x15400] =	vst v63  }
0xee: {  	v1 =	vld [tilespmem:s31+$0x30]  }
0xef: {  	v2 =	vld [tilespmem:s31+$0xFFFFFFD0]  }
0xf0: {  	v3 =	vld [tilespmem:s31+$0xFFFFFFE0]  }
0xf1: {  	v4 =	vld [tilespmem:s31+$0xFFFFFFF0]  }
0xf2: {  	v5 =	vld [tilespmem:s31+$0x0]  }
0xf3: {  	v7 =	vld [tilespmem:s31+$0x10]  }
0xf4: {  	v9 =	vld [tilespmem:s31+$0xFFFFFFC0]  }
0xf5: {  	s26 =	simm.s32 $0x13B40;
	v10 =	vld [tilespmem:s31+$0x20];
	v6 =	vand.u32 $0x3FFF, v1  }
0xf6: {  	v18 =	vld [tilespmem:s26+$0x30]  }
0xf7: {  	v53 =	vld [tilespmem:s26+$0xFFFFFFC0]  }
0xf8: {  	v54 =	vld [tilespmem:s26+$0xFFFFFFD0]  }
0xf9: {  	v27 =	vld [tilespmem:s26+$0xFFFFFFE0]  }
0xfa: {  	v8 =	vand.u32 $0x3FFF, v2;
	v14 =	vld.idx.msk [tilespmem:v6+s3+$0x0], $0xffff  }
0xfb: {  	v28 =	vld [tilespmem:s26+$0xFFFFFFF0];
	v12 =	vand.u32 $0x3FFF, v4  }
0xfc: {  	v30 =	vld [tilespmem:s26+$0x0];
	v17 =	vand.u32 $0x3FFF, v9  }
0xfd: {  	v31 =	vld [tilespmem:s26+$0x10];
	v1 =	vshra.s32 v1, $0xE  }
0xfe: {  	v34 =	vld [tilespmem:s26+$0x20]  }
0xff: {  	v16 =	vld.idx.msk [tilespmem:v8+s3+$0x0], $0xffff;
	v24 =	vunpack.i.l.bf16.f32 v14  }
0x100: {  	v11 =	vand.u32 $0x3FFF, v3;
	v21 =	vld.idx.msk [tilespmem:v12+s3+$0x0], $0xffff;
	v14 =	vunpack.i.u.bf16.f32 v14;
	v24 =	vmul.f32 v24, v18  }
0x101: {  	v13 =	vand.u32 $0x3FFF, v5;
	v25 =	vld.idx.msk [tilespmem:v17+s3+$0x0], $0xffff;
	v14 =	vmul.f32 v14, v18  }
0x102: {  	v15 =	vand.u32 $0x3FFF, v7;
	[tilespmem:v1+s19+$0x0] =	vst.idx.add.f32.msk $0xffff, v24  }
0x103: {  	v19 =	vand.u32 $0x3FFF, v10;
	[tilespmem:v1+s20+$0x0] =	vst.idx.add.f32.msk $0xffff, v14  }
0x104: {  	v9 =	vshra.s32 v9, $0xE;
	v6 =	vld.idx.msk [tilespmem:v6+s13+$0x0], $0xffff  }
0x105: {  	v33 =	vshra.s32 v2, $0xE;
	v20 =	vld.idx.msk [tilespmem:v11+s3+$0x0], $0xffff  }
0x106: {  	v4 =	vshra.s32 v4, $0xE;
	v22 =	vld.idx.msk [tilespmem:v13+s3+$0x0], $0xffff;
	v29 =	vunpack.i.l.bf16.f32 v25  }
0x107: {  	v23 =	vld.idx.msk [tilespmem:v15+s3+$0x0], $0xffff;
	v55 =	vunpack.i.l.bf16.f32 v16;
	v29 =	vmul.f32 v29, v53  }
0x108: {  	v57 =	vshra.s32 v5, $0xE;
	v26 =	vld.idx.msk [tilespmem:v19+s3+$0x0], $0xffff;
	v5 =	vunpack.i.l.bf16.f32 v21;
	v56 =	vmul.f32 v55, v54  }
0x109: {  	v5 =	vmul.f32 v5, v28;
	[tilespmem:v9+s19+$0x0] =	vst.idx.add.f32.msk $0xffff, v29;
	v32 =	vunpack.i.l.bf16.f32 v6  }
0x10a: {  	[tilespmem:v33+s19+$0x0] =	vst.idx.add.f32.msk $0xffff, v56;
	v2 =	vunpack.i.u.bf16.f32 v6;
	v6 =	vmul.f32 v32, v18  }
0x10b: {  	v3 =	vshra.s32 v3, $0xE;
	v25 =	vunpack.i.u.bf16.f32 v25;
	[tilespmem:v4+s19+$0x0] =	vst.idx.add.f32.msk $0xffff, v5;
	v2 =	vmul.f32 v2, v18  }
0x10c: {  	v25 =	vmul.f32 v25, v53;
	[tilespmem:v1+s21+$0x0] =	vst.idx.add.f32.msk $0xffff, v6;
	v6 =	vunpack.i.u.bf16.f32 v16  }
0x10d: {  	[tilespmem:v1+s22+$0x0] =	vst.idx.add.f32.msk $0xffff, v2;
	v1 =	vunpack.i.l.bf16.f32 v20;
	v2 =	vmul.f32 v6, v54  }
0x10e: {  	[tilespmem:v9+s20+$0x0] =	vst.idx.add.f32.msk $0xffff, v25;
	v6 =	vunpack.i.u.bf16.f32 v20;
	v1 =	vmul.f32 v1, v27  }
0x10f: {  	v6 =	vmul.f32 v6, v27;
	[tilespmem:v33+s20+$0x0] =	vst.idx.add.f32.msk $0xffff, v2;
	v2 =	vunpack.i.u.bf16.f32 v21  }
0x110: {  	[tilespmem:v3+s19+$0x0] =	vst.idx.add.f32.msk $0xffff, v1;
	v1 =	vshra.s32 v7, $0xE;
	v7 =	vunpack.i.l.bf16.f32 v22;
	v58 =	vmul.f32 v2, v28  }
0x111: {  	[tilespmem:v3+s20+$0x0] =	vst.idx.add.f32.msk $0xffff, v6;
	v6 =	vunpack.i.u.bf16.f32 v22;
	v7 =	vmul.f32 v7, v30  }
0x112: {  	v2 =	vshra.s32 v10, $0xE;
	v6 =	vmul.f32 v6, v30;
	[tilespmem:v4+s20+$0x0] =	vst.idx.add.f32.msk $0xffff, v58  }
0x113: {  	v5 =	vunpack.i.l.bf16.f32 v23;
	[tilespmem:v57+s19+$0x0] =	vst.idx.add.f32.msk $0xffff, v7  }
0x114: {  	v5 =	vmul.f32 v5, v31;
	v7 =	vunpack.i.l.bf16.f32 v26;
	[tilespmem:v57+s20+$0x0] =	vst.idx.add.f32.msk $0xffff, v6  }
0x115: {  	v6 =	vmul.f32 v7, v34;
	v7 =	vld.idx.msk [tilespmem:v11+s13+$0x0], $0xffff  }
0x116: {  	[tilespmem:v1+s19+$0x0] =	vst.idx.add.f32.msk $0xffff, v5;
	v5 =	vunpack.i.u.bf16.f32 v26  }
0x117: {  	v5 =	vmul.f32 v5, v34;
	[tilespmem:v2+s19+$0x0] =	vst.idx.add.f32.msk $0xffff, v6  }
0x118: {  	v10 =	vunpack.i.u.bf16.f32 v23;
	v6 =	vld.idx.msk [tilespmem:v17+s13+$0x0], $0xffff  }
0x119: {  	v10 =	vmul.f32 v10, v31;
	[tilespmem:v2+s20+$0x0] =	vst.idx.add.f32.msk $0xffff, v5  }
0x11a: {  	v5 =	vld.idx.msk [tilespmem:v8+s13+$0x0], $0xffff  }
0x11b: {  	[tilespmem:v1+s20+$0x0] =	vst.idx.add.f32.msk $0xffff, v10  }
0x11c: {  	v10 =	vld.idx.msk [tilespmem:v13+s13+$0x0], $0xffff  }
0x11d: {  	v59 =	vld.idx.msk [tilespmem:v15+s13+$0x0], $0xffff;
	v11 =	vunpack.i.l.bf16.f32 v6  }
0x11e: {  	v8 =	vld.idx.msk [tilespmem:v12+s13+$0x0], $0xffff;
	v6 =	vunpack.i.u.bf16.f32 v6;
	v11 =	vmul.f32 v11, v53  }
0x11f: {  	v60 =	vld.idx.msk [tilespmem:v19+s13+$0x0], $0xffff;
	v6 =	vmul.f32 v6, v53;
	v61 =	vunpack.i.l.bf16.f32 v5  }
0x120: {  	v5 =	vunpack.i.u.bf16.f32 v5;
	[tilespmem:v9+s21+$0x0] =	vst.idx.add.f32.msk $0xffff, v11;
	v11 =	vmul.f32 v61, v54  }
0x121: {  	v62 =	vunpack.i.l.bf16.f32 v7;
	v5 =	vmul.f32 v5, v54;
	[tilespmem:v9+s22+$0x0] =	vst.idx.add.f32.msk $0xffff, v6  }
0x122: {  	v6 =	vunpack.i.u.bf16.f32 v7;
	v7 =	vmul.f32 v62, v27;
	[tilespmem:v33+s21+$0x0] =	vst.idx.add.f32.msk $0xffff, v11  }
0x123: {  	v9 =	vunpack.i.l.bf16.f32 v8;
	[tilespmem:v33+s22+$0x0] =	vst.idx.add.f32.msk $0xffff, v5;
	v5 =	vmul.f32 v6, v27  }
0x124: {  	v6 =	vunpack.i.u.bf16.f32 v8;
	[tilespmem:v3+s21+$0x0] =	vst.idx.add.f32.msk $0xffff, v7;
	v7 =	vmul.f32 v9, v28  }
0x125: {  	v8 =	vunpack.i.l.bf16.f32 v10;
	v6 =	vmul.f32 v6, v28;
	[tilespmem:v3+s22+$0x0] =	vst.idx.add.f32.msk $0xffff, v5  }
0x126: {  	v11 =	vunpack.i.u.bf16.f32 v60;
	v8 =	vmul.f32 v8, v30;
	v3 =	vunpack.i.u.bf16.f32 v10;
	[tilespmem:v4+s21+$0x0] =	vst.idx.add.f32.msk $0xffff, v7  }
0x127: {  	v5 =	vunpack.i.u.bf16.f32 v59;
	v7 =	vunpack.i.l.bf16.f32 v59;
	v63 =	vmul.f32 v3, v30;
	[tilespmem:v4+s22+$0x0] =	vst.idx.add.f32.msk $0xffff, v6  }
0x128: {  	v3 =	vunpack.i.l.bf16.f32 v60;
	v10 =	vmul.f32 v7, v31;
	v9 =	vmul.f32 v5, v31;
	[tilespmem:v57+s21+$0x0] =	vst.idx.add.f32.msk $0xffff, v8  }
0x129: {  	s29 =	simm.s32 $0x109C0;
	s28 =	simm.s32 $0x0;
	v5 =	vmul.f32 v3, v34;
	v3 =	vmul.f32 v11, v34;
	[tilespmem:v57+s22+$0x0] =	vst.idx.add.f32.msk $0xffff, v63  }
.LBB2_7:
0x12a: {  	v12 =	vld [tilespmem:s29+$0x30]  }
0x12b: {  	v4 =	vld [tilespmem:s29+$0xFFFFFFD0]  }
0x12c: {  	s28 =	sadd.s32 $0x80, s28;
	v6 =	vld [tilespmem:s29+$0xFFFFFFE0]  }
0x12d: {  	p0 =	slt.u32 s28, $0x1880;
	v13 =	vld [tilespmem:s29+$0xFFFFFFF0]  }
0x12e: {  	v14 =	vld [tilespmem:s29+$0x0]  }
0x12f: {  	v15 =	vld [tilespmem:s29+$0x10];
	v16 =	vand.u32 $0x3FFF, v12  }
0x130: {  	v8 =	vshra.s32 v4, $0xE;
	v11 =	vand.u32 $0x3FFF, v4;
	v17 =	vld [tilespmem:s29+$0x20]  }
0x131: {  	v18 =	vld [tilespmem:s29+$0xFFFFFFC0];
	v7 =	vshra.s32 v6, $0xE;
	v19 =	vand.u32 $0x3FFF, v6  }
0x132: {  	v6 =	vshra.s32 v13, $0xE;
	v13 =	vand.u32 $0x3FFF, v13;
	[tilespmem:v1+s21+$0x0] =	vst.idx.add.f32.msk $0xffff, v10  }
0x133: {  	v4 =	vshra.s32 v14, $0xE;
	v14 =	vand.u32 $0x3FFF, v14;
	[tilespmem:v1+s22+$0x0] =	vst.idx.add.f32.msk $0xffff, v9  }
0x134: {  	v1 =	vshra.s32 v15, $0xE;
	v15 =	vand.u32 $0x3FFF, v15;
	v20 =	vld.idx.msk [tilespmem:v16+s3+$0x0], $0xffff  }
0x135: {  	s26 =	sadd.s32 $0x80, s26;
	v21 =	vld.idx.msk [tilespmem:v11+s3+$0x0], $0xffff;
	v10 =	vshra.s32 v17, $0xE;
	v17 =	vand.u32 $0x3FFF, v17  }
0x136: {  	v9 =	vshra.s32 v18, $0xE;
	v18 =	vand.u32 $0x3FFF, v18;
	v22 =	vld [tilespmem:s26+$0x30]  }
0x137: {  	v23 =	vld.idx.msk [tilespmem:v19+s3+$0x0], $0xffff  }
0x138: {  	v12 =	vshra.s32 v12, $0xE;
	v24 =	vld.idx.msk [tilespmem:v13+s3+$0x0], $0xffff  }
0x139: {  	v25 =	vld.idx.msk [tilespmem:v14+s3+$0x0], $0xffff  }
0x13a: {  	v27 =	vunpack.i.l.bf16.f32 v20;
	v26 =	vld.idx.msk [tilespmem:v15+s3+$0x0], $0xffff  }
0x13b: {  	v20 =	vunpack.i.u.bf16.f32 v20;
	v29 =	vunpack.i.u.bf16.f32 v21;
	v28 =	vld.idx.msk [tilespmem:v18+s3+$0x0], $0xffff;
	v27 =	vmul.f32 v27, v22  }
0x13c: {  	v21 =	vunpack.i.l.bf16.f32 v21;
	v20 =	vmul.f32 v20, v22;
	v30 =	vld.idx.msk [tilespmem:v17+s3+$0x0], $0xffff  }
0x13d: {  	v31 =	vunpack.i.u.bf16.f32 v23;
	v23 =	vunpack.i.l.bf16.f32 v23;
	[tilespmem:v12+s19+$0x0] =	vst.idx.add.f32.msk $0xffff, v27  }
0x13e: {  	v27 =	vunpack.i.u.bf16.f32 v24;
	v24 =	vunpack.i.l.bf16.f32 v24;
	[tilespmem:v12+s20+$0x0] =	vst.idx.add.f32.msk $0xffff, v20  }
0x13f: {  	v20 =	vunpack.i.u.bf16.f32 v25;
	v25 =	vunpack.i.l.bf16.f32 v25;
	v16 =	vld.idx.msk [tilespmem:v16+s13+$0x0], $0xffff  }
0x140: {  	v33 =	vunpack.i.u.bf16.f32 v26;
	v26 =	vunpack.i.l.bf16.f32 v26;
	v32 =	vld [tilespmem:s26+$0xFFFFFFC0]  }
0x141: {  	v34 =	vunpack.i.u.bf16.f32 v28;
	v28 =	vunpack.i.l.bf16.f32 v28;
	v35 =	vld [tilespmem:s26+$0xFFFFFFD0]  }
0x142: {  	v37 =	vunpack.i.u.bf16.f32 v30;
	v30 =	vunpack.i.l.bf16.f32 v30;
	v36 =	vld [tilespmem:s26+$0xFFFFFFE0]  }
0x143: {  	v38 =	vld [tilespmem:s26+$0xFFFFFFF0]  }
0x144: {  	v39 =	vld [tilespmem:s26+$0x0]  }
0x145: {  	v41 =	vunpack.i.l.bf16.f32 v16;
	v28 =	vmul.f32 v28, v32;
	v34 =	vmul.f32 v34, v32;
	v40 =	vld [tilespmem:s26+$0x10]  }
0x146: {  	v16 =	vunpack.i.u.bf16.f32 v16;
	v41 =	vmul.f32 v41, v22;
	v21 =	vmul.f32 v21, v35;
	v42 =	vld [tilespmem:s26+$0x20]  }
0x147: {  	v16 =	vmul.f32 v16, v22;
	[tilespmem:v9+s19+$0x0] =	vst.idx.add.f32.msk $0xffff, v28;
	v28 =	vmul.f32 v29, v35  }
0x148: {  	v22 =	vmul.f32 v23, v36;
	v23 =	vmul.f32 v31, v36;
	[tilespmem:v12+s21+$0x0] =	vst.idx.add.f32.msk $0xffff, v41  }
0x149: {  	v24 =	vmul.f32 v24, v38;
	v27 =	vmul.f32 v27, v38;
	[tilespmem:v12+s22+$0x0] =	vst.idx.add.f32.msk $0xffff, v16  }
0x14a: {  	v12 =	vmul.f32 v25, v39;
	v16 =	vmul.f32 v20, v39;
	[tilespmem:v9+s20+$0x0] =	vst.idx.add.f32.msk $0xffff, v34  }
0x14b: {  	v20 =	vmul.f32 v26, v40;
	[tilespmem:v8+s19+$0x0] =	vst.idx.add.f32.msk $0xffff, v21;
	v21 =	vmul.f32 v33, v40  }
0x14c: {  	v25 =	vmul.f32 v30, v42;
	v26 =	vmul.f32 v37, v42;
	[tilespmem:v8+s20+$0x0] =	vst.idx.add.f32.msk $0xffff, v28  }
0x14d: {  	[tilespmem:v7+s19+$0x0] =	vst.idx.add.f32.msk $0xffff, v22  }
0x14e: {  	[tilespmem:v7+s20+$0x0] =	vst.idx.add.f32.msk $0xffff, v23  }
0x14f: {  	[tilespmem:v6+s19+$0x0] =	vst.idx.add.f32.msk $0xffff, v24  }
0x150: {  	[tilespmem:v6+s20+$0x0] =	vst.idx.add.f32.msk $0xffff, v27  }
0x151: {  	[tilespmem:v4+s19+$0x0] =	vst.idx.add.f32.msk $0xffff, v12  }
0x152: {  	[tilespmem:v4+s20+$0x0] =	vst.idx.add.f32.msk $0xffff, v16  }
0x153: {  	[tilespmem:v1+s19+$0x0] =	vst.idx.add.f32.msk $0xffff, v20  }
0x154: {  	[tilespmem:v1+s20+$0x0] =	vst.idx.add.f32.msk $0xffff, v21  }
0x155: {  	[tilespmem:v10+s19+$0x0] =	vst.idx.add.f32.msk $0xffff, v25  }
0x156: {  	[tilespmem:v10+s20+$0x0] =	vst.idx.add.f32.msk $0xffff, v26  }
0x157: {  	v12 =	vld.idx.msk [tilespmem:v18+s13+$0x0], $0xffff  }
0x158: {  	v11 =	vld.idx.msk [tilespmem:v11+s13+$0x0], $0xffff  }
0x159: {  	v16 =	vld.idx.msk [tilespmem:v19+s13+$0x0], $0xffff  }
0x15a: {  	v13 =	vld.idx.msk [tilespmem:v13+s13+$0x0], $0xffff  }
0x15b: {  	v14 =	vld.idx.msk [tilespmem:v14+s13+$0x0], $0xffff  }
0x15c: {  	v15 =	vld.idx.msk [tilespmem:v15+s13+$0x0], $0xffff  }
0x15d: {  	v18 =	vunpack.i.u.bf16.f32 v12;
	v12 =	vunpack.i.l.bf16.f32 v12;
	v17 =	vld.idx.msk [tilespmem:v17+s13+$0x0], $0xffff  }
0x15e: {  	v12 =	vmul.f32 v12, v32;
	v19 =	vunpack.i.u.bf16.f32 v11;
	v11 =	vunpack.i.l.bf16.f32 v11;
	[tilespmem:v2+s21+$0x0] =	vst.idx.add.f32.msk $0xffff, v5  }
0x15f: {  	v5 =	vmul.f32 v18, v32;
	v18 =	vunpack.i.u.bf16.f32 v16;
	v16 =	vunpack.i.l.bf16.f32 v16;
	[tilespmem:v2+s22+$0x0] =	vst.idx.add.f32.msk $0xffff, v3;
	v2 =	vmovc v10  }
0x160: {  	v3 =	vmul.f32 v11, v35;
	v10 =	vunpack.i.u.bf16.f32 v13;
	v11 =	vunpack.i.l.bf16.f32 v13;
	[tilespmem:v9+s21+$0x0] =	vst.idx.add.f32.msk $0xffff, v12  }
0x161: {  	v12 =	vunpack.i.l.bf16.f32 v14;
	[tilespmem:v9+s22+$0x0] =	vst.idx.add.f32.msk $0xffff, v5;
	v5 =	vmul.f32 v19, v35;
	v9 =	vunpack.i.u.bf16.f32 v14  }
0x162: {  	v13 =	vunpack.i.u.bf16.f32 v15;
	v14 =	vunpack.i.l.bf16.f32 v15;
	[tilespmem:v8+s21+$0x0] =	vst.idx.add.f32.msk $0xffff, v3;
	v3 =	vmul.f32 v16, v36  }
0x163: {  	v15 =	vunpack.i.l.bf16.f32 v17;
	[tilespmem:v8+s22+$0x0] =	vst.idx.add.f32.msk $0xffff, v5;
	v5 =	vmul.f32 v18, v36;
	v8 =	vunpack.i.u.bf16.f32 v17  }
0x164: {  	[tilespmem:v7+s21+$0x0] =	vst.idx.add.f32.msk $0xffff, v3;
	v3 =	vmul.f32 v11, v38;
	v11 =	vmul.f32 v10, v38  }
.Ltmp2:
0x165: {  	[tilespmem:v7+s22+$0x0] =	vst.idx.add.f32.msk $0xffff, v5;
	v7 =	vmul.f32 v12, v39;
	v12 =	vmul.f32 v9, v39;
	(pc) =	sbr.rel @p0 .LBB2_7-.Ltmp2, $4  }
0x166: {  	v10 =	vmul.f32 v14, v40;
	v9 =	vmul.f32 v13, v40;
	[tilespmem:v6+s21+$0x0] =	vst.idx.add.f32.msk $0xffff, v3  }
0x167: {  	v5 =	vmul.f32 v15, v42;
	v3 =	vmul.f32 v8, v42;
	[tilespmem:v6+s22+$0x0] =	vst.idx.add.f32.msk $0xffff, v11  }
0x168: {  	[tilespmem:v4+s21+$0x0] =	vst.idx.add.f32.msk $0xffff, v7  }
0x169: {  	s29 =	sadd.s32 $0x80, s29;
	[tilespmem:v4+s22+$0x0] =	vst.idx.add.f32.msk $0xffff, v12  }
0x16a: {  	_ = 	snop  }
0x16b: {  	s25 =	sadd.s32 $0x1, s25  }
0x16c: {  	p0 =	sne.s32 s25, $0x19  }
.Ltmp3:
0x16d: {  	_ = 	snop;
	(pc) =	sbr.rel @p0 .LBB2_4-.Ltmp3, $4  }
0x16e: {  	[tilespmem:v1+s21+$0x0] =	vst.idx.add.f32.msk $0xffff, v10  }
0x16f: {  	[tilespmem:v2+s21+$0x0] =	vst.idx.add.f32.msk $0xffff, v5  }
0x170: {  	[tilespmem:v1+s22+$0x0] =	vst.idx.add.f32.msk $0xffff, v9  }
0x171: {  	[tilespmem:v2+s22+$0x0] =	vst.idx.add.f32.msk $0xffff, v3  }
0x172: {  	[hbm4b:s7+s3] =	stream.linear.scatter [tilespmem:s19], [sflag:$0x3], $0x2800, $0x38;
	[tilespmem:$0x15400] =	vst v63  }
0x173: {  	_ =	swait.ge [sflag:s12], $0x2800  }
0x174: {  	[sflag:s12] =	ssyncset.done $0x0  }
0x175: {  	[sflag:s12] =	ssyncadd.s32 $0xFFFFD800  }
0x176: {  	[hbm4b:s8+s3] =	stream.linear.scatter [tilespmem:s20], [sflag:$0x3], $0x2800, $0x38;
	[tilespmem:$0x15400] =	vst v63  }
0x177: {  	_ =	swait.ge [sflag:s12], $0x2800  }
0x178: {  	[sflag:s12] =	ssyncset.done $0x0  }
0x179: {  	[sflag:s12] =	ssyncadd.s32 $0xFFFFD800  }
0x17a: {  	[hbm4b:s9+s3] =	stream.linear.scatter [tilespmem:s21], [sflag:$0x3], $0x2800, $0x38;
	[tilespmem:$0x15400] =	vst v63  }
0x17b: {  	s24 =	sadd.s32 $0x1, s24;
	_ =	swait.ge [sflag:s12], $0x2800  }
0x17c: {  	p0 =	sne.s32 s24, s11;
	[sflag:s12] =	ssyncset.done $0x0  }
.Ltmp4:
0x17d: {  	[sflag:s12] =	ssyncadd.s32 $0xFFFFD800;
	(pc) =	sbr.rel @p0 .LBB2_1-.Ltmp4, $4  }
0x17e: {  	[hbm4b:s10+s3] =	stream.linear.scatter [tilespmem:s22], [sflag:$0x3], $0x2800, $0x38;
	[tilespmem:$0x15400] =	vst v63  }
0x17f: {  	_ =	swait.ge [sflag:s12], $0x2800  }
0x180: {  	[sflag:s12] =	ssyncset.done $0x0  }
0x181: {  	[sflag:s12] =	ssyncadd.s32 $0xFFFFD800  }
0x182: {  	_ =	sfence.sel $0x180000  }
0x183: {  	[bflag:$0x0] =	sbarrier.arrive $0xFFFF  }
0x184: {  	_ =	strace $0x9000004D  }
0x185: {  	[bflag:$0x2] =	sbarrier.arrive $0xFFFF  }
0x186: {  	p0 =	sne.s32 s1, $0x0;
	s0 =	rddreg [dreg:$0x2]  }
0x187: {  	s0 =	sadd.s32 @!p0 $0x100000, s0  }
0x188: {  	[sflag:s0] =	ssyncadd.tile.s32 @!p0 $0x1;
	_ =	shalt  }
.Lfunc_end2:
_tile_overlayer_lowered:
.L_overlay_start_2:
0x189: {  	(tag) =	ssettag $0x2  }
0x18a: {  	s0 =	rddreg [dreg:$0x0];
	s2 =	stileid.u32  }
0x18b: {  	s1 =	rddreg [dreg:$0x1];
	p0 =	sne.s32 s2, $0x0  }
0x18c: {  	s3 =	rddreg [dreg:$0x2];
	[bflag:$0x3] =	sbarrier.arrive $0xFFFF;
	s2 =	simm.s32 @!p0 $0x1C03  }
0x18d: {  	[timem:s3], [sflag:s2] =	dma.local @!p0 [hbm:s0], s1  }
0x18e: {  	s0 =	simm.s32 @!p0 $0x3  }
0x18f: {  	_ =	swait.ge @!p0 [sflag:s0], s1  }
0x190: {  	s1 =	ssub.s32 @!p0 $0x0, s1;
	[sflag:s0] =	ssyncset.done @!p0 $0x0  }
0x191: {  	[sflag:s0] =	ssyncadd.s32 @!p0 s1  }
0x192: {  	[bflag:$0x3] =	sbarrier.arrive $0xFFFF  }
0x193: {  	_ =	shalt  }

// kernel: kernel.9.cloned.1.call-start
scs
__scs_entry_jumppad:
0x0: {  	(pc) =	sbr.rel $0x88, $3  }
0x1: {  	(tag) =	ssettag $0x0;
	lr =	simm.s32 $0x1  }
0x2: {  	[smem:$0x3F91] =	sst lr;
	_ =	strace $0xD0000000  }
0x3: {  	_ = 	snop  }
0x4: {  	_ = 	snop  }
0x5: {  	_ = 	snop  }
0x6: {  	_ = 	snop  }
0x7: {  	_ = 	snop  }
__scs_overlays_trampoline_lowered:
0x8: {  	[smem:$0x3FA0] =	sst s0  }
0x9: {  	[smem:$0x3FA1] =	sst s1  }
0xa: {  	[smem:$0x3FA2] =	sst s2  }
0xb: {  	[smem:$0x3FA3] =	sst s3  }
0xc: {  	[smem:$0x3FA4] =	sst s4  }
0xd: {  	[smem:$0x3FA5] =	sst s5  }
0xe: {  	[smem:$0x3FA6] =	sst s6  }
0xf: {  	[smem:$0x3FA7] =	sst s7  }
0x10: {  	[smem:$0x3FA8] =	sst s8  }
0x11: {  	[smem:$0x3FA9] =	sst s9;
	s0 =	simm.s32 @!p0 $0x0  }
0x12: {  	s1 =	sld [smem:$0x3F8F];
	s0 =	simm.s32 @p0 $0x1  }
0x13: {  	[smem:$0x3FAA] =	sst s0;
	s0 =	simm.s32 @!p1 $0x0  }
0x14: {  	s2 =	sld [smem:$0x3F8E];
	s0 =	simm.s32 @p1 $0x1  }
0x15: {  	[smem:$0x3FAB] =	sst s0;
	s0 =	simm.s32 @!p2 $0x0  }
0x16: {  	s3 =	sld [smem:$0x3FDB];
	s0 =	simm.s32 @p2 $0x1  }
0x17: {  	s4 =	simm.s32 $0x1BF5;
	[smem:$0x3FAD] =	sst s0  }
0x18: {  	s0 =	sld [smem:$0x3F90];
	_ =	swait.ge [sflag:s4], $0x0  }
0x19: {  	s7 =	sld [smem:$0x3F91]  }
0x1a: {  	s8 =	sadd.s32 $0xFFFFE003, lr  }
0x1b: {  	s9 =	sadd.s32 $0xFFFFFEF7, lr;
	s5 =	simm.s32 $0xFFFFFFFF;
	p2 =	slt.u32 s8, $0xFFFFF086  }
0x1c: {  	p1 =	slt.u32 s9, $0xF7A;
	s5 =	simm.s32 @!p2 $0x0  }
0x1d: {  	s5 =	simm.s32 @p1 $0x1;
	p0 =	seq.s32 s7, s2  }
0x1e: {  	s7 =	smul.u32 @!p0 $0xF7A, s2;
	p2 =	seq.s32 @!p0 s5, $0x0  }
0x1f: {  	s9 =	smul.u32 $0xF7A, s1;
	s8 =	simm.s32 @!p0 $0x1BF5;
	p2 =	por !p2, p0  }
0x20: {  	[sflag:s8] =	ssyncset.s32 @!p0 $0xFFFFF086;
	s6 =	sadd.s32 @!p0 s3, s7;
	s7 =	simm.s32 @!p0 $0x108  }
0x21: {  	s3 =	sadd.s32 s3, s9;
	s6 =	sadd.s32 @!p0 $0x88, s6;
	s7 =	simm.s32 @p2 $0x1082  }
0x22: {  	[simem:s7], [sflag:s8] =	dma.local @!p0 [hbm:s6], $0xF7A  }
0x23: {  	s9 =	sor.u32 $0xD0000000, s2;
	s6 =	simm.s32 $0x108;
	_ =	swait.ge @!p0 [sflag:s8], $0x0  }
0x24: {  	s3 =	sadd.s32 $0x88, s3;
	s6 =	simm.s32 @!p1 $0x1082;
	[sflag:s4] =	ssyncset.s32 $0xFFFFF086  }
0x25: {  	[simem:s6], [sflag:s4] =	dma.local [hbm:s3], $0xF7A  }
0x26: {  	[smem:$0x3F91] =	sst s1;
	(tag) =	ssettag s2;
	_ =	strace s9  }
0x27: {  	s1 =	sld [smem:$0x3FA1]  }
0x28: {  	s2 =	sld [smem:$0x3FA2]  }
0x29: {  	s4 =	sld [smem:$0x3FA4]  }
0x2a: {  	p0 =	seq.s32 s5, $0x0;
	s5 =	sld [smem:$0x3FA5]  }
0x2b: {  	s6 =	sld [smem:$0x3FA6]  }
0x2c: {  	s7 =	sld [smem:$0x3FA7]  }
0x2d: {  	s3 =	simm.s32 $0x108;
	s8 =	sld [smem:$0x3FA8]  }
0x2e: {  	s3 =	simm.s32 @!p0 $0x1082;
	s9 =	sld [smem:$0x3FA9]  }
0x2f: {  	lr =	sadd.s32 s0, s3;
	s0 =	sld [smem:$0x3FA0]  }
0x30: {  	s3 =	sld [smem:$0x3FA3]  }
0x31: {  	[smem:$0x3FAC] =	sst s10  }
0x32: {  	s10 =	sld [smem:$0x3FAA];
	_ =	sdelay $0x3  }
0x33: {  	p0 =	seq.s32 s10, $0x1;
	s10 =	sld [smem:$0x3FAC];
	_ =	sdelay $0x3  }
0x34: {  	[smem:$0x3FAC] =	sst s10  }
0x35: {  	s10 =	sld [smem:$0x3FAB];
	_ =	sdelay $0x3  }
0x36: {  	p1 =	seq.s32 s10, $0x1;
	s10 =	sld [smem:$0x3FAC];
	_ =	sdelay $0x3  }
0x37: {  	[smem:$0x3FAC] =	sst s10  }
0x38: {  	s10 =	sld [smem:$0x3FAD]  }
0x39: {  	_ = 	snop;
	(pc) =	sbr.ind lr, $3  }
0x3a: {  	_ = 	snop  }
0x3b: {  	_ = 	snop  }
0x3c: {  	p2 =	seq.s32 s10, $0x1;
	s10 =	sld [smem:$0x3FAC]  }
0x3d: {  	_ =	shalt  }
0x3e: {  	_ =	shalt  }
0x3f: {  	_ =	shalt  }
0x40: {  	_ =	shalt  }
0x41: {  	_ =	shalt  }
0x42: {  	_ =	shalt  }
0x43: {  	_ =	shalt  }
0x44: {  	_ =	shalt  }
0x45: {  	_ =	shalt  }
0x46: {  	_ =	shalt  }
0x47: {  	_ =	shalt  }
0x48: {  	_ =	shalt  }
0x49: {  	_ =	shalt  }
0x4a: {  	_ =	shalt  }
0x4b: {  	_ =	shalt  }
0x4c: {  	_ =	shalt  }
0x4d: {  	_ =	shalt  }
0x4e: {  	_ =	shalt  }
0x4f: {  	_ =	shalt  }
0x50: {  	_ =	shalt  }
0x51: {  	_ =	shalt  }
0x52: {  	_ =	shalt  }
0x53: {  	_ =	shalt  }
0x54: {  	_ =	shalt  }
0x55: {  	_ =	shalt  }
0x56: {  	_ =	shalt  }
0x57: {  	_ =	shalt  }
0x58: {  	_ =	shalt  }
0x59: {  	_ =	shalt  }
0x5a: {  	_ =	shalt  }
0x5b: {  	_ =	shalt  }
0x5c: {  	_ =	shalt  }
0x5d: {  	_ =	shalt  }
0x5e: {  	_ =	shalt  }
0x5f: {  	_ =	shalt  }
0x60: {  	_ =	shalt  }
0x61: {  	_ =	shalt  }
0x62: {  	_ =	shalt  }
0x63: {  	_ =	shalt  }
0x64: {  	_ =	shalt  }
0x65: {  	_ =	shalt  }
0x66: {  	_ =	shalt  }
0x67: {  	_ =	shalt  }
0x68: {  	_ =	shalt  }
0x69: {  	_ =	shalt  }
0x6a: {  	_ =	shalt  }
0x6b: {  	_ =	shalt  }
0x6c: {  	_ =	shalt  }
0x6d: {  	_ =	shalt  }
0x6e: {  	_ =	shalt  }
0x6f: {  	_ =	shalt  }
0x70: {  	_ =	shalt  }
0x71: {  	_ =	shalt  }
0x72: {  	_ =	shalt  }
0x73: {  	_ =	shalt  }
0x74: {  	_ =	shalt  }
0x75: {  	_ =	shalt  }
0x76: {  	_ =	shalt  }
0x77: {  	_ =	shalt  }
0x78: {  	_ =	shalt  }
0x79: {  	_ =	shalt  }
0x7a: {  	_ =	shalt  }
0x7b: {  	_ =	shalt  }
0x7c: {  	_ =	shalt  }
0x7d: {  	_ =	shalt  }
0x7e: {  	_ =	shalt  }
0x7f: {  	_ =	shalt  }
0x80: {  	_ =	shalt  }
0x81: {  	_ =	shalt  }
0x82: {  	_ =	shalt  }
0x83: {  	_ =	shalt  }
0x84: {  	_ =	shalt  }
0x85: {  	_ =	shalt  }
0x86: {  	_ =	shalt  }
0x87: {  	_ =	shalt  }
.Lfunc_end0:
.L_simem_size_0:
called_computation_lowered:
.L_overlay_start_0:
0x88: {  	s2 =	sld [smem:$0x3FD9]  }
0x89: {  	s3 =	sld [smem:$0x3FFE];
	_ =	sdelay $0x1  }
0x8a: {  	s1 =	srdreg.scid  }
0x8b: {  	s0 =	sand.u32 $0x1, s1  }
0x8c: {  	s17 =	sshll.u32 s0, $0xA;
	s2 =	sadd.s32 s3, s2  }
0x8d: {  	s2 =	sadd.s32 s2, s17  }
0x8e: {  	[smem:$0x3FB8] =	sst s2  }
0x8f: {  	_ = 	snop  }
0x90: {  	s2 =	sld [smem:$0x3FC9]  }
0x91: {  	s18 =	sld [smem:$0x3FBA];
	(tm) =	ssettm $0x1  }
0x92: {  	s4 =	sld [smem:$0x3FFB];
	_ =	sdelay $0x3  }
0x93: {  	_ =	strace s4  }
0x94: {  	s4 =	sld [smem:$0x3FFC];
	_ =	sdelay $0x3  }
0x95: {  	_ =	strace s4  }
0x96: {  	s4 =	sld [smem:$0x3FFD];
	_ =	sdelay $0x3  }
0x97: {  	_ =	strace s4  }
0x98: {  	_ =	strace $0x8FFFFFFF  }
0x99: {  	s19 =	sld [smem:$0x3FDB];
	_ =	sdelay $0x1  }
0x9a: {  	s5 =	simm.s32 $_scs_section_size  }
0x9b: {  	s6 =	simm.s32 $_size__tile_overlayer_lowered;
	s7 =	simm.s32 $_tile_overlayer_lowered  }
0x9c: {  	s22 =	simm.s32 $0x1BFF;
	s21 =	sshll.u32 s7, $0x1;
	s4 =	sadd.s32 s5, s19  }
0x9d: {  	s8 =	simm.s32 $0x0;
	s20 =	sshll.u32 s6, $0x1;
	s6 =	sadd.s32 s21, s4  }
0x9e: {  	[timem:s8], [sflag:s22] =	dma.local [hbm:s6], s20  }
0x9f: {  	_ =	swait.ge [sflag:s22], s20  }
0xa0: {  	s5 =	ssub.s32 $0x0, s20;
	[sflag:s22] =	ssyncset.done $0x0  }
0xa1: {  	[sflag:s22] =	ssyncadd.s32 s5;
	_ =	sdelay $0x1  }
0xa2: {  	s23 =	simm.s32 $0x1B8B  }
0xa3: {  	_ =	swait.ge [sflag:s23], $0x1  }
0xa4: {  	[sflag:s23] =	ssyncset.done $0x0  }
0xa5: {  	s25 =	simm.s32 $0x1B8E;
	s24 =	sld [smem:$0x3FFE];
	[sflag:s23] =	ssyncadd.s32 $0xFFFFFFFF  }
0xa6: {  	s26 =	simm.s32 $execute0_lowered;
	[smem:$0x3FD2] =	sst s25  }
0xa7: {  	s6 =	sshll.u32 s26, $0x1;
	_ =	strace $0x80000046;
	[dreg:$0x1] =	wrdreg $0xFFFFFFFF  }
0xa8: {  	s28 =	simm.s32 $_size_execute0_lowered;
	s4 =	sadd.s32 s4, s6;
	[dreg:$0x0] =	wrdreg $0x0  }
0xa9: {  	s6 =	sshll.u32 s28, $0x1;
	[dreg:$0x2] =	wrdreg s4  }
0xaa: {  	[dreg:$0x3] =	wrdreg s6  }
0xab: {  	[dreg:$0x4] =	wrdreg $0xC0  }
0xac: {  	_ =	task [dreg:s8], $0x5FFFF  }
0xad: {  	[dreg:$0x1] =	wrdreg $0xFFFFFFFF  }
0xae: {  	[dreg:$0x0] =	wrdreg $0x60  }
0xaf: {  	[dreg:$0x2] =	wrdreg s2  }
0xb0: {  	[dreg:$0x3] =	wrdreg s24  }
0xb1: {  	[dreg:$0x4] =	wrdreg s18  }
0xb2: {  	[dreg:$0x5] =	wrdreg $0x9  }
0xb3: {  	_ =	task.clear_ibuf [dreg:s8], $0x6FFFF;
	_ =	strace $0x90000046  }
0xb4: {  	s29 =	simm.s32 $0x9;
	_ =	strace $0x80000048  }
0xb5: {  	_ =	swait.ge [sflag:s29], $0x1  }
0xb6: {  	[sflag:s29] =	ssyncadd.s32 $0xFFFFFFFF  }
0xb7: {  	_ =	strace $0x90000048  }
0xb8: {  	_ =	sfence  }
0xb9: {  	s30 =	sld [smem:$0x0];
	_ =	sdelay $0x2  }
0xba: {  	s31 =	sshll.u32 s1, $0xD;
	s1 =	sshrl.u32 s1, $0x2  }
0xbb: {  	s3 =	sand.u32 $0x4000, s31;
	s1 =	sadd.s32 s1, s30  }
0xbc: {  	s0 =	sor.u32 s3, s0;
	s1 =	sshll.u32 s1, $0x11  }
0xbd: {  	s0 =	sor.u32 s1, s0  }
0xbe: {  	s0 =	sadd.s32 $0x8F2B, s0  }
0xbf: {  	[sflag:s0] =	ssyncadd.remote.s32 $0x1  }
0xc0: {  	_ =	sfence.sel $0xFFFF  }
0xc1: {  	[dreg:$0x0] =	wrdreg $0xFFFFFFFF;
	(pc) =	sbr.abs _section_cstart, $3  }
0xc2: {  	[dreg:$0x1] =	wrdreg $0xFFFFFFFF  }
0xc3: {  	_ =	task.clear_ibuf [dreg:s8], $0x2FFFF;
	_ =	strace $0x9FFFFFFF  }
0xc4: {  	(tm) =	ssettm $0x7FFFFFFF  }
0xc5: {  	_ =	shalt  }
tec
execute0_lowered:
.L_overlay_start_1:
0x0: {  	(tag) =	ssettag $0x1  }
0x1: {  	s6 =	rddreg [dreg:$0x0]  }
0x2: {  	s1 =	srdreg.scid;
	s3 =	rddreg [dreg:$0x1]  }
0x3: {  	s0 =	stileid.u32;
	s7 =	rddreg [dreg:$0x2];
	s12 =	simm.s32 $0x180  }
0x4: {  	s11 =	simm.s32 $0x40;
	s15 =	simm.s32 $0x2300;
	s16 =	simm.s32 $0x80  }
0x5: {  	s17 =	simm.s32 $0x4300;
	s18 =	simm.s32 $0xC0;
	s19 =	simm.s32 $0x6300  }
0x6: {  	s20 =	simm.s32 $0x100;
	s21 =	simm.s32 $0x8300;
	s22 =	simm.s32 $0x1C0  }
0x7: {  	s23 =	simm.s32 $0xC300;
	s24 =	simm.s32 $0x200;
	s25 =	simm.s32 $0xE300  }
0x8: {  	s26 =	simm.s32 $0x240;
	s1 =	sand.u32 $0x1, s1;
	s2 =	sshll.u32 s0, $0x1  }
0x9: {  	p0 =	por $0x0, $0x0;
	s4 =	sor.u32 s1, s2;
	s1 =	ssub.s32 $0x2, s1  }
0xa: {  	s28 =	simm.s32 $0x10300;
	s29 =	simm.s32 $0x280;
	s8 =	sshrl.u32 s1, $0x1  }
0xb: {  	s30 =	simm.s32 $0x12300;
	s13 =	simm.s32 $0x1;
	s1 =	ssub.s32 s1, s8  }
0xc: {  	s10 =	simm.s32 $0x2;
	s5 =	smul.u32 $0x28, s4;
	s1 =	smax.u32 s1, $0x1  }
0xd: {  	s2 =	simm.s32 $0x0;
	s4 =	smul.u32 $0x1400, s4;
	p1 =	sne.s32 s1, $0x1  }
.Ltmp0:
0xe: {  	[smem:$0x7FF] =	sst s2;
	s5 =	sadd.s32 s5, s3;
	(pc) =	sbr.rel @!p1 .LBB2_3-.Ltmp0, $4  }
0xf: {  	_ =	strace $0x80000047;
	s3 =	sadd.s32 s4, s3;
	s9 =	sadd.s32 $0x2A00, s5  }
0x10: {  	s14 =	sadd.s32 $0x3000, s5;
	s8 =	sadd.s32 $0x3600, s3;
	s4 =	sadd.s32 $0x2B600, s3  }
0x11: {  	s3 =	simm.s32 $0x3;
	s5 =	simm.s32 $0xA300;
	[dreg:$0x4] =	wrdreg s9  }
0x12: {  	s31 =	sadd.s32 $0xFFFFFFFF, s1;
	s9 =	simm.s32 $0x300;
	s1 =	rddreg [dreg:$0x4]  }
0x13: {  	[tilespmem:s2], [sflag:$0x3] =	stream.linear.gather [hbm4b:s1+s2], $0x140, $0x38;
	[tilespmem:$0x14300] =	vst v63  }
0x14: {  	_ =	swait.ge [sflag:s3], $0x140  }
0x15: {  	[sflag:s3] =	ssyncset.done $0x0  }
0x16: {  	[sflag:s3] =	ssyncadd.s32 $0xFFFFFEC0  }
0x17: {  	[tilespmem:s12], [sflag:$0x3] =	stream.linear.gather [hbm4b:s14+s2], $0x140, $0x38;
	[tilespmem:$0x14300] =	vst v63  }
0x18: {  	_ =	swait.ge [sflag:s3], $0x140  }
0x19: {  	[sflag:s3] =	ssyncset.done $0x0  }
0x1a: {  	[sflag:s3] =	ssyncadd.s32 $0xFFFFFEC0  }
0x1b: {  	[tilespmem:s9], [sflag:$0x1] =	stream.indirect.gather [hbm4b:s6+s11], $0x80, s2, s11, $0xb8;
	[tilespmem:$0x14300] =	vst v63  }
0x1c: {  	_ = 	snop  }
0x1d: {  	[tilespmem:s15], [sflag:$0x1] =	stream.indirect.gather [hbm4b:s6+s11], $0x80, s11, s11, $0xb8;
	[tilespmem:$0x14300] =	vst v63  }
0x1e: {  	_ = 	snop  }
0x1f: {  	[tilespmem:s17], [sflag:$0x1] =	stream.indirect.gather [hbm4b:s6+s11], $0x80, s16, s11, $0xb8;
	[tilespmem:$0x14300] =	vst v63  }
0x20: {  	_ = 	snop  }
0x21: {  	[tilespmem:s19], [sflag:$0x1] =	stream.indirect.gather [hbm4b:s6+s11], $0x80, s18, s11, $0xb8;
	[tilespmem:$0x14300] =	vst v63  }
0x22: {  	_ = 	snop  }
0x23: {  	[tilespmem:s21], [sflag:$0x1] =	stream.indirect.gather [hbm4b:s6+s11], $0x80, s20, s11, $0xb8;
	[tilespmem:$0x14300] =	vst v63  }
0x24: {  	_ = 	snop  }
0x25: {  	[tilespmem:s5], [sflag:$0x2] =	stream.indirect.gather [hbm4b:s7+s11], $0x80, s12, s11, $0xb8;
	[tilespmem:$0x14300] =	vst v63  }
0x26: {  	_ = 	snop  }
0x27: {  	[tilespmem:s23], [sflag:$0x2] =	stream.indirect.gather [hbm4b:s7+s11], $0x80, s22, s11, $0xb8;
	[tilespmem:$0x14300] =	vst v63  }
0x28: {  	_ = 	snop  }
0x29: {  	[tilespmem:s25], [sflag:$0x2] =	stream.indirect.gather [hbm4b:s7+s11], $0x80, s24, s11, $0xb8;
	[tilespmem:$0x14300] =	vst v63  }
0x2a: {  	_ = 	snop  }
0x2b: {  	[tilespmem:s28], [sflag:$0x2] =	stream.indirect.gather [hbm4b:s7+s11], $0x80, s26, s11, $0xb8;
	[tilespmem:$0x14300] =	vst v63  }
0x2c: {  	_ = 	snop  }
0x2d: {  	[tilespmem:s30], [sflag:$0x2] =	stream.indirect.gather [hbm4b:s7+s11], $0x80, s29, s11, $0xb8;
	[tilespmem:$0x14300] =	vst v63  }
0x2e: {  	_ =	swait.ge [sflag:s13], $0x2000  }
0x2f: {  	[sflag:s13] =	ssyncset.done $0x0  }
0x30: {  	[sflag:s13] =	ssyncadd.s32 $0xFFFFE000  }
0x31: {  	_ =	swait.ge [sflag:s13], $0x2000  }
0x32: {  	[sflag:s13] =	ssyncset.done $0x0  }
0x33: {  	[sflag:s13] =	ssyncadd.s32 $0xFFFFE000  }
0x34: {  	_ =	swait.ge [sflag:s13], $0x2000  }
0x35: {  	[sflag:s13] =	ssyncset.done $0x0  }
0x36: {  	[sflag:s13] =	ssyncadd.s32 $0xFFFFE000  }
0x37: {  	_ =	swait.ge [sflag:s13], $0x2000  }
0x38: {  	[sflag:s13] =	ssyncset.done $0x0  }
0x39: {  	[sflag:s13] =	ssyncadd.s32 $0xFFFFE000  }
0x3a: {  	_ =	swait.ge [sflag:s13], $0x2000  }
0x3b: {  	[sflag:s13] =	ssyncset.done $0x0  }
0x3c: {  	[sflag:s13] =	ssyncadd.s32 $0xFFFFE000  }
0x3d: {  	[hbm4b:s8+s2] =	stream.linear.scatter [tilespmem:s9], [sflag:$0x3], $0xA000, $0x38;
	[tilespmem:$0x14300] =	vst v63  }
0x3e: {  	_ =	swait.ge [sflag:s3], $0xA000  }
0x3f: {  	[sflag:s3] =	ssyncset.done $0x0  }
0x40: {  	[sflag:s3] =	ssyncadd.s32 $0xFFFF6000  }
0x41: {  	_ =	swait.ge [sflag:s10], $0x2000  }
0x42: {  	[sflag:s10] =	ssyncset.done $0x0  }
0x43: {  	[sflag:s10] =	ssyncadd.s32 $0xFFFFE000  }
0x44: {  	_ =	swait.ge [sflag:s10], $0x2000  }
0x45: {  	[sflag:s10] =	ssyncset.done $0x0  }
0x46: {  	[sflag:s10] =	ssyncadd.s32 $0xFFFFE000  }
0x47: {  	_ =	swait.ge [sflag:s10], $0x2000  }
0x48: {  	[sflag:s10] =	ssyncset.done $0x0  }
0x49: {  	[sflag:s10] =	ssyncadd.s32 $0xFFFFE000  }
0x4a: {  	_ =	swait.ge [sflag:s10], $0x2000  }
0x4b: {  	[sflag:s10] =	ssyncset.done $0x0  }
0x4c: {  	[sflag:s10] =	ssyncadd.s32 $0xFFFFE000  }
0x4d: {  	p1 =	sne.s32 s31, $0x1;
	_ =	swait.ge [sflag:s10], $0x2000  }
.Ltmp1:
0x4e: {  	[sflag:s10] =	ssyncset.done $0x0;
	(pc) =	sbr.rel @!p1 .LBB2_3-.Ltmp1, $4  }
0x4f: {  	[sflag:s10] =	ssyncadd.s32 $0xFFFFE000  }
0x50: {  	[hbm4b:s4+s2] =	stream.linear.scatter [tilespmem:s5], [sflag:$0x3], $0xA000, $0x38;
	[tilespmem:$0x14300] =	vst v63  }
0x51: {  	s31 =	sadd.s32 $0xFFFFFFFF, s31;
	_ =	swait.ge [sflag:s3], $0xA000  }
0x52: {  	p0 =	por $0x1, $0x1;
	s1 =	rddreg [dreg:$0x4];
	[sflag:s3] =	ssyncset.done $0x0  }
.LBB2_2:
0x53: {  	[sflag:s3] =	ssyncadd.s32 $0xFFFF6000  }
0x54: {  	[tilespmem:s2], [sflag:$0x3] =	stream.linear.gather [hbm4b:s1+s2], $0x140, $0x38;
	[tilespmem:$0x14300] =	vst v63  }
0x55: {  	_ =	swait.ge [sflag:s3], $0x140  }
0x56: {  	[sflag:s3] =	ssyncset.done $0x0  }
0x57: {  	[sflag:s3] =	ssyncadd.s32 $0xFFFFFEC0  }
0x58: {  	[tilespmem:s12], [sflag:$0x3] =	stream.linear.gather [hbm4b:s14+s2], $0x140, $0x38;
	[tilespmem:$0x14300] =	vst v63  }
0x59: {  	_ =	swait.ge [sflag:s3], $0x140  }
0x5a: {  	[sflag:s3] =	ssyncset.done $0x0  }
0x5b: {  	[sflag:s3] =	ssyncadd.s32 $0xFFFFFEC0  }
0x5c: {  	[tilespmem:s9], [sflag:$0x1] =	stream.indirect.gather [hbm4b:s6+s11], $0x80, s2, s11, $0xb8;
	[tilespmem:$0x14300] =	vst v63  }
0x5d: {  	_ = 	snop  }
0x5e: {  	[tilespmem:s15], [sflag:$0x1] =	stream.indirect.gather [hbm4b:s6+s11], $0x80, s11, s11, $0xb8;
	[tilespmem:$0x14300] =	vst v63  }
0x5f: {  	_ = 	snop  }
0x60: {  	[tilespmem:s17], [sflag:$0x1] =	stream.indirect.gather [hbm4b:s6+s11], $0x80, s16, s11, $0xb8;
	[tilespmem:$0x14300] =	vst v63  }
0x61: {  	_ = 	snop  }
0x62: {  	[tilespmem:s19], [sflag:$0x1] =	stream.indirect.gather [hbm4b:s6+s11], $0x80, s18, s11, $0xb8;
	[tilespmem:$0x14300] =	vst v63  }
0x63: {  	_ = 	snop  }
0x64: {  	[tilespmem:s21], [sflag:$0x1] =	stream.indirect.gather [hbm4b:s6+s11], $0x80, s20, s11, $0xb8;
	[tilespmem:$0x14300] =	vst v63  }
0x65: {  	_ = 	snop  }
0x66: {  	[tilespmem:s5], [sflag:$0x2] =	stream.indirect.gather [hbm4b:s7+s11], $0x80, s12, s11, $0xb8;
	[tilespmem:$0x14300] =	vst v63  }
0x67: {  	_ = 	snop  }
0x68: {  	[tilespmem:s23], [sflag:$0x2] =	stream.indirect.gather [hbm4b:s7+s11], $0x80, s22, s11, $0xb8;
	[tilespmem:$0x14300] =	vst v63  }
0x69: {  	_ = 	snop  }
0x6a: {  	[tilespmem:s25], [sflag:$0x2] =	stream.indirect.gather [hbm4b:s7+s11], $0x80, s24, s11, $0xb8;
	[tilespmem:$0x14300] =	vst v63  }
0x6b: {  	_ = 	snop  }
0x6c: {  	[tilespmem:s28], [sflag:$0x2] =	stream.indirect.gather [hbm4b:s7+s11], $0x80, s26, s11, $0xb8;
	[tilespmem:$0x14300] =	vst v63  }
0x6d: {  	_ = 	snop  }
0x6e: {  	[tilespmem:s30], [sflag:$0x2] =	stream.indirect.gather [hbm4b:s7+s11], $0x80, s29, s11, $0xb8;
	[tilespmem:$0x14300] =	vst v63  }
0x6f: {  	_ =	swait.ge [sflag:s13], $0x2000  }
0x70: {  	[sflag:s13] =	ssyncset.done $0x0  }
0x71: {  	[sflag:s13] =	ssyncadd.s32 $0xFFFFE000  }
0x72: {  	_ =	swait.ge [sflag:s13], $0x2000  }
0x73: {  	[sflag:s13] =	ssyncset.done $0x0  }
0x74: {  	[sflag:s13] =	ssyncadd.s32 $0xFFFFE000  }
0x75: {  	_ =	swait.ge [sflag:s13], $0x2000  }
0x76: {  	[sflag:s13] =	ssyncset.done $0x0  }
0x77: {  	[sflag:s13] =	ssyncadd.s32 $0xFFFFE000  }
0x78: {  	_ =	swait.ge [sflag:s13], $0x2000  }
0x79: {  	[sflag:s13] =	ssyncset.done $0x0  }
0x7a: {  	[sflag:s13] =	ssyncadd.s32 $0xFFFFE000  }
0x7b: {  	_ =	swait.ge [sflag:s13], $0x2000  }
0x7c: {  	[sflag:s13] =	ssyncset.done $0x0  }
0x7d: {  	[sflag:s13] =	ssyncadd.s32 $0xFFFFE000  }
0x7e: {  	[hbm4b:s8+s2] =	stream.linear.scatter [tilespmem:s9], [sflag:$0x3], $0xA000, $0x38;
	[tilespmem:$0x14300] =	vst v63  }
0x7f: {  	_ =	swait.ge [sflag:s3], $0xA000  }
0x80: {  	[sflag:s3] =	ssyncset.done $0x0  }
0x81: {  	[sflag:s3] =	ssyncadd.s32 $0xFFFF6000  }
0x82: {  	_ =	swait.ge [sflag:s10], $0x2000  }
0x83: {  	[sflag:s10] =	ssyncset.done $0x0  }
0x84: {  	[sflag:s10] =	ssyncadd.s32 $0xFFFFE000  }
0x85: {  	_ =	swait.ge [sflag:s10], $0x2000  }
0x86: {  	[sflag:s10] =	ssyncset.done $0x0  }
0x87: {  	[sflag:s10] =	ssyncadd.s32 $0xFFFFE000  }
0x88: {  	_ =	swait.ge [sflag:s10], $0x2000  }
0x89: {  	[sflag:s10] =	ssyncset.done $0x0  }
0x8a: {  	[sflag:s10] =	ssyncadd.s32 $0xFFFFE000  }
0x8b: {  	_ =	swait.ge [sflag:s10], $0x2000  }
0x8c: {  	[sflag:s10] =	ssyncset.done $0x0  }
0x8d: {  	[sflag:s10] =	ssyncadd.s32 $0xFFFFE000  }
0x8e: {  	p1 =	sne.s32 s31, $0x1;
	_ =	swait.ge [sflag:s10], $0x2000  }
.Ltmp2:
0x8f: {  	[sflag:s10] =	ssyncset.done $0x0;
	(pc) =	sbr.rel @p1 .LBB2_2-.Ltmp2, $4  }
0x90: {  	[sflag:s10] =	ssyncadd.s32 $0xFFFFE000  }
0x91: {  	[hbm4b:s4+s2] =	stream.linear.scatter [tilespmem:s5], [sflag:$0x3], $0xA000, $0x38;
	[tilespmem:$0x14300] =	vst v63  }
0x92: {  	_ =	swait.ge [sflag:s3], $0xA000  }
0x93: {  	s31 =	sadd.s32 $0xFFFFFFFF, s31;
	s1 =	rddreg [dreg:$0x4];
	[sflag:s3] =	ssyncset.done $0x0  }
.LBB2_3:
0x94: {  	[sflag:s3] =	ssyncadd.s32 @p0 $0xFFFF6000  }
0x95: {  	[tilespmem:s2], [sflag:$0x3] =	stream.linear.gather [hbm4b:s1+s2], $0x140, $0x38;
	[tilespmem:$0x14300] =	vst v63  }
0x96: {  	_ =	swait.ge [sflag:s3], $0x140  }
0x97: {  	[sflag:s3] =	ssyncset.done $0x0  }
0x98: {  	[sflag:s3] =	ssyncadd.s32 $0xFFFFFEC0  }
0x99: {  	[tilespmem:s12], [sflag:$0x3] =	stream.linear.gather [hbm4b:s14+s2], $0x140, $0x38;
	[tilespmem:$0x14300] =	vst v63  }
0x9a: {  	_ =	swait.ge [sflag:s3], $0x140  }
0x9b: {  	[sflag:s3] =	ssyncset.done $0x0  }
0x9c: {  	[sflag:s3] =	ssyncadd.s32 $0xFFFFFEC0  }
0x9d: {  	[tilespmem:s9], [sflag:$0x1] =	stream.indirect.gather [hbm4b:s6+s11], $0x80, s2, s11, $0xb8;
	[tilespmem:$0x14300] =	vst v63  }
0x9e: {  	_ = 	snop  }
0x9f: {  	[tilespmem:s15], [sflag:$0x1] =	stream.indirect.gather [hbm4b:s6+s11], $0x80, s11, s11, $0xb8;
	[tilespmem:$0x14300] =	vst v63  }
0xa0: {  	_ = 	snop  }
0xa1: {  	[tilespmem:s17], [sflag:$0x1] =	stream.indirect.gather [hbm4b:s6+s11], $0x80, s16, s11, $0xb8;
	[tilespmem:$0x14300] =	vst v63  }
0xa2: {  	_ = 	snop  }
0xa3: {  	[tilespmem:s19], [sflag:$0x1] =	stream.indirect.gather [hbm4b:s6+s11], $0x80, s18, s11, $0xb8;
	[tilespmem:$0x14300] =	vst v63  }
0xa4: {  	_ = 	snop  }
0xa5: {  	[tilespmem:s21], [sflag:$0x1] =	stream.indirect.gather [hbm4b:s6+s11], $0x80, s20, s11, $0xb8;
	[tilespmem:$0x14300] =	vst v63  }
0xa6: {  	_ = 	snop  }
0xa7: {  	[tilespmem:s5], [sflag:$0x2] =	stream.indirect.gather [hbm4b:s7+s11], $0x80, s12, s11, $0xb8;
	[tilespmem:$0x14300] =	vst v63  }
0xa8: {  	_ = 	snop  }
0xa9: {  	[tilespmem:s23], [sflag:$0x2] =	stream.indirect.gather [hbm4b:s7+s11], $0x80, s22, s11, $0xb8;
	[tilespmem:$0x14300] =	vst v63  }
0xaa: {  	_ = 	snop  }
0xab: {  	[tilespmem:s25], [sflag:$0x2] =	stream.indirect.gather [hbm4b:s7+s11], $0x80, s24, s11, $0xb8;
	[tilespmem:$0x14300] =	vst v63  }
0xac: {  	_ = 	snop  }
0xad: {  	[tilespmem:s28], [sflag:$0x2] =	stream.indirect.gather [hbm4b:s7+s11], $0x80, s26, s11, $0xb8;
	[tilespmem:$0x14300] =	vst v63  }
0xae: {  	_ = 	snop  }
0xaf: {  	[tilespmem:s30], [sflag:$0x2] =	stream.indirect.gather [hbm4b:s7+s11], $0x80, s29, s11, $0xb8;
	[tilespmem:$0x14300] =	vst v63  }
0xb0: {  	_ =	swait.ge [sflag:s13], $0x2000  }
0xb1: {  	[sflag:s13] =	ssyncset.done $0x0  }
0xb2: {  	[sflag:s13] =	ssyncadd.s32 $0xFFFFE000  }
0xb3: {  	_ =	swait.ge [sflag:s13], $0x2000  }
0xb4: {  	[sflag:s13] =	ssyncset.done $0x0  }
0xb5: {  	[sflag:s13] =	ssyncadd.s32 $0xFFFFE000  }
0xb6: {  	_ =	swait.ge [sflag:s13], $0x2000  }
0xb7: {  	[sflag:s13] =	ssyncset.done $0x0  }
0xb8: {  	[sflag:s13] =	ssyncadd.s32 $0xFFFFE000  }
0xb9: {  	_ =	swait.ge [sflag:s13], $0x2000  }
0xba: {  	[sflag:s13] =	ssyncset.done $0x0  }
0xbb: {  	[sflag:s13] =	ssyncadd.s32 $0xFFFFE000  }
0xbc: {  	_ =	swait.ge [sflag:s13], $0x2000  }
0xbd: {  	[sflag:s13] =	ssyncset.done $0x0  }
0xbe: {  	[sflag:s13] =	ssyncadd.s32 $0xFFFFE000  }
0xbf: {  	[hbm4b:s8+s2] =	stream.linear.scatter [tilespmem:s9], [sflag:$0x3], $0xA000, $0x38;
	[tilespmem:$0x14300] =	vst v63  }
0xc0: {  	_ =	swait.ge [sflag:s3], $0xA000  }
0xc1: {  	[sflag:s3] =	ssyncset.done $0x0  }
0xc2: {  	[sflag:s3] =	ssyncadd.s32 $0xFFFF6000  }
0xc3: {  	_ =	swait.ge [sflag:s10], $0x2000  }
0xc4: {  	[sflag:s10] =	ssyncset.done $0x0  }
0xc5: {  	[sflag:s10] =	ssyncadd.s32 $0xFFFFE000  }
0xc6: {  	_ =	swait.ge [sflag:s10], $0x2000  }
0xc7: {  	[sflag:s10] =	ssyncset.done $0x0  }
0xc8: {  	[sflag:s10] =	ssyncadd.s32 $0xFFFFE000  }
0xc9: {  	_ =	swait.ge [sflag:s10], $0x2000  }
0xca: {  	[sflag:s10] =	ssyncset.done $0x0  }
0xcb: {  	[sflag:s10] =	ssyncadd.s32 $0xFFFFE000  }
0xcc: {  	_ =	swait.ge [sflag:s10], $0x2000  }
0xcd: {  	[sflag:s10] =	ssyncset.done $0x0  }
0xce: {  	[sflag:s10] =	ssyncadd.s32 $0xFFFFE000  }
0xcf: {  	_ =	swait.ge [sflag:s10], $0x2000  }
0xd0: {  	[sflag:s10] =	ssyncset.done $0x0  }
0xd1: {  	[sflag:s10] =	ssyncadd.s32 $0xFFFFE000  }
0xd2: {  	[hbm4b:s4+s2] =	stream.linear.scatter [tilespmem:s5], [sflag:$0x3], $0xA000, $0x38;
	[tilespmem:$0x14300] =	vst v63  }
0xd3: {  	_ =	swait.ge [sflag:s3], $0xA000  }
0xd4: {  	[sflag:s3] =	ssyncset.done $0x0  }
0xd5: {  	[sflag:s3] =	ssyncadd.s32 $0xFFFF6000  }
0xd6: {  	_ =	sfence.sel $0x180000  }
0xd7: {  	[bflag:$0x0] =	sbarrier.arrive $0xFFFF  }
0xd8: {  	_ =	strace $0x90000047  }
0xd9: {  	[bflag:$0x2] =	sbarrier.arrive $0xFFFF  }
0xda: {  	p0 =	sne.s32 s0, $0x0;
	s0 =	rddreg [dreg:$0x3]  }
0xdb: {  	s0 =	sadd.s32 @!p0 $0x100000, s0  }
0xdc: {  	[sflag:s0] =	ssyncadd.tile.s32 @!p0 $0x1;
	_ =	shalt  }
.Lfunc_end2:
_tile_overlayer_lowered:
.L_overlay_start_2:
0xdd: {  	(tag) =	ssettag $0x2  }
0xde: {  	s0 =	rddreg [dreg:$0x0];
	s2 =	stileid.u32  }
0xdf: {  	s1 =	rddreg [dreg:$0x1];
	p0 =	sne.s32 s2, $0x0  }
0xe0: {  	s3 =	rddreg [dreg:$0x2];
	[bflag:$0x3] =	sbarrier.arrive $0xFFFF;
	s2 =	simm.s32 @!p0 $0x1C03  }
0xe1: {  	[timem:s3], [sflag:s2] =	dma.local @!p0 [hbm:s0], s1  }
0xe2: {  	s0 =	simm.s32 @!p0 $0x3  }
0xe3: {  	_ =	swait.ge @!p0 [sflag:s0], s1  }
0xe4: {  	s1 =	ssub.s32 @!p0 $0x0, s1;
	[sflag:s0] =	ssyncset.done @!p0 $0x0  }
0xe5: {  	[sflag:s0] =	ssyncadd.s32 @!p0 s1  }
0xe6: {  	[bflag:$0x3] =	sbarrier.arrive $0xFFFF  }
0xe7: {  	_ =	shalt  }

</sc_bundles>
